<compile_context>
chip_gen: v7x
topology: tpu7x:2x2x1
jax: 0.10.2.dev20260603
libtpu: 0.0.44.dev20260713+nightly
codegen_flags: <defaults>
</compile_context>

<pallas_src>
import jax
import jax.numpy as jnp
from jax import lax
from jax.experimental import pallas as pl
from jax.experimental.pallas import tpu as pltpu
from jax.experimental.pallas import tpu_sc as plsc

NUM_CORES = 2
NUM_SUBCORES = 16
LANES = 16
NW = NUM_CORES * NUM_SUBCORES

BATCH = 16384
EMBED_DIM = 64
B_PER_W = BATCH // NW
CHUNK = 128
NCHUNK = B_PER_W // CHUNK
GROUPS = B_PER_W // LANES


def _sc_kernel(user_input, movie_input, user_emb, user_bias, movie_emb,
               movie_bias, out_hbm, idx_u, idx_m, bidx_u, bidx_m,
               rows_u, rows_m, bias_u, bias_m, out_v, sem):
    wid = lax.axis_index("s") * NUM_CORES + lax.axis_index("c")
    base = wid * B_PER_W

    icopies = []
    for j in range(NCHUNK):
        off = base + j * CHUNK
        icopies.append(pltpu.async_copy(user_input.at[pl.ds(off, CHUNK)], idx_u.at[j], sem))
        icopies.append(pltpu.async_copy(movie_input.at[pl.ds(off, CHUNK)], idx_m.at[j], sem))
    for c in icopies:
        c.wait()
    for j in range(NCHUNK):
        for k in range(CHUNK // LANES):
            s = pl.ds(k * LANES, LANES)
            bidx_u[j, s] = idx_u[j, s] >> 4
            bidx_m[j, s] = idx_m[j, s] >> 4

    copies = []
    for j in range(NCHUNK):
        copies.append(pltpu.async_copy(user_emb.at[idx_u.at[j]], rows_u.at[j], sem))
        copies.append(pltpu.async_copy(movie_emb.at[idx_m.at[j]], rows_m.at[j], sem))
        copies.append(pltpu.async_copy(user_bias.at[bidx_u.at[j]], bias_u.at[j], sem))
        copies.append(pltpu.async_copy(movie_bias.at[bidx_m.at[j]], bias_m.at[j], sem))
    for c in copies:
        c.wait()

    lane = lax.iota(jnp.int32, LANES)

    def group_body(g, carry):
        j = g // (CHUNK // LANES)
        r = (g % (CHUNK // LANES)) * LANES
        jvec = jnp.full((LANES,), j, jnp.int32)
        rows = r + lane
        acc = jnp.zeros((LANES,), jnp.float32)
        for d in range(EMBED_DIM):
            dvec = jnp.full((LANES,), d, jnp.int32)
            u = plsc.load_gather(rows_u, [jvec, rows, dvec])
            m = plsc.load_gather(rows_m, [jvec, rows, dvec])
            acc = acc + u * m
        iu = plsc.load_gather(idx_u, [jvec, rows])
        im = plsc.load_gather(idx_m, [jvec, rows])
        bu = plsc.load_gather(bias_u, [jvec, rows, iu & 15])
        bm = plsc.load_gather(bias_m, [jvec, rows, im & 15])
        x = acc + bu + bm
        y = 1.0 / (1.0 + jnp.exp(-x))
        plsc.store_scatter(out_v, [g * LANES + lane], y)
        return carry

    lax.fori_loop(0, GROUPS, group_body, 0)

    pltpu.sync_copy(out_v, out_hbm.at[pl.ds(base, B_PER_W)])


def kernel(user_input, movie_input, user_emb, user_bias, movie_emb, movie_bias):
    mesh = plsc.VectorSubcoreMesh(
        core_axis_name="c", subcore_axis_name="s",
        num_cores=NUM_CORES, num_subcores=NUM_SUBCORES)
    f = pl.kernel(
        _sc_kernel,
        mesh=mesh,
        compiler_params=pltpu.CompilerParams(
            needs_layout_passes=False, use_tc_tiling_on_sc=False),
        out_type=jax.ShapeDtypeStruct((BATCH,), jnp.float32),
        scratch_types=[
            pltpu.VMEM((NCHUNK, CHUNK), jnp.int32),
            pltpu.VMEM((NCHUNK, CHUNK), jnp.int32),
            pltpu.VMEM((NCHUNK, CHUNK), jnp.int32),
            pltpu.VMEM((NCHUNK, CHUNK), jnp.int32),
            pltpu.VMEM((NCHUNK, CHUNK, EMBED_DIM), jnp.float32),
            pltpu.VMEM((NCHUNK, CHUNK, EMBED_DIM), jnp.float32),
            pltpu.VMEM((NCHUNK, CHUNK, LANES), jnp.float32),
            pltpu.VMEM((NCHUNK, CHUNK, LANES), jnp.float32),
            pltpu.VMEM((B_PER_W,), jnp.float32),
            pltpu.SemaphoreType.DMA,
        ],
    )
    ub16 = user_bias.reshape(user_bias.shape[0] // LANES, LANES)
    mb16 = movie_bias.reshape(movie_bias.shape[0] // LANES, LANES)
    return f(user_input, movie_input, user_emb, ub16, movie_emb, mb16)

# --- scband reference (transcript-rebuilt; emitter-appended) ---
"""Pipeline reference for scband-recommender-net-66838281060506 (READ-ONLY COPY).

The authoritative reference and input builder live on the scoring server;
editing this copy changes nothing except your own understanding.
"""

import jax, jax.numpy as jnp
import numpy as np

NUM_USERS = 1000000
NUM_MOVIES = 100000
EMBED_DIM = 64
BATCH = 16384


def setup_inputs(seed: int = 0) -> dict:
    key = jax.random.key(seed)
    k1, k2, k3, k4, k5, k6 = jax.random.split(key, 6)
    user_input = jax.random.randint(k1, (BATCH,), 0, NUM_USERS, dtype=jnp.int64 if jax.config.jax_enable_x64 else jnp.int32)
    movie_input = jax.random.randint(k2, (BATCH,), 0, NUM_MOVIES, dtype=jnp.int64 if jax.config.jax_enable_x64 else jnp.int32)
    user_emb = jax.random.normal(k3, (NUM_USERS, EMBED_DIM), dtype=jnp.float32) * 0.05
    user_bias = jax.random.normal(k4, (NUM_USERS, 1), dtype=jnp.float32) * 0.05
    movie_emb = jax.random.normal(k5, (NUM_MOVIES, EMBED_DIM), dtype=jnp.float32) * 0.05
    movie_bias = jax.random.normal(k6, (NUM_MOVIES, 1), dtype=jnp.float32) * 0.05
    return {
        "user_input": user_input,
        "movie_input": movie_input,
        "user_emb": user_emb,
        "user_bias": user_bias,
        "movie_emb": movie_emb,
        "movie_bias": movie_bias,
    }


def reference(user_input, movie_input, user_emb, user_bias, movie_emb, movie_bias):
    # embedding lookups (gather)
    user_vec = jnp.take(user_emb, user_input, axis=0)      # [B, D]
    u_bias = jnp.take(user_bias, user_input, axis=0)       # [B, 1]
    movie_vec = jnp.take(movie_emb, movie_input, axis=0)   # [B, D]
    m_bias = jnp.take(movie_bias, movie_input, axis=0)     # [B, 1]
    dot = jnp.sum(user_vec * movie_vec, axis=1)            # [B]
    out = jax.nn.sigmoid(dot + jnp.squeeze(u_bias, axis=1) + jnp.squeeze(m_bias, axis=1))
    return out

if __name__ == "__main__":
    import jax
    _d = setup_inputs()
    print(jax.jit(kernel)(*tuple(_d.values())))

</pallas_src>

<mosaic_0001>
#map = affine_map<(d0, d1) -> (0)>
#map1 = affine_map<(d0, d1) -> (0, 0)>
module attributes {stable_mosaic.version = 14 : i64} {
  func.func @_sc_kernel(%arg0: i32, %arg1: i32, %arg2: memref<16384xi32, #tpu.memory_space<hbm>>, %arg3: memref<16384xi32, #tpu.memory_space<hbm>>, %arg4: memref<1000000x64xf32, #tpu.memory_space<hbm>>, %arg5: memref<62500x16xf32, #tpu.memory_space<hbm>>, %arg6: memref<100000x64xf32, #tpu.memory_space<hbm>>, %arg7: memref<6250x16xf32, #tpu.memory_space<hbm>>, %arg8: memref<16384xf32, #tpu.memory_space<hbm>>, %arg9: memref<4x128xi32, #tpu.memory_space<vmem>>, %arg10: memref<4x128xi32, #tpu.memory_space<vmem>>, %arg11: memref<4x128xi32, #tpu.memory_space<vmem>>, %arg12: memref<4x128xi32, #tpu.memory_space<vmem>>, %arg13: memref<4x128x64xf32, #tpu.memory_space<vmem>>, %arg14: memref<4x128x64xf32, #tpu.memory_space<vmem>>, %arg15: memref<4x128x16xf32, #tpu.memory_space<vmem>>, %arg16: memref<4x128x16xf32, #tpu.memory_space<vmem>>, %arg17: memref<512xf32, #tpu.memory_space<vmem>>, %arg18: memref<!tpu.dma_semaphore, #tpu.memory_space<semaphore_mem>>) attributes {dimension_semantics = [#tpu.dimension_semantics<core_parallel>, #tpu.dimension_semantics<subcore_parallel>], iteration_bounds = array<i64: 2, 16>, scalar_prefetch = 0 : i64, scratch_operands = 10 : i64, tpu.core_type = #tpu.core_type<sc_vector_subcore>, window_params = [{transform_indices = #map}, {transform_indices = #map}, {transform_indices = #map1}, {transform_indices = #map1}, {transform_indices = #map1}, {transform_indices = #map1}, {transform_indices = #map}]} {
    %mul3A = arith.constant 2 : i32
    %mul3A_0 = arith.muli %arg1, %mul3A : i32
    %add3A = arith.addi %mul3A_0, %arg0 : i32
    %mul3A_1 = arith.constant 512 : i32
    %mul3A_2 = arith.muli %add3A, %mul3A_1 : i32
    %add3A_3 = arith.constant 0 : i32
    %add3A_4 = arith.addi %mul3A_2, %add3A_3 : i32
    %dma_start3A = arith.constant 0 : i32
    %dma_start3A_5 = arith.constant 0 : i32
    %dma_start3A_6 = tpu.memref_slice %arg9[%dma_start3A, %dma_start3A_5] : memref<4x128xi32, #tpu.memory_space<vmem>> -> memref<1x128xi32, #tpu.memory_space<vmem>>
    %dma_start3A_7 = tpu.memref_squeeze %dma_start3A_6 : memref<1x128xi32, #tpu.memory_space<vmem>> -> memref<128xi32, #tpu.memory_space<vmem>>
    %dma_start3A_8 = tpu.memref_slice %arg2[%add3A_4] : memref<16384xi32, #tpu.memory_space<hbm>> -> memref<128xi32, #tpu.memory_space<hbm>>
    %dma_start3A_9 = arith.constant 0 : i32
    %dma_start3A_10 = tpu.memref_slice %arg9[%dma_start3A, %dma_start3A_9] : memref<4x128xi32, #tpu.memory_space<vmem>> -> memref<1x128xi32, #tpu.memory_space<vmem>>
    %dma_start3A_11 = tpu.memref_squeeze %dma_start3A_10 : memref<1x128xi32, #tpu.memory_space<vmem>> -> memref<128xi32, #tpu.memory_space<vmem>>
    %dma_start3A_12 = tpu.memref_slice %arg2[%add3A_4] : memref<16384xi32, #tpu.memory_space<hbm>> -> memref<128xi32, #tpu.memory_space<hbm>>
    tpu.enqueue_dma source(%dma_start3A_12 : memref<128xi32, #tpu.memory_space<hbm>>) target(%dma_start3A_11 : memref<128xi32, #tpu.memory_space<vmem>>) target_semaphore(%arg18 : memref<!tpu.dma_semaphore, #tpu.memory_space<semaphore_mem>>)
    %dma_start3A_13 = arith.constant 0 : i32
    %dma_start3A_14 = arith.constant 0 : i32
    %dma_start3A_15 = tpu.memref_slice %arg10[%dma_start3A_13, %dma_start3A_14] : memref<4x128xi32, #tpu.memory_space<vmem>> -> memref<1x128xi32, #tpu.memory_space<vmem>>
    %dma_start3A_16 = tpu.memref_squeeze %dma_start3A_15 : memref<1x128xi32, #tpu.memory_space<vmem>> -> memref<128xi32, #tpu.memory_space<vmem>>
    %dma_start3A_17 = tpu.memref_slice %arg3[%add3A_4] : memref<16384xi32, #tpu.memory_space<hbm>> -> memref<128xi32, #tpu.memory_space<hbm>>
    %dma_start3A_18 = arith.constant 0 : i32
    %dma_start3A_19 = tpu.memref_slice %arg10[%dma_start3A_13, %dma_start3A_18] : memref<4x128xi32, #tpu.memory_space<vmem>> -> memref<1x128xi32, #tpu.memory_space<vmem>>
    %dma_start3A_20 = tpu.memref_squeeze %dma_start3A_19 : memref<1x128xi32, #tpu.memory_space<vmem>> -> memref<128xi32, #tpu.memory_space<vmem>>
    %dma_start3A_21 = tpu.memref_slice %arg3[%add3A_4] : memref<16384xi32, #tpu.memory_space<hbm>> -> memref<128xi32, #tpu.memory_space<hbm>>
    tpu.enqueue_dma source(%dma_start3A_21 : memref<128xi32, #tpu.memory_space<hbm>>) target(%dma_start3A_20 : memref<128xi32, #tpu.memory_space<vmem>>) target_semaphore(%arg18 : memref<!tpu.dma_semaphore, #tpu.memory_space<semaphore_mem>>)
    %add3A_22 = arith.constant 128 : i32
    %add3A_23 = arith.addi %mul3A_2, %add3A_22 : i32
    %dma_start3A_24 = arith.constant 1 : i32
    %dma_start3A_25 = arith.constant 0 : i32
    %dma_start3A_26 = tpu.memref_slice %arg9[%dma_start3A_24, %dma_start3A_25] : memref<4x128xi32, #tpu.memory_space<vmem>> -> memref<1x128xi32, #tpu.memory_space<vmem>>
    %dma_start3A_27 = tpu.memref_squeeze %dma_start3A_26 : memref<1x128xi32, #tpu.memory_space<vmem>> -> memref<128xi32, #tpu.memory_space<vmem>>
    %dma_start3A_28 = tpu.memref_slice %arg2[%add3A_23] : memref<16384xi32, #tpu.memory_space<hbm>> -> memref<128xi32, #tpu.memory_space<hbm>>
    %dma_start3A_29 = arith.constant 0 : i32
    %dma_start3A_30 = tpu.memref_slice %arg9[%dma_start3A_24, %dma_start3A_29] : memref<4x128xi32, #tpu.memory_space<vmem>> -> memref<1x128xi32, #tpu.memory_space<vmem>>
    %dma_start3A_31 = tpu.memref_squeeze %dma_start3A_30 : memref<1x128xi32, #tpu.memory_space<vmem>> -> memref<128xi32, #tpu.memory_space<vmem>>
    %dma_start3A_32 = tpu.memref_slice %arg2[%add3A_23] : memref<16384xi32, #tpu.memory_space<hbm>> -> memref<128xi32, #tpu.memory_space<hbm>>
    tpu.enqueue_dma source(%dma_start3A_32 : memref<128xi32, #tpu.memory_space<hbm>>) target(%dma_start3A_31 : memref<128xi32, #tpu.memory_space<vmem>>) target_semaphore(%arg18 : memref<!tpu.dma_semaphore, #tpu.memory_space<semaphore_mem>>)
    %dma_start3A_33 = arith.constant 1 : i32
    %dma_start3A_34 = arith.constant 0 : i32
    %dma_start3A_35 = tpu.memref_slice %arg10[%dma_start3A_33, %dma_start3A_34] : memref<4x128xi32, #tpu.memory_space<vmem>> -> memref<1x128xi32, #tpu.memory_space<vmem>>
    %dma_start3A_36 = tpu.memref_squeeze %dma_start3A_35 : memref<1x128xi32, #tpu.memory_space<vmem>> -> memref<128xi32, #tpu.memory_space<vmem>>
    %dma_start3A_37 = tpu.memref_slice %arg3[%add3A_23] : memref<16384xi32, #tpu.memory_space<hbm>> -> memref<128xi32, #tpu.memory_space<hbm>>
    %dma_start3A_38 = arith.constant 0 : i32
    %dma_start3A_39 = tpu.memref_slice %arg10[%dma_start3A_33, %dma_start3A_38] : memref<4x128xi32, #tpu.memory_space<vmem>> -> memref<1x128xi32, #tpu.memory_space<vmem>>
    %dma_start3A_40 = tpu.memref_squeeze %dma_start3A_39 : memref<1x128xi32, #tpu.memory_space<vmem>> -> memref<128xi32, #tpu.memory_space<vmem>>
    %dma_start3A_41 = tpu.memref_slice %arg3[%add3A_23] : memref<16384xi32, #tpu.memory_space<hbm>> -> memref<128xi32, #tpu.memory_space<hbm>>
    tpu.enqueue_dma source(%dma_start3A_41 : memref<128xi32, #tpu.memory_space<hbm>>) target(%dma_start3A_40 : memref<128xi32, #tpu.memory_space<vmem>>) target_semaphore(%arg18 : memref<!tpu.dma_semaphore, #tpu.memory_space<semaphore_mem>>)
    %add3A_42 = arith.constant 256 : i32
    %add3A_43 = arith.addi %mul3A_2, %add3A_42 : i32
    %dma_start3A_44 = arith.constant 2 : i32
    %dma_start3A_45 = arith.constant 0 : i32
    %dma_start3A_46 = tpu.memref_slice %arg9[%dma_start3A_44, %dma_start3A_45] : memref<4x128xi32, #tpu.memory_space<vmem>> -> memref<1x128xi32, #tpu.memory_space<vmem>>
    %dma_start3A_47 = tpu.memref_squeeze %dma_start3A_46 : memref<1x128xi32, #tpu.memory_space<vmem>> -> memref<128xi32, #tpu.memory_space<vmem>>
    %dma_start3A_48 = tpu.memref_slice %arg2[%add3A_43] : memref<16384xi32, #tpu.memory_space<hbm>> -> memref<128xi32, #tpu.memory_space<hbm>>
    %dma_start3A_49 = arith.constant 0 : i32
    %dma_start3A_50 = tpu.memref_slice %arg9[%dma_start3A_44, %dma_start3A_49] : memref<4x128xi32, #tpu.memory_space<vmem>> -> memref<1x128xi32, #tpu.memory_space<vmem>>
    %dma_start3A_51 = tpu.memref_squeeze %dma_start3A_50 : memref<1x128xi32, #tpu.memory_space<vmem>> -> memref<128xi32, #tpu.memory_space<vmem>>
    %dma_start3A_52 = tpu.memref_slice %arg2[%add3A_43] : memref<16384xi32, #tpu.memory_space<hbm>> -> memref<128xi32, #tpu.memory_space<hbm>>
    tpu.enqueue_dma source(%dma_start3A_52 : memref<128xi32, #tpu.memory_space<hbm>>) target(%dma_start3A_51 : memref<128xi32, #tpu.memory_space<vmem>>) target_semaphore(%arg18 : memref<!tpu.dma_semaphore, #tpu.memory_space<semaphore_mem>>)
    %dma_start3A_53 = arith.constant 2 : i32
    %dma_start3A_54 = arith.constant 0 : i32
    %dma_start3A_55 = tpu.memref_slice %arg10[%dma_start3A_53, %dma_start3A_54] : memref<4x128xi32, #tpu.memory_space<vmem>> -> memref<1x128xi32, #tpu.memory_space<vmem>>
    %dma_start3A_56 = tpu.memref_squeeze %dma_start3A_55 : memref<1x128xi32, #tpu.memory_space<vmem>> -> memref<128xi32, #tpu.memory_space<vmem>>
    %dma_start3A_57 = tpu.memref_slice %arg3[%add3A_43] : memref<16384xi32, #tpu.memory_space<hbm>> -> memref<128xi32, #tpu.memory_space<hbm>>
    %dma_start3A_58 = arith.constant 0 : i32
    %dma_start3A_59 = tpu.memref_slice %arg10[%dma_start3A_53, %dma_start3A_58] : memref<4x128xi32, #tpu.memory_space<vmem>> -> memref<1x128xi32, #tpu.memory_space<vmem>>
    %dma_start3A_60 = tpu.memref_squeeze %dma_start3A_59 : memref<1x128xi32, #tpu.memory_space<vmem>> -> memref<128xi32, #tpu.memory_space<vmem>>
    %dma_start3A_61 = tpu.memref_slice %arg3[%add3A_43] : memref<16384xi32, #tpu.memory_space<hbm>> -> memref<128xi32, #tpu.memory_space<hbm>>
    tpu.enqueue_dma source(%dma_start3A_61 : memref<128xi32, #tpu.memory_space<hbm>>) target(%dma_start3A_60 : memref<128xi32, #tpu.memory_space<vmem>>) target_semaphore(%arg18 : memref<!tpu.dma_semaphore, #tpu.memory_space<semaphore_mem>>)
    %add3A_62 = arith.constant 384 : i32
    %add3A_63 = arith.addi %mul3A_2, %add3A_62 : i32
    %dma_start3A_64 = arith.constant 3 : i32
    %dma_start3A_65 = arith.constant 0 : i32
    %dma_start3A_66 = tpu.memref_slice %arg9[%dma_start3A_64, %dma_start3A_65] : memref<4x128xi32, #tpu.memory_space<vmem>> -> memref<1x128xi32, #tpu.memory_space<vmem>>
    %dma_start3A_67 = tpu.memref_squeeze %dma_start3A_66 : memref<1x128xi32, #tpu.memory_space<vmem>> -> memref<128xi32, #tpu.memory_space<vmem>>
    %dma_start3A_68 = tpu.memref_slice %arg2[%add3A_63] : memref<16384xi32, #tpu.memory_space<hbm>> -> memref<128xi32, #tpu.memory_space<hbm>>
    %dma_start3A_69 = arith.constant 0 : i32
    %dma_start3A_70 = tpu.memref_slice %arg9[%dma_start3A_64, %dma_start3A_69] : memref<4x128xi32, #tpu.memory_space<vmem>> -> memref<1x128xi32, #tpu.memory_space<vmem>>
    %dma_start3A_71 = tpu.memref_squeeze %dma_start3A_70 : memref<1x128xi32, #tpu.memory_space<vmem>> -> memref<128xi32, #tpu.memory_space<vmem>>
    %dma_start3A_72 = tpu.memref_slice %arg2[%add3A_63] : memref<16384xi32, #tpu.memory_space<hbm>> -> memref<128xi32, #tpu.memory_space<hbm>>
    tpu.enqueue_dma source(%dma_start3A_72 : memref<128xi32, #tpu.memory_space<hbm>>) target(%dma_start3A_71 : memref<128xi32, #tpu.memory_space<vmem>>) target_semaphore(%arg18 : memref<!tpu.dma_semaphore, #tpu.memory_space<semaphore_mem>>)
    %dma_start3A_73 = arith.constant 3 : i32
    %dma_start3A_74 = arith.constant 0 : i32
    %dma_start3A_75 = tpu.memref_slice %arg10[%dma_start3A_73, %dma_start3A_74] : memref<4x128xi32, #tpu.memory_space<vmem>> -> memref<1x128xi32, #tpu.memory_space<vmem>>
    %dma_start3A_76 = tpu.memref_squeeze %dma_start3A_75 : memref<1x128xi32, #tpu.memory_space<vmem>> -> memref<128xi32, #tpu.memory_space<vmem>>
    %dma_start3A_77 = tpu.memref_slice %arg3[%add3A_63] : memref<16384xi32, #tpu.memory_space<hbm>> -> memref<128xi32, #tpu.memory_space<hbm>>
    %dma_start3A_78 = arith.constant 0 : i32
    %dma_start3A_79 = tpu.memref_slice %arg10[%dma_start3A_73, %dma_start3A_78] : memref<4x128xi32, #tpu.memory_space<vmem>> -> memref<1x128xi32, #tpu.memory_space<vmem>>
    %dma_start3A_80 = tpu.memref_squeeze %dma_start3A_79 : memref<1x128xi32, #tpu.memory_space<vmem>> -> memref<128xi32, #tpu.memory_space<vmem>>
    %dma_start3A_81 = tpu.memref_slice %arg3[%add3A_63] : memref<16384xi32, #tpu.memory_space<hbm>> -> memref<128xi32, #tpu.memory_space<hbm>>
    tpu.enqueue_dma source(%dma_start3A_81 : memref<128xi32, #tpu.memory_space<hbm>>) target(%dma_start3A_80 : memref<128xi32, #tpu.memory_space<vmem>>) target_semaphore(%arg18 : memref<!tpu.dma_semaphore, #tpu.memory_space<semaphore_mem>>)
    %dma_wait3A = arith.constant 0 : i32
    %dma_wait3A_82 = arith.constant 0 : i32
    %dma_wait3A_83 = tpu.memref_slice %arg9[%dma_wait3A, %dma_wait3A_82] : memref<4x128xi32, #tpu.memory_space<vmem>> -> memref<1x128xi32, #tpu.memory_space<vmem>>
    %dma_wait3A_84 = tpu.memref_squeeze %dma_wait3A_83 : memref<1x128xi32, #tpu.memory_space<vmem>> -> memref<128xi32, #tpu.memory_space<vmem>>
    %dma_wait3A_85 = tpu.memref_slice %arg2[%add3A_4] : memref<16384xi32, #tpu.memory_space<hbm>> -> memref<128xi32, #tpu.memory_space<hbm>>
    %dma_wait3A_86 = arith.constant 0 : i32
    %dma_wait3A_87 = tpu.memref_slice %arg9[%dma_wait3A, %dma_wait3A_86] : memref<4x128xi32, #tpu.memory_space<vmem>> -> memref<1x128xi32, #tpu.memory_space<vmem>>
    %dma_wait3A_88 = tpu.memref_squeeze %dma_wait3A_87 : memref<1x128xi32, #tpu.memory_space<vmem>> -> memref<128xi32, #tpu.memory_space<vmem>>
    %dma_wait3A_89 = tpu.memref_slice %arg2[%add3A_4] : memref<16384xi32, #tpu.memory_space<hbm>> -> memref<128xi32, #tpu.memory_space<hbm>>
    tpu.wait_dma2 semaphore(%arg18 : memref<!tpu.dma_semaphore, #tpu.memory_space<semaphore_mem>>) src(%dma_wait3A_89 : memref<128xi32, #tpu.memory_space<hbm>>) dst(%dma_wait3A_88 : memref<128xi32, #tpu.memory_space<vmem>>)
    %dma_wait3A_90 = arith.constant 0 : i32
    %dma_wait3A_91 = arith.constant 0 : i32
    %dma_wait3A_92 = tpu.memref_slice %arg10[%dma_wait3A_90, %dma_wait3A_91] : memref<4x128xi32, #tpu.memory_space<vmem>> -> memref<1x128xi32, #tpu.memory_space<vmem>>
    %dma_wait3A_93 = tpu.memref_squeeze %dma_wait3A_92 : memref<1x128xi32, #tpu.memory_space<vmem>> -> memref<128xi32, #tpu.memory_space<vmem>>
    %dma_wait3A_94 = tpu.memref_slice %arg3[%add3A_4] : memref<16384xi32, #tpu.memory_space<hbm>> -> memref<128xi32, #tpu.memory_space<hbm>>
    %dma_wait3A_95 = arith.constant 0 : i32
    %dma_wait3A_96 = tpu.memref_slice %arg10[%dma_wait3A_90, %dma_wait3A_95] : memref<4x128xi32, #tpu.memory_space<vmem>> -> memref<1x128xi32, #tpu.memory_space<vmem>>
    %dma_wait3A_97 = tpu.memref_squeeze %dma_wait3A_96 : memref<1x128xi32, #tpu.memory_space<vmem>> -> memref<128xi32, #tpu.memory_space<vmem>>
    %dma_wait3A_98 = tpu.memref_slice %arg3[%add3A_4] : memref<16384xi32, #tpu.memory_space<hbm>> -> memref<128xi32, #tpu.memory_space<hbm>>
    tpu.wait_dma2 semaphore(%arg18 : memref<!tpu.dma_semaphore, #tpu.memory_space<semaphore_mem>>) src(%dma_wait3A_98 : memref<128xi32, #tpu.memory_space<hbm>>) dst(%dma_wait3A_97 : memref<128xi32, #tpu.memory_space<vmem>>)
    %dma_wait3A_99 = arith.constant 1 : i32
    %dma_wait3A_100 = arith.constant 0 : i32
    %dma_wait3A_101 = tpu.memref_slice %arg9[%dma_wait3A_99, %dma_wait3A_100] : memref<4x128xi32, #tpu.memory_space<vmem>> -> memref<1x128xi32, #tpu.memory_space<vmem>>
    %dma_wait3A_102 = tpu.memref_squeeze %dma_wait3A_101 : memref<1x128xi32, #tpu.memory_space<vmem>> -> memref<128xi32, #tpu.memory_space<vmem>>
    %dma_wait3A_103 = tpu.memref_slice %arg2[%add3A_23] : memref<16384xi32, #tpu.memory_space<hbm>> -> memref<128xi32, #tpu.memory_space<hbm>>
    %dma_wait3A_104 = arith.constant 0 : i32
    %dma_wait3A_105 = tpu.memref_slice %arg9[%dma_wait3A_99, %dma_wait3A_104] : memref<4x128xi32, #tpu.memory_space<vmem>> -> memref<1x128xi32, #tpu.memory_space<vmem>>
    %dma_wait3A_106 = tpu.memref_squeeze %dma_wait3A_105 : memref<1x128xi32, #tpu.memory_space<vmem>> -> memref<128xi32, #tpu.memory_space<vmem>>
    %dma_wait3A_107 = tpu.memref_slice %arg2[%add3A_23] : memref<16384xi32, #tpu.memory_space<hbm>> -> memref<128xi32, #tpu.memory_space<hbm>>
    tpu.wait_dma2 semaphore(%arg18 : memref<!tpu.dma_semaphore, #tpu.memory_space<semaphore_mem>>) src(%dma_wait3A_107 : memref<128xi32, #tpu.memory_space<hbm>>) dst(%dma_wait3A_106 : memref<128xi32, #tpu.memory_space<vmem>>)
    %dma_wait3A_108 = arith.constant 1 : i32
    %dma_wait3A_109 = arith.constant 0 : i32
    %dma_wait3A_110 = tpu.memref_slice %arg10[%dma_wait3A_108, %dma_wait3A_109] : memref<4x128xi32, #tpu.memory_space<vmem>> -> memref<1x128xi32, #tpu.memory_space<vmem>>
    %dma_wait3A_111 = tpu.memref_squeeze %dma_wait3A_110 : memref<1x128xi32, #tpu.memory_space<vmem>> -> memref<128xi32, #tpu.memory_space<vmem>>
    %dma_wait3A_112 = tpu.memref_slice %arg3[%add3A_23] : memref<16384xi32, #tpu.memory_space<hbm>> -> memref<128xi32, #tpu.memory_space<hbm>>
    %dma_wait3A_113 = arith.constant 0 : i32
    %dma_wait3A_114 = tpu.memref_slice %arg10[%dma_wait3A_108, %dma_wait3A_113] : memref<4x128xi32, #tpu.memory_space<vmem>> -> memref<1x128xi32, #tpu.memory_space<vmem>>
    %dma_wait3A_115 = tpu.memref_squeeze %dma_wait3A_114 : memref<1x128xi32, #tpu.memory_space<vmem>> -> memref<128xi32, #tpu.memory_space<vmem>>
    %dma_wait3A_116 = tpu.memref_slice %arg3[%add3A_23] : memref<16384xi32, #tpu.memory_space<hbm>> -> memref<128xi32, #tpu.memory_space<hbm>>
    tpu.wait_dma2 semaphore(%arg18 : memref<!tpu.dma_semaphore, #tpu.memory_space<semaphore_mem>>) src(%dma_wait3A_116 : memref<128xi32, #tpu.memory_space<hbm>>) dst(%dma_wait3A_115 : memref<128xi32, #tpu.memory_space<vmem>>)
    %dma_wait3A_117 = arith.constant 2 : i32
    %dma_wait3A_118 = arith.constant 0 : i32
    %dma_wait3A_119 = tpu.memref_slice %arg9[%dma_wait3A_117, %dma_wait3A_118] : memref<4x128xi32, #tpu.memory_space<vmem>> -> memref<1x128xi32, #tpu.memory_space<vmem>>
    %dma_wait3A_120 = tpu.memref_squeeze %dma_wait3A_119 : memref<1x128xi32, #tpu.memory_space<vmem>> -> memref<128xi32, #tpu.memory_space<vmem>>
    %dma_wait3A_121 = tpu.memref_slice %arg2[%add3A_43] : memref<16384xi32, #tpu.memory_space<hbm>> -> memref<128xi32, #tpu.memory_space<hbm>>
    %dma_wait3A_122 = arith.constant 0 : i32
    %dma_wait3A_123 = tpu.memref_slice %arg9[%dma_wait3A_117, %dma_wait3A_122] : memref<4x128xi32, #tpu.memory_space<vmem>> -> memref<1x128xi32, #tpu.memory_space<vmem>>
    %dma_wait3A_124 = tpu.memref_squeeze %dma_wait3A_123 : memref<1x128xi32, #tpu.memory_space<vmem>> -> memref<128xi32, #tpu.memory_space<vmem>>
    %dma_wait3A_125 = tpu.memref_slice %arg2[%add3A_43] : memref<16384xi32, #tpu.memory_space<hbm>> -> memref<128xi32, #tpu.memory_space<hbm>>
    tpu.wait_dma2 semaphore(%arg18 : memref<!tpu.dma_semaphore, #tpu.memory_space<semaphore_mem>>) src(%dma_wait3A_125 : memref<128xi32, #tpu.memory_space<hbm>>) dst(%dma_wait3A_124 : memref<128xi32, #tpu.memory_space<vmem>>)
    %dma_wait3A_126 = arith.constant 2 : i32
    %dma_wait3A_127 = arith.constant 0 : i32
    %dma_wait3A_128 = tpu.memref_slice %arg10[%dma_wait3A_126, %dma_wait3A_127] : memref<4x128xi32, #tpu.memory_space<vmem>> -> memref<1x128xi32, #tpu.memory_space<vmem>>
    %dma_wait3A_129 = tpu.memref_squeeze %dma_wait3A_128 : memref<1x128xi32, #tpu.memory_space<vmem>> -> memref<128xi32, #tpu.memory_space<vmem>>
    %dma_wait3A_130 = tpu.memref_slice %arg3[%add3A_43] : memref<16384xi32, #tpu.memory_space<hbm>> -> memref<128xi32, #tpu.memory_space<hbm>>
    %dma_wait3A_131 = arith.constant 0 : i32
    %dma_wait3A_132 = tpu.memref_slice %arg10[%dma_wait3A_126, %dma_wait3A_131] : memref<4x128xi32, #tpu.memory_space<vmem>> -> memref<1x128xi32, #tpu.memory_space<vmem>>
    %dma_wait3A_133 = tpu.memref_squeeze %dma_wait3A_132 : memref<1x128xi32, #tpu.memory_space<vmem>> -> memref<128xi32, #tpu.memory_space<vmem>>
    %dma_wait3A_134 = tpu.memref_slice %arg3[%add3A_43] : memref<16384xi32, #tpu.memory_space<hbm>> -> memref<128xi32, #tpu.memory_space<hbm>>
    tpu.wait_dma2 semaphore(%arg18 : memref<!tpu.dma_semaphore, #tpu.memory_space<semaphore_mem>>) src(%dma_wait3A_134 : memref<128xi32, #tpu.memory_space<hbm>>) dst(%dma_wait3A_133 : memref<128xi32, #tpu.memory_space<vmem>>)
    %dma_wait3A_135 = arith.constant 3 : i32
    %dma_wait3A_136 = arith.constant 0 : i32
    %dma_wait3A_137 = tpu.memref_slice %arg9[%dma_wait3A_135, %dma_wait3A_136] : memref<4x128xi32, #tpu.memory_space<vmem>> -> memref<1x128xi32, #tpu.memory_space<vmem>>
    %dma_wait3A_138 = tpu.memref_squeeze %dma_wait3A_137 : memref<1x128xi32, #tpu.memory_space<vmem>> -> memref<128xi32, #tpu.memory_space<vmem>>
    %dma_wait3A_139 = tpu.memref_slice %arg2[%add3A_63] : memref<16384xi32, #tpu.memory_space<hbm>> -> memref<128xi32, #tpu.memory_space<hbm>>
    %dma_wait3A_140 = arith.constant 0 : i32
    %dma_wait3A_141 = tpu.memref_slice %arg9[%dma_wait3A_135, %dma_wait3A_140] : memref<4x128xi32, #tpu.memory_space<vmem>> -> memref<1x128xi32, #tpu.memory_space<vmem>>
    %dma_wait3A_142 = tpu.memref_squeeze %dma_wait3A_141 : memref<1x128xi32, #tpu.memory_space<vmem>> -> memref<128xi32, #tpu.memory_space<vmem>>
    %dma_wait3A_143 = tpu.memref_slice %arg2[%add3A_63] : memref<16384xi32, #tpu.memory_space<hbm>> -> memref<128xi32, #tpu.memory_space<hbm>>
    tpu.wait_dma2 semaphore(%arg18 : memref<!tpu.dma_semaphore, #tpu.memory_space<semaphore_mem>>) src(%dma_wait3A_143 : memref<128xi32, #tpu.memory_space<hbm>>) dst(%dma_wait3A_142 : memref<128xi32, #tpu.memory_space<vmem>>)
    %dma_wait3A_144 = arith.constant 3 : i32
    %dma_wait3A_145 = arith.constant 0 : i32
    %dma_wait3A_146 = tpu.memref_slice %arg10[%dma_wait3A_144, %dma_wait3A_145] : memref<4x128xi32, #tpu.memory_space<vmem>> -> memref<1x128xi32, #tpu.memory_space<vmem>>
    %dma_wait3A_147 = tpu.memref_squeeze %dma_wait3A_146 : memref<1x128xi32, #tpu.memory_space<vmem>> -> memref<128xi32, #tpu.memory_space<vmem>>
    %dma_wait3A_148 = tpu.memref_slice %arg3[%add3A_63] : memref<16384xi32, #tpu.memory_space<hbm>> -> memref<128xi32, #tpu.memory_space<hbm>>
    %dma_wait3A_149 = arith.constant 0 : i32
    %dma_wait3A_150 = tpu.memref_slice %arg10[%dma_wait3A_144, %dma_wait3A_149] : memref<4x128xi32, #tpu.memory_space<vmem>> -> memref<1x128xi32, #tpu.memory_space<vmem>>
    %dma_wait3A_151 = tpu.memref_squeeze %dma_wait3A_150 : memref<1x128xi32, #tpu.memory_space<vmem>> -> memref<128xi32, #tpu.memory_space<vmem>>
    %dma_wait3A_152 = tpu.memref_slice %arg3[%add3A_63] : memref<16384xi32, #tpu.memory_space<hbm>> -> memref<128xi32, #tpu.memory_space<hbm>>
    tpu.wait_dma2 semaphore(%arg18 : memref<!tpu.dma_semaphore, #tpu.memory_space<semaphore_mem>>) src(%dma_wait3A_152 : memref<128xi32, #tpu.memory_space<hbm>>) dst(%dma_wait3A_151 : memref<128xi32, #tpu.memory_space<vmem>>)
    %get3A = arith.constant 0 : i32
    %get3A_153 = arith.index_cast %get3A : i32 to index
    %get3A_154 = arith.constant 0 : index
    %get3A_155 = tpu.vector_load %arg9[%get3A_153, %get3A_154] {strides = array<i32>} : memref<4x128xi32, #tpu.memory_space<vmem>>, vector<16xi32>,
    %shift_right_arithmetic3A = arith.constant 4 : i32
    %shift_right_arithmetic3A_156 = vector.broadcast %shift_right_arithmetic3A : i32 to vector<16xi32>
    %shift_right_arithmetic3A_157 = arith.shrsi %get3A_155, %shift_right_arithmetic3A_156 : vector<16xi32>
    %swap3A = arith.constant 0 : i32
    %swap3A_158 = arith.index_cast %swap3A : i32 to index
    %swap3A_159 = arith.constant 0 : index
    %swap3A_160 = tpu.vector_load %arg11[%swap3A_158, %swap3A_159] {strides = array<i32>} : memref<4x128xi32, #tpu.memory_space<vmem>>, vector<16xi32>,
    tpu.vector_store %arg11[%swap3A_158, %swap3A_159], %shift_right_arithmetic3A_157 {strides = array<i32>} : memref<4x128xi32, #tpu.memory_space<vmem>>, vector<16xi32>,
    %get3A_161 = arith.constant 0 : i32
    %get3A_162 = arith.index_cast %get3A_161 : i32 to index
    %get3A_163 = arith.constant 0 : index
    %get3A_164 = tpu.vector_load %arg10[%get3A_162, %get3A_163] {strides = array<i32>} : memref<4x128xi32, #tpu.memory_space<vmem>>, vector<16xi32>,
    %shift_right_arithmetic3A_165 = arith.constant 4 : i32
    %shift_right_arithmetic3A_166 = vector.broadcast %shift_right_arithmetic3A_165 : i32 to vector<16xi32>
    %shift_right_arithmetic3A_167 = arith.shrsi %get3A_164, %shift_right_arithmetic3A_166 : vector<16xi32>
    %swap3A_168 = arith.constant 0 : i32
    %swap3A_169 = arith.index_cast %swap3A_168 : i32 to index
    %swap3A_170 = arith.constant 0 : index
    %swap3A_171 = tpu.vector_load %arg12[%swap3A_169, %swap3A_170] {strides = array<i32>} : memref<4x128xi32, #tpu.memory_space<vmem>>, vector<16xi32>,
    tpu.vector_store %arg12[%swap3A_169, %swap3A_170], %shift_right_arithmetic3A_167 {strides = array<i32>} : memref<4x128xi32, #tpu.memory_space<vmem>>, vector<16xi32>,
    %get3A_172 = arith.constant 0 : i32
    %get3A_173 = arith.index_cast %get3A_172 : i32 to index
    %get3A_174 = arith.constant 16 : index
    %get3A_175 = tpu.vector_load %arg9[%get3A_173, %get3A_174] {strides = array<i32>} : memref<4x128xi32, #tpu.memory_space<vmem>>, vector<16xi32>,
    %shift_right_arithmetic3A_176 = arith.constant 4 : i32
    %shift_right_arithmetic3A_177 = vector.broadcast %shift_right_arithmetic3A_176 : i32 to vector<16xi32>
    %shift_right_arithmetic3A_178 = arith.shrsi %get3A_175, %shift_right_arithmetic3A_177 : vector<16xi32>
    %swap3A_179 = arith.constant 0 : i32
    %swap3A_180 = arith.index_cast %swap3A_179 : i32 to index
    %swap3A_181 = arith.constant 16 : index
    %swap3A_182 = tpu.vector_load %arg11[%swap3A_180, %swap3A_181] {strides = array<i32>} : memref<4x128xi32, #tpu.memory_space<vmem>>, vector<16xi32>,
    tpu.vector_store %arg11[%swap3A_180, %swap3A_181], %shift_right_arithmetic3A_178 {strides = array<i32>} : memref<4x128xi32, #tpu.memory_space<vmem>>, vector<16xi32>,
    %get3A_183 = arith.constant 0 : i32
    %get3A_184 = arith.index_cast %get3A_183 : i32 to index
    %get3A_185 = arith.constant 16 : index
    %get3A_186 = tpu.vector_load %arg10[%get3A_184, %get3A_185] {strides = array<i32>} : memref<4x128xi32, #tpu.memory_space<vmem>>, vector<16xi32>,
    %shift_right_arithmetic3A_187 = arith.constant 4 : i32
    %shift_right_arithmetic3A_188 = vector.broadcast %shift_right_arithmetic3A_187 : i32 to vector<16xi32>
    %shift_right_arithmetic3A_189 = arith.shrsi %get3A_186, %shift_right_arithmetic3A_188 : vector<16xi32>
    %swap3A_190 = arith.constant 0 : i32
    %swap3A_191 = arith.index_cast %swap3A_190 : i32 to index
    %swap3A_192 = arith.constant 16 : index
    %swap3A_193 = tpu.vector_load %arg12[%swap3A_191, %swap3A_192] {strides = array<i32>} : memref<4x128xi32, #tpu.memory_space<vmem>>, vector<16xi32>,
    tpu.vector_store %arg12[%swap3A_191, %swap3A_192], %shift_right_arithmetic3A_189 {strides = array<i32>} : memref<4x128xi32, #tpu.memory_space<vmem>>, vector<16xi32>,
    %get3A_194 = arith.constant 0 : i32
    %get3A_195 = arith.index_cast %get3A_194 : i32 to index
    %get3A_196 = arith.constant 32 : index
    %get3A_197 = tpu.vector_load %arg9[%get3A_195, %get3A_196] {strides = array<i32>} : memref<4x128xi32, #tpu.memory_space<vmem>>, vector<16xi32>,
    %shift_right_arithmetic3A_198 = arith.constant 4 : i32
    %shift_right_arithmetic3A_199 = vector.broadcast %shift_right_arithmetic3A_198 : i32 to vector<16xi32>
    %shift_right_arithmetic3A_200 = arith.shrsi %get3A_197, %shift_right_arithmetic3A_199 : vector<16xi32>
    %swap3A_201 = arith.constant 0 : i32
    %swap3A_202 = arith.index_cast %swap3A_201 : i32 to index
    %swap3A_203 = arith.constant 32 : index
    %swap3A_204 = tpu.vector_load %arg11[%swap3A_202, %swap3A_203] {strides = array<i32>} : memref<4x128xi32, #tpu.memory_space<vmem>>, vector<16xi32>,
    tpu.vector_store %arg11[%swap3A_202, %swap3A_203], %shift_right_arithmetic3A_200 {strides = array<i32>} : memref<4x128xi32, #tpu.memory_space<vmem>>, vector<16xi32>,
    %get3A_205 = arith.constant 0 : i32
    %get3A_206 = arith.index_cast %get3A_205 : i32 to index
    %get3A_207 = arith.constant 32 : index
    %get3A_208 = tpu.vector_load %arg10[%get3A_206, %get3A_207] {strides = array<i32>} : memref<4x128xi32, #tpu.memory_space<vmem>>, vector<16xi32>,
    %shift_right_arithmetic3A_209 = arith.constant 4 : i32
    %shift_right_arithmetic3A_210 = vector.broadcast %shift_right_arithmetic3A_209 : i32 to vector<16xi32>
    %shift_right_arithmetic3A_211 = arith.shrsi %get3A_208, %shift_right_arithmetic3A_210 : vector<16xi32>
    %swap3A_212 = arith.constant 0 : i32
    %swap3A_213 = arith.index_cast %swap3A_212 : i32 to index
    %swap3A_214 = arith.constant 32 : index
    %swap3A_215 = tpu.vector_load %arg12[%swap3A_213, %swap3A_214] {strides = array<i32>} : memref<4x128xi32, #tpu.memory_space<vmem>>, vector<16xi32>,
    tpu.vector_store %arg12[%swap3A_213, %swap3A_214], %shift_right_arithmetic3A_211 {strides = array<i32>} : memref<4x128xi32, #tpu.memory_space<vmem>>, vector<16xi32>,
    %get3A_216 = arith.constant 0 : i32
    %get3A_217 = arith.index_cast %get3A_216 : i32 to index
    %get3A_218 = arith.constant 48 : index
    %get3A_219 = tpu.vector_load %arg9[%get3A_217, %get3A_218] {strides = array<i32>} : memref<4x128xi32, #tpu.memory_space<vmem>>, vector<16xi32>,
    %shift_right_arithmetic3A_220 = arith.constant 4 : i32
    %shift_right_arithmetic3A_221 = vector.broadcast %shift_right_arithmetic3A_220 : i32 to vector<16xi32>
    %shift_right_arithmetic3A_222 = arith.shrsi %get3A_219, %shift_right_arithmetic3A_221 : vector<16xi32>
    %swap3A_223 = arith.constant 0 : i32
    %swap3A_224 = arith.index_cast %swap3A_223 : i32 to index
    %swap3A_225 = arith.constant 48 : index
    %swap3A_226 = tpu.vector_load %arg11[%swap3A_224, %swap3A_225] {strides = array<i32>} : memref<4x128xi32, #tpu.memory_space<vmem>>, vector<16xi32>,
    tpu.vector_store %arg11[%swap3A_224, %swap3A_225], %shift_right_arithmetic3A_222 {strides = array<i32>} : memref<4x128xi32, #tpu.memory_space<vmem>>, vector<16xi32>,
    %get3A_227 = arith.constant 0 : i32
    %get3A_228 = arith.index_cast %get3A_227 : i32 to index
    %get3A_229 = arith.constant 48 : index
    %get3A_230 = tpu.vector_load %arg10[%get3A_228, %get3A_229] {strides = array<i32>} : memref<4x128xi32, #tpu.memory_space<vmem>>, vector<16xi32>,
    %shift_right_arithmetic3A_231 = arith.constant 4 : i32
    %shift_right_arithmetic3A_232 = vector.broadcast %shift_right_arithmetic3A_231 : i32 to vector<16xi32>
    %shift_right_arithmetic3A_233 = arith.shrsi %get3A_230, %shift_right_arithmetic3A_232 : vector<16xi32>
    %swap3A_234 = arith.constant 0 : i32
    %swap3A_235 = arith.index_cast %swap3A_234 : i32 to index
    %swap3A_236 = arith.constant 48 : index
    %swap3A_237 = tpu.vector_load %arg12[%swap3A_235, %swap3A_236] {strides = array<i32>} : memref<4x128xi32, #tpu.memory_space<vmem>>, vector<16xi32>,
    tpu.vector_store %arg12[%swap3A_235, %swap3A_236], %shift_right_arithmetic3A_233 {strides = array<i32>} : memref<4x128xi32, #tpu.memory_space<vmem>>, vector<16xi32>,
    %get3A_238 = arith.constant 0 : i32
    %get3A_239 = arith.index_cast %get3A_238 : i32 to index
    %get3A_240 = arith.constant 64 : index
    %get3A_241 = tpu.vector_load %arg9[%get3A_239, %get3A_240] {strides = array<i32>} : memref<4x128xi32, #tpu.memory_space<vmem>>, vector<16xi32>,
    %shift_right_arithmetic3A_242 = arith.constant 4 : i32
    %shift_right_arithmetic3A_243 = vector.broadcast %shift_right_arithmetic3A_242 : i32 to vector<16xi32>
    %shift_right_arithmetic3A_244 = arith.shrsi %get3A_241, %shift_right_arithmetic3A_243 : vector<16xi32>
    %swap3A_245 = arith.constant 0 : i32
    %swap3A_246 = arith.index_cast %swap3A_245 : i32 to index
    %swap3A_247 = arith.constant 64 : index
    %swap3A_248 = tpu.vector_load %arg11[%swap3A_246, %swap3A_247] {strides = array<i32>} : memref<4x128xi32, #tpu.memory_space<vmem>>, vector<16xi32>,
    tpu.vector_store %arg11[%swap3A_246, %swap3A_247], %shift_right_arithmetic3A_244 {strides = array<i32>} : memref<4x128xi32, #tpu.memory_space<vmem>>, vector<16xi32>,
    %get3A_249 = arith.constant 0 : i32
    %get3A_250 = arith.index_cast %get3A_249 : i32 to index
    %get3A_251 = arith.constant 64 : index
    %get3A_252 = tpu.vector_load %arg10[%get3A_250, %get3A_251] {strides = array<i32>} : memref<4x128xi32, #tpu.memory_space<vmem>>, vector<16xi32>,
    %shift_right_arithmetic3A_253 = arith.constant 4 : i32
    %shift_right_arithmetic3A_254 = vector.broadcast %shift_right_arithmetic3A_253 : i32 to vector<16xi32>
    %shift_right_arithmetic3A_255 = arith.shrsi %get3A_252, %shift_right_arithmetic3A_254 : vector<16xi32>
    %swap3A_256 = arith.constant 0 : i32
    %swap3A_257 = arith.index_cast %swap3A_256 : i32 to index
    %swap3A_258 = arith.constant 64 : index
    %swap3A_259 = tpu.vector_load %arg12[%swap3A_257, %swap3A_258] {strides = array<i32>} : memref<4x128xi32, #tpu.memory_space<vmem>>, vector<16xi32>,
    tpu.vector_store %arg12[%swap3A_257, %swap3A_258], %shift_right_arithmetic3A_255 {strides = array<i32>} : memref<4x128xi32, #tpu.memory_space<vmem>>, vector<16xi32>,
    %get3A_260 = arith.constant 0 : i32
    %get3A_261 = arith.index_cast %get3A_260 : i32 to index
    %get3A_262 = arith.constant 80 : index
    %get3A_263 = tpu.vector_load %arg9[%get3A_261, %get3A_262] {strides = array<i32>} : memref<4x128xi32, #tpu.memory_space<vmem>>, vector<16xi32>,
    %shift_right_arithmetic3A_264 = arith.constant 4 : i32
    %shift_right_arithmetic3A_265 = vector.broadcast %shift_right_arithmetic3A_264 : i32 to vector<16xi32>
    %shift_right_arithmetic3A_266 = arith.shrsi %get3A_263, %shift_right_arithmetic3A_265 : vector<16xi32>
    %swap3A_267 = arith.constant 0 : i32
    %swap3A_268 = arith.index_cast %swap3A_267 : i32 to index
    %swap3A_269 = arith.constant 80 : index
    %swap3A_270 = tpu.vector_load %arg11[%swap3A_268, %swap3A_269] {strides = array<i32>} : memref<4x128xi32, #tpu.memory_space<vmem>>, vector<16xi32>,
    tpu.vector_store %arg11[%swap3A_268, %swap3A_269], %shift_right_arithmetic3A_266 {strides = array<i32>} : memref<4x128xi32, #tpu.memory_space<vmem>>, vector<16xi32>,
    %get3A_271 = arith.constant 0 : i32
    %get3A_272 = arith.index_cast %get3A_271 : i32 to index
    %get3A_273 = arith.constant 80 : index
    %get3A_274 = tpu.vector_load %arg10[%get3A_272, %get3A_273] {strides = array<i32>} : memref<4x128xi32, #tpu.memory_space<vmem>>, vector<16xi32>,
    %shift_right_arithmetic3A_275 = arith.constant 4 : i32
    %shift_right_arithmetic3A_276 = vector.broadcast %shift_right_arithmetic3A_275 : i32 to vector<16xi32>
    %shift_right_arithmetic3A_277 = arith.shrsi %get3A_274, %shift_right_arithmetic3A_276 : vector<16xi32>
    %swap3A_278 = arith.constant 0 : i32
    %swap3A_279 = arith.index_cast %swap3A_278 : i32 to index
    %swap3A_280 = arith.constant 80 : index
    %swap3A_281 = tpu.vector_load %arg12[%swap3A_279, %swap3A_280] {strides = array<i32>} : memref<4x128xi32, #tpu.memory_space<vmem>>, vector<16xi32>,
    tpu.vector_store %arg12[%swap3A_279, %swap3A_280], %shift_right_arithmetic3A_277 {strides = array<i32>} : memref<4x128xi32, #tpu.memory_space<vmem>>, vector<16xi32>,
    %get3A_282 = arith.constant 0 : i32
    %get3A_283 = arith.index_cast %get3A_282 : i32 to index
    %get3A_284 = arith.constant 96 : index
    %get3A_285 = tpu.vector_load %arg9[%get3A_283, %get3A_284] {strides = array<i32>} : memref<4x128xi32, #tpu.memory_space<vmem>>, vector<16xi32>,
    %shift_right_arithmetic3A_286 = arith.constant 4 : i32
    %shift_right_arithmetic3A_287 = vector.broadcast %shift_right_arithmetic3A_286 : i32 to vector<16xi32>
    %shift_right_arithmetic3A_288 = arith.shrsi %get3A_285, %shift_right_arithmetic3A_287 : vector<16xi32>
    %swap3A_289 = arith.constant 0 : i32
    %swap3A_290 = arith.index_cast %swap3A_289 : i32 to index
    %swap3A_291 = arith.constant 96 : index
    %swap3A_292 = tpu.vector_load %arg11[%swap3A_290, %swap3A_291] {strides = array<i32>} : memref<4x128xi32, #tpu.memory_space<vmem>>, vector<16xi32>,
    tpu.vector_store %arg11[%swap3A_290, %swap3A_291], %shift_right_arithmetic3A_288 {strides = array<i32>} : memref<4x128xi32, #tpu.memory_space<vmem>>, vector<16xi32>,
    %get3A_293 = arith.constant 0 : i32
    %get3A_294 = arith.index_cast %get3A_293 : i32 to index
    %get3A_295 = arith.constant 96 : index
    %get3A_296 = tpu.vector_load %arg10[%get3A_294, %get3A_295] {strides = array<i32>} : memref<4x128xi32, #tpu.memory_space<vmem>>, vector<16xi32>,
    %shift_right_arithmetic3A_297 = arith.constant 4 : i32
    %shift_right_arithmetic3A_298 = vector.broadcast %shift_right_arithmetic3A_297 : i32 to vector<16xi32>
    %shift_right_arithmetic3A_299 = arith.shrsi %get3A_296, %shift_right_arithmetic3A_298 : vector<16xi32>
    %swap3A_300 = arith.constant 0 : i32
    %swap3A_301 = arith.index_cast %swap3A_300 : i32 to index
    %swap3A_302 = arith.constant 96 : index
    %swap3A_303 = tpu.vector_load %arg12[%swap3A_301, %swap3A_302] {strides = array<i32>} : memref<4x128xi32, #tpu.memory_space<vmem>>, vector<16xi32>,
    tpu.vector_store %arg12[%swap3A_301, %swap3A_302], %shift_right_arithmetic3A_299 {strides = array<i32>} : memref<4x128xi32, #tpu.memory_space<vmem>>, vector<16xi32>,
    %get3A_304 = arith.constant 0 : i32
    %get3A_305 = arith.index_cast %get3A_304 : i32 to index
    %get3A_306 = arith.constant 112 : index
    %get3A_307 = tpu.vector_load %arg9[%get3A_305, %get3A_306] {strides = array<i32>} : memref<4x128xi32, #tpu.memory_space<vmem>>, vector<16xi32>,
    %shift_right_arithmetic3A_308 = arith.constant 4 : i32
    %shift_right_arithmetic3A_309 = vector.broadcast %shift_right_arithmetic3A_308 : i32 to vector<16xi32>
    %shift_right_arithmetic3A_310 = arith.shrsi %get3A_307, %shift_right_arithmetic3A_309 : vector<16xi32>
    %swap3A_311 = arith.constant 0 : i32
    %swap3A_312 = arith.index_cast %swap3A_311 : i32 to index
    %swap3A_313 = arith.constant 112 : index
    %swap3A_314 = tpu.vector_load %arg11[%swap3A_312, %swap3A_313] {strides = array<i32>} : memref<4x128xi32, #tpu.memory_space<vmem>>, vector<16xi32>,
    tpu.vector_store %arg11[%swap3A_312, %swap3A_313], %shift_right_arithmetic3A_310 {strides = array<i32>} : memref<4x128xi32, #tpu.memory_space<vmem>>, vector<16xi32>,
    %get3A_315 = arith.constant 0 : i32
    %get3A_316 = arith.index_cast %get3A_315 : i32 to index
    %get3A_317 = arith.constant 112 : index
    %get3A_318 = tpu.vector_load %arg10[%get3A_316, %get3A_317] {strides = array<i32>} : memref<4x128xi32, #tpu.memory_space<vmem>>, vector<16xi32>,
    %shift_right_arithmetic3A_319 = arith.constant 4 : i32
    %shift_right_arithmetic3A_320 = vector.broadcast %shift_right_arithmetic3A_319 : i32 to vector<16xi32>
    %shift_right_arithmetic3A_321 = arith.shrsi %get3A_318, %shift_right_arithmetic3A_320 : vector<16xi32>
    %swap3A_322 = arith.constant 0 : i32
    %swap3A_323 = arith.index_cast %swap3A_322 : i32 to index
    %swap3A_324 = arith.constant 112 : index
    %swap3A_325 = tpu.vector_load %arg12[%swap3A_323, %swap3A_324] {strides = array<i32>} : memref<4x128xi32, #tpu.memory_space<vmem>>, vector<16xi32>,
    tpu.vector_store %arg12[%swap3A_323, %swap3A_324], %shift_right_arithmetic3A_321 {strides = array<i32>} : memref<4x128xi32, #tpu.memory_space<vmem>>, vector<16xi32>,
    %get3A_326 = arith.constant 1 : i32
    %get3A_327 = arith.index_cast %get3A_326 : i32 to index
    %get3A_328 = arith.constant 0 : index
    %get3A_329 = tpu.vector_load %arg9[%get3A_327, %get3A_328] {strides = array<i32>} : memref<4x128xi32, #tpu.memory_space<vmem>>, vector<16xi32>,
    %shift_right_arithmetic3A_330 = arith.constant 4 : i32
    %shift_right_arithmetic3A_331 = vector.broadcast %shift_right_arithmetic3A_330 : i32 to vector<16xi32>
    %shift_right_arithmetic3A_332 = arith.shrsi %get3A_329, %shift_right_arithmetic3A_331 : vector<16xi32>
    %swap3A_333 = arith.constant 1 : i32
    %swap3A_334 = arith.index_cast %swap3A_333 : i32 to index
    %swap3A_335 = arith.constant 0 : index
    %swap3A_336 = tpu.vector_load %arg11[%swap3A_334, %swap3A_335] {strides = array<i32>} : memref<4x128xi32, #tpu.memory_space<vmem>>, vector<16xi32>,
    tpu.vector_store %arg11[%swap3A_334, %swap3A_335], %shift_right_arithmetic3A_332 {strides = array<i32>} : memref<4x128xi32, #tpu.memory_space<vmem>>, vector<16xi32>,
    %get3A_337 = arith.constant 1 : i32
    %get3A_338 = arith.index_cast %get3A_337 : i32 to index
    %get3A_339 = arith.constant 0 : index
    %get3A_340 = tpu.vector_load %arg10[%get3A_338, %get3A_339] {strides = array<i32>} : memref<4x128xi32, #tpu.memory_space<vmem>>, vector<16xi32>,
    %shift_right_arithmetic3A_341 = arith.constant 4 : i32
    %shift_right_arithmetic3A_342 = vector.broadcast %shift_right_arithmetic3A_341 : i32 to vector<16xi32>
    %shift_right_arithmetic3A_343 = arith.shrsi %get3A_340, %shift_right_arithmetic3A_342 : vector<16xi32>
    %swap3A_344 = arith.constant 1 : i32
    %swap3A_345 = arith.index_cast %swap3A_344 : i32 to index
    %swap3A_346 = arith.constant 0 : index
    %swap3A_347 = tpu.vector_load %arg12[%swap3A_345, %swap3A_346] {strides = array<i32>} : memref<4x128xi32, #tpu.memory_space<vmem>>, vector<16xi32>,
    tpu.vector_store %arg12[%swap3A_345, %swap3A_346], %shift_right_arithmetic3A_343 {strides = array<i32>} : memref<4x128xi32, #tpu.memory_space<vmem>>, vector<16xi32>,
    %get3A_348 = arith.constant 1 : i32
    %get3A_349 = arith.index_cast %get3A_348 : i32 to index
    %get3A_350 = arith.constant 16 : index
    %get3A_351 = tpu.vector_load %arg9[%get3A_349, %get3A_350] {strides = array<i32>} : memref<4x128xi32, #tpu.memory_space<vmem>>, vector<16xi32>,
    %shift_right_arithmetic3A_352 = arith.constant 4 : i32
    %shift_right_arithmetic3A_353 = vector.broadcast %shift_right_arithmetic3A_352 : i32 to vector<16xi32>
    %shift_right_arithmetic3A_354 = arith.shrsi %get3A_351, %shift_right_arithmetic3A_353 : vector<16xi32>
    %swap3A_355 = arith.constant 1 : i32
    %swap3A_356 = arith.index_cast %swap3A_355 : i32 to index
    %swap3A_357 = arith.constant 16 : index
    %swap3A_358 = tpu.vector_load %arg11[%swap3A_356, %swap3A_357] {strides = array<i32>} : memref<4x128xi32, #tpu.memory_space<vmem>>, vector<16xi32>,
    tpu.vector_store %arg11[%swap3A_356, %swap3A_357], %shift_right_arithmetic3A_354 {strides = array<i32>} : memref<4x128xi32, #tpu.memory_space<vmem>>, vector<16xi32>,
    %get3A_359 = arith.constant 1 : i32
    %get3A_360 = arith.index_cast %get3A_359 : i32 to index
    %get3A_361 = arith.constant 16 : index
    %get3A_362 = tpu.vector_load %arg10[%get3A_360, %get3A_361] {strides = array<i32>} : memref<4x128xi32, #tpu.memory_space<vmem>>, vector<16xi32>,
    %shift_right_arithmetic3A_363 = arith.constant 4 : i32
    %shift_right_arithmetic3A_364 = vector.broadcast %shift_right_arithmetic3A_363 : i32 to vector<16xi32>
    %shift_right_arithmetic3A_365 = arith.shrsi %get3A_362, %shift_right_arithmetic3A_364 : vector<16xi32>
    %swap3A_366 = arith.constant 1 : i32
    %swap3A_367 = arith.index_cast %swap3A_366 : i32 to index
    %swap3A_368 = arith.constant 16 : index
    %swap3A_369 = tpu.vector_load %arg12[%swap3A_367, %swap3A_368] {strides = array<i32>} : memref<4x128xi32, #tpu.memory_space<vmem>>, vector<16xi32>,
    tpu.vector_store %arg12[%swap3A_367, %swap3A_368], %shift_right_arithmetic3A_365 {strides = array<i32>} : memref<4x128xi32, #tpu.memory_space<vmem>>, vector<16xi32>,
    %get3A_370 = arith.constant 1 : i32
    %get3A_371 = arith.index_cast %get3A_370 : i32 to index
    %get3A_372 = arith.constant 32 : index
    %get3A_373 = tpu.vector_load %arg9[%get3A_371, %get3A_372] {strides = array<i32>} : memref<4x128xi32, #tpu.memory_space<vmem>>, vector<16xi32>,
    %shift_right_arithmetic3A_374 = arith.constant 4 : i32
    %shift_right_arithmetic3A_375 = vector.broadcast %shift_right_arithmetic3A_374 : i32 to vector<16xi32>
    %shift_right_arithmetic3A_376 = arith.shrsi %get3A_373, %shift_right_arithmetic3A_375 : vector<16xi32>
    %swap3A_377 = arith.constant 1 : i32
    %swap3A_378 = arith.index_cast %swap3A_377 : i32 to index
    %swap3A_379 = arith.constant 32 : index
    %swap3A_380 = tpu.vector_load %arg11[%swap3A_378, %swap3A_379] {strides = array<i32>} : memref<4x128xi32, #tpu.memory_space<vmem>>, vector<16xi32>,
    tpu.vector_store %arg11[%swap3A_378, %swap3A_379], %shift_right_arithmetic3A_376 {strides = array<i32>} : memref<4x128xi32, #tpu.memory_space<vmem>>, vector<16xi32>,
    %get3A_381 = arith.constant 1 : i32
    %get3A_382 = arith.index_cast %get3A_381 : i32 to index
    %get3A_383 = arith.constant 32 : index
    %get3A_384 = tpu.vector_load %arg10[%get3A_382, %get3A_383] {strides = array<i32>} : memref<4x128xi32, #tpu.memory_space<vmem>>, vector<16xi32>,
    %shift_right_arithmetic3A_385 = arith.constant 4 : i32
    %shift_right_arithmetic3A_386 = vector.broadcast %shift_right_arithmetic3A_385 : i32 to vector<16xi32>
    %shift_right_arithmetic3A_387 = arith.shrsi %get3A_384, %shift_right_arithmetic3A_386 : vector<16xi32>
    %swap3A_388 = arith.constant 1 : i32
    %swap3A_389 = arith.index_cast %swap3A_388 : i32 to index
    %swap3A_390 = arith.constant 32 : index
    %swap3A_391 = tpu.vector_load %arg12[%swap3A_389, %swap3A_390] {strides = array<i32>} : memref<4x128xi32, #tpu.memory_space<vmem>>, vector<16xi32>,
    tpu.vector_store %arg12[%swap3A_389, %swap3A_390], %shift_right_arithmetic3A_387 {strides = array<i32>} : memref<4x128xi32, #tpu.memory_space<vmem>>, vector<16xi32>,
    %get3A_392 = arith.constant 1 : i32
    %get3A_393 = arith.index_cast %get3A_392 : i32 to index
    %get3A_394 = arith.constant 48 : index
    %get3A_395 = tpu.vector_load %arg9[%get3A_393, %get3A_394] {strides = array<i32>} : memref<4x128xi32, #tpu.memory_space<vmem>>, vector<16xi32>,
    %shift_right_arithmetic3A_396 = arith.constant 4 : i32
    %shift_right_arithmetic3A_397 = vector.broadcast %shift_right_arithmetic3A_396 : i32 to vector<16xi32>
    %shift_right_arithmetic3A_398 = arith.shrsi %get3A_395, %shift_right_arithmetic3A_397 : vector<16xi32>
    %swap3A_399 = arith.constant 1 : i32
    %swap3A_400 = arith.index_cast %swap3A_399 : i32 to index
    %swap3A_401 = arith.constant 48 : index
    %swap3A_402 = tpu.vector_load %arg11[%swap3A_400, %swap3A_401] {strides = array<i32>} : memref<4x128xi32, #tpu.memory_space<vmem>>, vector<16xi32>,
    tpu.vector_store %arg11[%swap3A_400, %swap3A_401], %shift_right_arithmetic3A_398 {strides = array<i32>} : memref<4x128xi32, #tpu.memory_space<vmem>>, vector<16xi32>,
    %get3A_403 = arith.constant 1 : i32
    %get3A_404 = arith.index_cast %get3A_403 : i32 to index
    %get3A_405 = arith.constant 48 : index
    %get3A_406 = tpu.vector_load %arg10[%get3A_404, %get3A_405] {strides = array<i32>} : memref<4x128xi32, #tpu.memory_space<vmem>>, vector<16xi32>,
    %shift_right_arithmetic3A_407 = arith.constant 4 : i32
    %shift_right_arithmetic3A_408 = vector.broadcast %shift_right_arithmetic3A_407 : i32 to vector<16xi32>
    %shift_right_arithmetic3A_409 = arith.shrsi %get3A_406, %shift_right_arithmetic3A_408 : vector<16xi32>
    %swap3A_410 = arith.constant 1 : i32
    %swap3A_411 = arith.index_cast %swap3A_410 : i32 to index
    %swap3A_412 = arith.constant 48 : index
    %swap3A_413 = tpu.vector_load %arg12[%swap3A_411, %swap3A_412] {strides = array<i32>} : memref<4x128xi32, #tpu.memory_space<vmem>>, vector<16xi32>,
    tpu.vector_store %arg12[%swap3A_411, %swap3A_412], %shift_right_arithmetic3A_409 {strides = array<i32>} : memref<4x128xi32, #tpu.memory_space<vmem>>, vector<16xi32>,
    %get3A_414 = arith.constant 1 : i32
    %get3A_415 = arith.index_cast %get3A_414 : i32 to index
    %get3A_416 = arith.constant 64 : index
    %get3A_417 = tpu.vector_load %arg9[%get3A_415, %get3A_416] {strides = array<i32>} : memref<4x128xi32, #tpu.memory_space<vmem>>, vector<16xi32>,
    %shift_right_arithmetic3A_418 = arith.constant 4 : i32
    %shift_right_arithmetic3A_419 = vector.broadcast %shift_right_arithmetic3A_418 : i32 to vector<16xi32>
    %shift_right_arithmetic3A_420 = arith.shrsi %get3A_417, %shift_right_arithmetic3A_419 : vector<16xi32>
    %swap3A_421 = arith.constant 1 : i32
    %swap3A_422 = arith.index_cast %swap3A_421 : i32 to index
    %swap3A_423 = arith.constant 64 : index
    %swap3A_424 = tpu.vector_load %arg11[%swap3A_422, %swap3A_423] {strides = array<i32>} : memref<4x128xi32, #tpu.memory_space<vmem>>, vector<16xi32>,
    tpu.vector_store %arg11[%swap3A_422, %swap3A_423], %shift_right_arithmetic3A_420 {strides = array<i32>} : memref<4x128xi32, #tpu.memory_space<vmem>>, vector<16xi32>,
    %get3A_425 = arith.constant 1 : i32
    %get3A_426 = arith.index_cast %get3A_425 : i32 to index
    %get3A_427 = arith.constant 64 : index
    %get3A_428 = tpu.vector_load %arg10[%get3A_426, %get3A_427] {strides = array<i32>} : memref<4x128xi32, #tpu.memory_space<vmem>>, vector<16xi32>,
    %shift_right_arithmetic3A_429 = arith.constant 4 : i32
    %shift_right_arithmetic3A_430 = vector.broadcast %shift_right_arithmetic3A_429 : i32 to vector<16xi32>
    %shift_right_arithmetic3A_431 = arith.shrsi %get3A_428, %shift_right_arithmetic3A_430 : vector<16xi32>
    %swap3A_432 = arith.constant 1 : i32
    %swap3A_433 = arith.index_cast %swap3A_432 : i32 to index
    %swap3A_434 = arith.constant 64 : index
    %swap3A_435 = tpu.vector_load %arg12[%swap3A_433, %swap3A_434] {strides = array<i32>} : memref<4x128xi32, #tpu.memory_space<vmem>>, vector<16xi32>,
    tpu.vector_store %arg12[%swap3A_433, %swap3A_434], %shift_right_arithmetic3A_431 {strides = array<i32>} : memref<4x128xi32, #tpu.memory_space<vmem>>, vector<16xi32>,
    %get3A_436 = arith.constant 1 : i32
    %get3A_437 = arith.index_cast %get3A_436 : i32 to index
    %get3A_438 = arith.constant 80 : index
    %get3A_439 = tpu.vector_load %arg9[%get3A_437, %get3A_438] {strides = array<i32>} : memref<4x128xi32, #tpu.memory_space<vmem>>, vector<16xi32>,
    %shift_right_arithmetic3A_440 = arith.constant 4 : i32
    %shift_right_arithmetic3A_441 = vector.broadcast %shift_right_arithmetic3A_440 : i32 to vector<16xi32>
    %shift_right_arithmetic3A_442 = arith.shrsi %get3A_439, %shift_right_arithmetic3A_441 : vector<16xi32>
    %swap3A_443 = arith.constant 1 : i32
    %swap3A_444 = arith.index_cast %swap3A_443 : i32 to index
    %swap3A_445 = arith.constant 80 : index
    %swap3A_446 = tpu.vector_load %arg11[%swap3A_444, %swap3A_445] {strides = array<i32>} : memref<4x128xi32, #tpu.memory_space<vmem>>, vector<16xi32>,
    tpu.vector_store %arg11[%swap3A_444, %swap3A_445], %shift_right_arithmetic3A_442 {strides = array<i32>} : memref<4x128xi32, #tpu.memory_space<vmem>>, vector<16xi32>,
    %get3A_447 = arith.constant 1 : i32
    %get3A_448 = arith.index_cast %get3A_447 : i32 to index
    %get3A_449 = arith.constant 80 : index
    %get3A_450 = tpu.vector_load %arg10[%get3A_448, %get3A_449] {strides = array<i32>} : memref<4x128xi32, #tpu.memory_space<vmem>>, vector<16xi32>,
    %shift_right_arithmetic3A_451 = arith.constant 4 : i32
    %shift_right_arithmetic3A_452 = vector.broadcast %shift_right_arithmetic3A_451 : i32 to vector<16xi32>
    %shift_right_arithmetic3A_453 = arith.shrsi %get3A_450, %shift_right_arithmetic3A_452 : vector<16xi32>
    %swap3A_454 = arith.constant 1 : i32
    %swap3A_455 = arith.index_cast %swap3A_454 : i32 to index
    %swap3A_456 = arith.constant 80 : index
    %swap3A_457 = tpu.vector_load %arg12[%swap3A_455, %swap3A_456] {strides = array<i32>} : memref<4x128xi32, #tpu.memory_space<vmem>>, vector<16xi32>,
    tpu.vector_store %arg12[%swap3A_455, %swap3A_456], %shift_right_arithmetic3A_453 {strides = array<i32>} : memref<4x128xi32, #tpu.memory_space<vmem>>, vector<16xi32>,
    %get3A_458 = arith.constant 1 : i32
    %get3A_459 = arith.index_cast %get3A_458 : i32 to index
    %get3A_460 = arith.constant 96 : index
    %get3A_461 = tpu.vector_load %arg9[%get3A_459, %get3A_460] {strides = array<i32>} : memref<4x128xi32, #tpu.memory_space<vmem>>, vector<16xi32>,
    %shift_right_arithmetic3A_462 = arith.constant 4 : i32
    %shift_right_arithmetic3A_463 = vector.broadcast %shift_right_arithmetic3A_462 : i32 to vector<16xi32>
    %shift_right_arithmetic3A_464 = arith.shrsi %get3A_461, %shift_right_arithmetic3A_463 : vector<16xi32>
    %swap3A_465 = arith.constant 1 : i32
    %swap3A_466 = arith.index_cast %swap3A_465 : i32 to index
    %swap3A_467 = arith.constant 96 : index
    %swap3A_468 = tpu.vector_load %arg11[%swap3A_466, %swap3A_467] {strides = array<i32>} : memref<4x128xi32, #tpu.memory_space<vmem>>, vector<16xi32>,
    tpu.vector_store %arg11[%swap3A_466, %swap3A_467], %shift_right_arithmetic3A_464 {strides = array<i32>} : memref<4x128xi32, #tpu.memory_space<vmem>>, vector<16xi32>,
    %get3A_469 = arith.constant 1 : i32
    %get3A_470 = arith.index_cast %get3A_469 : i32 to index
    %get3A_471 = arith.constant 96 : index
    %get3A_472 = tpu.vector_load %arg10[%get3A_470, %get3A_471] {strides = array<i32>} : memref<4x128xi32, #tpu.memory_space<vmem>>, vector<16xi32>,
    %shift_right_arithmetic3A_473 = arith.constant 4 : i32
    %shift_right_arithmetic3A_474 = vector.broadcast %shift_right_arithmetic3A_473 : i32 to vector<16xi32>
    %shift_right_arithmetic3A_475 = arith.shrsi %get3A_472, %shift_right_arithmetic3A_474 : vector<16xi32>
    %swap3A_476 = arith.constant 1 : i32
    %swap3A_477 = arith.index_cast %swap3A_476 : i32 to index
    %swap3A_478 = arith.constant 96 : index
    %swap3A_479 = tpu.vector_load %arg12[%swap3A_477, %swap3A_478] {strides = array<i32>} : memref<4x128xi32, #tpu.memory_space<vmem>>, vector<16xi32>,
    tpu.vector_store %arg12[%swap3A_477, %swap3A_478], %shift_right_arithmetic3A_475 {strides = array<i32>} : memref<4x128xi32, #tpu.memory_space<vmem>>, vector<16xi32>,
    %get3A_480 = arith.constant 1 : i32
    %get3A_481 = arith.index_cast %get3A_480 : i32 to index
    %get3A_482 = arith.constant 112 : index
    %get3A_483 = tpu.vector_load %arg9[%get3A_481, %get3A_482] {strides = array<i32>} : memref<4x128xi32, #tpu.memory_space<vmem>>, vector<16xi32>,
    %shift_right_arithmetic3A_484 = arith.constant 4 : i32
    %shift_right_arithmetic3A_485 = vector.broadcast %shift_right_arithmetic3A_484 : i32 to vector<16xi32>
    %shift_right_arithmetic3A_486 = arith.shrsi %get3A_483, %shift_right_arithmetic3A_485 : vector<16xi32>
    %swap3A_487 = arith.constant 1 : i32
    %swap3A_488 = arith.index_cast %swap3A_487 : i32 to index
    %swap3A_489 = arith.constant 112 : index
    %swap3A_490 = tpu.vector_load %arg11[%swap3A_488, %swap3A_489] {strides = array<i32>} : memref<4x128xi32, #tpu.memory_space<vmem>>, vector<16xi32>,
    tpu.vector_store %arg11[%swap3A_488, %swap3A_489], %shift_right_arithmetic3A_486 {strides = array<i32>} : memref<4x128xi32, #tpu.memory_space<vmem>>, vector<16xi32>,
    %get3A_491 = arith.constant 1 : i32
    %get3A_492 = arith.index_cast %get3A_491 : i32 to index
    %get3A_493 = arith.constant 112 : index
    %get3A_494 = tpu.vector_load %arg10[%get3A_492, %get3A_493] {strides = array<i32>} : memref<4x128xi32, #tpu.memory_space<vmem>>, vector<16xi32>,
    %shift_right_arithmetic3A_495 = arith.constant 4 : i32
    %shift_right_arithmetic3A_496 = vector.broadcast %shift_right_arithmetic3A_495 : i32 to vector<16xi32>
    %shift_right_arithmetic3A_497 = arith.shrsi %get3A_494, %shift_right_arithmetic3A_496 : vector<16xi32>
    %swap3A_498 = arith.constant 1 : i32
    %swap3A_499 = arith.index_cast %swap3A_498 : i32 to index
    %swap3A_500 = arith.constant 112 : index
    %swap3A_501 = tpu.vector_load %arg12[%swap3A_499, %swap3A_500] {strides = array<i32>} : memref<4x128xi32, #tpu.memory_space<vmem>>, vector<16xi32>,
    tpu.vector_store %arg12[%swap3A_499, %swap3A_500], %shift_right_arithmetic3A_497 {strides = array<i32>} : memref<4x128xi32, #tpu.memory_space<vmem>>, vector<16xi32>,
    %get3A_502 = arith.constant 2 : i32
    %get3A_503 = arith.index_cast %get3A_502 : i32 to index
    %get3A_504 = arith.constant 0 : index
    %get3A_505 = tpu.vector_load %arg9[%get3A_503, %get3A_504] {strides = array<i32>} : memref<4x128xi32, #tpu.memory_space<vmem>>, vector<16xi32>,
    %shift_right_arithmetic3A_506 = arith.constant 4 : i32
    %shift_right_arithmetic3A_507 = vector.broadcast %shift_right_arithmetic3A_506 : i32 to vector<16xi32>
    %shift_right_arithmetic3A_508 = arith.shrsi %get3A_505, %shift_right_arithmetic3A_507 : vector<16xi32>
    %swap3A_509 = arith.constant 2 : i32
    %swap3A_510 = arith.index_cast %swap3A_509 : i32 to index
    %swap3A_511 = arith.constant 0 : index
    %swap3A_512 = tpu.vector_load %arg11[%swap3A_510, %swap3A_511] {strides = array<i32>} : memref<4x128xi32, #tpu.memory_space<vmem>>, vector<16xi32>,
    tpu.vector_store %arg11[%swap3A_510, %swap3A_511], %shift_right_arithmetic3A_508 {strides = array<i32>} : memref<4x128xi32, #tpu.memory_space<vmem>>, vector<16xi32>,
    %get3A_513 = arith.constant 2 : i32
    %get3A_514 = arith.index_cast %get3A_513 : i32 to index
    %get3A_515 = arith.constant 0 : index
    %get3A_516 = tpu.vector_load %arg10[%get3A_514, %get3A_515] {strides = array<i32>} : memref<4x128xi32, #tpu.memory_space<vmem>>, vector<16xi32>,
    %shift_right_arithmetic3A_517 = arith.constant 4 : i32
    %shift_right_arithmetic3A_518 = vector.broadcast %shift_right_arithmetic3A_517 : i32 to vector<16xi32>
    %shift_right_arithmetic3A_519 = arith.shrsi %get3A_516, %shift_right_arithmetic3A_518 : vector<16xi32>
    %swap3A_520 = arith.constant 2 : i32
    %swap3A_521 = arith.index_cast %swap3A_520 : i32 to index
    %swap3A_522 = arith.constant 0 : index
    %swap3A_523 = tpu.vector_load %arg12[%swap3A_521, %swap3A_522] {strides = array<i32>} : memref<4x128xi32, #tpu.memory_space<vmem>>, vector<16xi32>,
    tpu.vector_store %arg12[%swap3A_521, %swap3A_522], %shift_right_arithmetic3A_519 {strides = array<i32>} : memref<4x128xi32, #tpu.memory_space<vmem>>, vector<16xi32>,
    %get3A_524 = arith.constant 2 : i32
    %get3A_525 = arith.index_cast %get3A_524 : i32 to index
    %get3A_526 = arith.constant 16 : index
    %get3A_527 = tpu.vector_load %arg9[%get3A_525, %get3A_526] {strides = array<i32>} : memref<4x128xi32, #tpu.memory_space<vmem>>, vector<16xi32>,
    %shift_right_arithmetic3A_528 = arith.constant 4 : i32
    %shift_right_arithmetic3A_529 = vector.broadcast %shift_right_arithmetic3A_528 : i32 to vector<16xi32>
    %shift_right_arithmetic3A_530 = arith.shrsi %get3A_527, %shift_right_arithmetic3A_529 : vector<16xi32>
    %swap3A_531 = arith.constant 2 : i32
    %swap3A_532 = arith.index_cast %swap3A_531 : i32 to index
    %swap3A_533 = arith.constant 16 : index
    %swap3A_534 = tpu.vector_load %arg11[%swap3A_532, %swap3A_533] {strides = array<i32>} : memref<4x128xi32, #tpu.memory_space<vmem>>, vector<16xi32>,
    tpu.vector_store %arg11[%swap3A_532, %swap3A_533], %shift_right_arithmetic3A_530 {strides = array<i32>} : memref<4x128xi32, #tpu.memory_space<vmem>>, vector<16xi32>,
    %get3A_535 = arith.constant 2 : i32
    %get3A_536 = arith.index_cast %get3A_535 : i32 to index
    %get3A_537 = arith.constant 16 : index
    %get3A_538 = tpu.vector_load %arg10[%get3A_536, %get3A_537] {strides = array<i32>} : memref<4x128xi32, #tpu.memory_space<vmem>>, vector<16xi32>,
    %shift_right_arithmetic3A_539 = arith.constant 4 : i32
    %shift_right_arithmetic3A_540 = vector.broadcast %shift_right_arithmetic3A_539 : i32 to vector<16xi32>
    %shift_right_arithmetic3A_541 = arith.shrsi %get3A_538, %shift_right_arithmetic3A_540 : vector<16xi32>
    %swap3A_542 = arith.constant 2 : i32
    %swap3A_543 = arith.index_cast %swap3A_542 : i32 to index
    %swap3A_544 = arith.constant 16 : index
    %swap3A_545 = tpu.vector_load %arg12[%swap3A_543, %swap3A_544] {strides = array<i32>} : memref<4x128xi32, #tpu.memory_space<vmem>>, vector<16xi32>,
    tpu.vector_store %arg12[%swap3A_543, %swap3A_544], %shift_right_arithmetic3A_541 {strides = array<i32>} : memref<4x128xi32, #tpu.memory_space<vmem>>, vector<16xi32>,
    %get3A_546 = arith.constant 2 : i32
    %get3A_547 = arith.index_cast %get3A_546 : i32 to index
    %get3A_548 = arith.constant 32 : index
    %get3A_549 = tpu.vector_load %arg9[%get3A_547, %get3A_548] {strides = array<i32>} : memref<4x128xi32, #tpu.memory_space<vmem>>, vector<16xi32>,
    %shift_right_arithmetic3A_550 = arith.constant 4 : i32
    %shift_right_arithmetic3A_551 = vector.broadcast %shift_right_arithmetic3A_550 : i32 to vector<16xi32>
    %shift_right_arithmetic3A_552 = arith.shrsi %get3A_549, %shift_right_arithmetic3A_551 : vector<16xi32>
    %swap3A_553 = arith.constant 2 : i32
    %swap3A_554 = arith.index_cast %swap3A_553 : i32 to index
    %swap3A_555 = arith.constant 32 : index
    %swap3A_556 = tpu.vector_load %arg11[%swap3A_554, %swap3A_555] {strides = array<i32>} : memref<4x128xi32, #tpu.memory_space<vmem>>, vector<16xi32>,
    tpu.vector_store %arg11[%swap3A_554, %swap3A_555], %shift_right_arithmetic3A_552 {strides = array<i32>} : memref<4x128xi32, #tpu.memory_space<vmem>>, vector<16xi32>,
    %get3A_557 = arith.constant 2 : i32
    %get3A_558 = arith.index_cast %get3A_557 : i32 to index
    %get3A_559 = arith.constant 32 : index
    %get3A_560 = tpu.vector_load %arg10[%get3A_558, %get3A_559] {strides = array<i32>} : memref<4x128xi32, #tpu.memory_space<vmem>>, vector<16xi32>,
    %shift_right_arithmetic3A_561 = arith.constant 4 : i32
    %shift_right_arithmetic3A_562 = vector.broadcast %shift_right_arithmetic3A_561 : i32 to vector<16xi32>
    %shift_right_arithmetic3A_563 = arith.shrsi %get3A_560, %shift_right_arithmetic3A_562 : vector<16xi32>
    %swap3A_564 = arith.constant 2 : i32
    %swap3A_565 = arith.index_cast %swap3A_564 : i32 to index
    %swap3A_566 = arith.constant 32 : index
    %swap3A_567 = tpu.vector_load %arg12[%swap3A_565, %swap3A_566] {strides = array<i32>} : memref<4x128xi32, #tpu.memory_space<vmem>>, vector<16xi32>,
    tpu.vector_store %arg12[%swap3A_565, %swap3A_566], %shift_right_arithmetic3A_563 {strides = array<i32>} : memref<4x128xi32, #tpu.memory_space<vmem>>, vector<16xi32>,
    %get3A_568 = arith.constant 2 : i32
    %get3A_569 = arith.index_cast %get3A_568 : i32 to index
    %get3A_570 = arith.constant 48 : index
    %get3A_571 = tpu.vector_load %arg9[%get3A_569, %get3A_570] {strides = array<i32>} : memref<4x128xi32, #tpu.memory_space<vmem>>, vector<16xi32>,
    %shift_right_arithmetic3A_572 = arith.constant 4 : i32
    %shift_right_arithmetic3A_573 = vector.broadcast %shift_right_arithmetic3A_572 : i32 to vector<16xi32>
    %shift_right_arithmetic3A_574 = arith.shrsi %get3A_571, %shift_right_arithmetic3A_573 : vector<16xi32>
    %swap3A_575 = arith.constant 2 : i32
    %swap3A_576 = arith.index_cast %swap3A_575 : i32 to index
    %swap3A_577 = arith.constant 48 : index
    %swap3A_578 = tpu.vector_load %arg11[%swap3A_576, %swap3A_577] {strides = array<i32>} : memref<4x128xi32, #tpu.memory_space<vmem>>, vector<16xi32>,
    tpu.vector_store %arg11[%swap3A_576, %swap3A_577], %shift_right_arithmetic3A_574 {strides = array<i32>} : memref<4x128xi32, #tpu.memory_space<vmem>>, vector<16xi32>,
    %get3A_579 = arith.constant 2 : i32
    %get3A_580 = arith.index_cast %get3A_579 : i32 to index
    %get3A_581 = arith.constant 48 : index
    %get3A_582 = tpu.vector_load %arg10[%get3A_580, %get3A_581] {strides = array<i32>} : memref<4x128xi32, #tpu.memory_space<vmem>>, vector<16xi32>,
    %shift_right_arithmetic3A_583 = arith.constant 4 : i32
    %shift_right_arithmetic3A_584 = vector.broadcast %shift_right_arithmetic3A_583 : i32 to vector<16xi32>
    %shift_right_arithmetic3A_585 = arith.shrsi %get3A_582, %shift_right_arithmetic3A_584 : vector<16xi32>
    %swap3A_586 = arith.constant 2 : i32
    %swap3A_587 = arith.index_cast %swap3A_586 : i32 to index
    %swap3A_588 = arith.constant 48 : index
    %swap3A_589 = tpu.vector_load %arg12[%swap3A_587, %swap3A_588] {strides = array<i32>} : memref<4x128xi32, #tpu.memory_space<vmem>>, vector<16xi32>,
    tpu.vector_store %arg12[%swap3A_587, %swap3A_588], %shift_right_arithmetic3A_585 {strides = array<i32>} : memref<4x128xi32, #tpu.memory_space<vmem>>, vector<16xi32>,
    %get3A_590 = arith.constant 2 : i32
    %get3A_591 = arith.index_cast %get3A_590 : i32 to index
    %get3A_592 = arith.constant 64 : index
    %get3A_593 = tpu.vector_load %arg9[%get3A_591, %get3A_592] {strides = array<i32>} : memref<4x128xi32, #tpu.memory_space<vmem>>, vector<16xi32>,
    %shift_right_arithmetic3A_594 = arith.constant 4 : i32
    %shift_right_arithmetic3A_595 = vector.broadcast %shift_right_arithmetic3A_594 : i32 to vector<16xi32>
    %shift_right_arithmetic3A_596 = arith.shrsi %get3A_593, %shift_right_arithmetic3A_595 : vector<16xi32>
    %swap3A_597 = arith.constant 2 : i32
    %swap3A_598 = arith.index_cast %swap3A_597 : i32 to index
    %swap3A_599 = arith.constant 64 : index
    %swap3A_600 = tpu.vector_load %arg11[%swap3A_598, %swap3A_599] {strides = array<i32>} : memref<4x128xi32, #tpu.memory_space<vmem>>, vector<16xi32>,
    tpu.vector_store %arg11[%swap3A_598, %swap3A_599], %shift_right_arithmetic3A_596 {strides = array<i32>} : memref<4x128xi32, #tpu.memory_space<vmem>>, vector<16xi32>,
    %get3A_601 = arith.constant 2 : i32
    %get3A_602 = arith.index_cast %get3A_601 : i32 to index
    %get3A_603 = arith.constant 64 : index
    %get3A_604 = tpu.vector_load %arg10[%get3A_602, %get3A_603] {strides = array<i32>} : memref<4x128xi32, #tpu.memory_space<vmem>>, vector<16xi32>,
    %shift_right_arithmetic3A_605 = arith.constant 4 : i32
    %shift_right_arithmetic3A_606 = vector.broadcast %shift_right_arithmetic3A_605 : i32 to vector<16xi32>
    %shift_right_arithmetic3A_607 = arith.shrsi %get3A_604, %shift_right_arithmetic3A_606 : vector<16xi32>
    %swap3A_608 = arith.constant 2 : i32
    %swap3A_609 = arith.index_cast %swap3A_608 : i32 to index
    %swap3A_610 = arith.constant 64 : index
    %swap3A_611 = tpu.vector_load %arg12[%swap3A_609, %swap3A_610] {strides = array<i32>} : memref<4x128xi32, #tpu.memory_space<vmem>>, vector<16xi32>,
    tpu.vector_store %arg12[%swap3A_609, %swap3A_610], %shift_right_arithmetic3A_607 {strides = array<i32>} : memref<4x128xi32, #tpu.memory_space<vmem>>, vector<16xi32>,
    %get3A_612 = arith.constant 2 : i32
    %get3A_613 = arith.index_cast %get3A_612 : i32 to index
    %get3A_614 = arith.constant 80 : index
    %get3A_615 = tpu.vector_load %arg9[%get3A_613, %get3A_614] {strides = array<i32>} : memref<4x128xi32, #tpu.memory_space<vmem>>, vector<16xi32>,
    %shift_right_arithmetic3A_616 = arith.constant 4 : i32
    %shift_right_arithmetic3A_617 = vector.broadcast %shift_right_arithmetic3A_616 : i32 to vector<16xi32>
    %shift_right_arithmetic3A_618 = arith.shrsi %get3A_615, %shift_right_arithmetic3A_617 : vector<16xi32>
    %swap3A_619 = arith.constant 2 : i32
    %swap3A_620 = arith.index_cast %swap3A_619 : i32 to index
    %swap3A_621 = arith.constant 80 : index
    %swap3A_622 = tpu.vector_load %arg11[%swap3A_620, %swap3A_621] {strides = array<i32>} : memref<4x128xi32, #tpu.memory_space<vmem>>, vector<16xi32>,
    tpu.vector_store %arg11[%swap3A_620, %swap3A_621], %shift_right_arithmetic3A_618 {strides = array<i32>} : memref<4x128xi32, #tpu.memory_space<vmem>>, vector<16xi32>,
    %get3A_623 = arith.constant 2 : i32
    %get3A_624 = arith.index_cast %get3A_623 : i32 to index
    %get3A_625 = arith.constant 80 : index
    %get3A_626 = tpu.vector_load %arg10[%get3A_624, %get3A_625] {strides = array<i32>} : memref<4x128xi32, #tpu.memory_space<vmem>>, vector<16xi32>,
    %shift_right_arithmetic3A_627 = arith.constant 4 : i32
    %shift_right_arithmetic3A_628 = vector.broadcast %shift_right_arithmetic3A_627 : i32 to vector<16xi32>
    %shift_right_arithmetic3A_629 = arith.shrsi %get3A_626, %shift_right_arithmetic3A_628 : vector<16xi32>
    %swap3A_630 = arith.constant 2 : i32
    %swap3A_631 = arith.index_cast %swap3A_630 : i32 to index
    %swap3A_632 = arith.constant 80 : index
    %swap3A_633 = tpu.vector_load %arg12[%swap3A_631, %swap3A_632] {strides = array<i32>} : memref<4x128xi32, #tpu.memory_space<vmem>>, vector<16xi32>,
    tpu.vector_store %arg12[%swap3A_631, %swap3A_632], %shift_right_arithmetic3A_629 {strides = array<i32>} : memref<4x128xi32, #tpu.memory_space<vmem>>, vector<16xi32>,
    %get3A_634 = arith.constant 2 : i32
    %get3A_635 = arith.index_cast %get3A_634 : i32 to index
    %get3A_636 = arith.constant 96 : index
    %get3A_637 = tpu.vector_load %arg9[%get3A_635, %get3A_636] {strides = array<i32>} : memref<4x128xi32, #tpu.memory_space<vmem>>, vector<16xi32>,
    %shift_right_arithmetic3A_638 = arith.constant 4 : i32
    %shift_right_arithmetic3A_639 = vector.broadcast %shift_right_arithmetic3A_638 : i32 to vector<16xi32>
    %shift_right_arithmetic3A_640 = arith.shrsi %get3A_637, %shift_right_arithmetic3A_639 : vector<16xi32>
    %swap3A_641 = arith.constant 2 : i32
    %swap3A_642 = arith.index_cast %swap3A_641 : i32 to index
    %swap3A_643 = arith.constant 96 : index
    %swap3A_644 = tpu.vector_load %arg11[%swap3A_642, %swap3A_643] {strides = array<i32>} : memref<4x128xi32, #tpu.memory_space<vmem>>, vector<16xi32>,
    tpu.vector_store %arg11[%swap3A_642, %swap3A_643], %shift_right_arithmetic3A_640 {strides = array<i32>} : memref<4x128xi32, #tpu.memory_space<vmem>>, vector<16xi32>,
    %get3A_645 = arith.constant 2 : i32
    %get3A_646 = arith.index_cast %get3A_645 : i32 to index
    %get3A_647 = arith.constant 96 : index
    %get3A_648 = tpu.vector_load %arg10[%get3A_646, %get3A_647] {strides = array<i32>} : memref<4x128xi32, #tpu.memory_space<vmem>>, vector<16xi32>,
    %shift_right_arithmetic3A_649 = arith.constant 4 : i32
    %shift_right_arithmetic3A_650 = vector.broadcast %shift_right_arithmetic3A_649 : i32 to vector<16xi32>
    %shift_right_arithmetic3A_651 = arith.shrsi %get3A_648, %shift_right_arithmetic3A_650 : vector<16xi32>
    %swap3A_652 = arith.constant 2 : i32
    %swap3A_653 = arith.index_cast %swap3A_652 : i32 to index
    %swap3A_654 = arith.constant 96 : index
    %swap3A_655 = tpu.vector_load %arg12[%swap3A_653, %swap3A_654] {strides = array<i32>} : memref<4x128xi32, #tpu.memory_space<vmem>>, vector<16xi32>,
    tpu.vector_store %arg12[%swap3A_653, %swap3A_654], %shift_right_arithmetic3A_651 {strides = array<i32>} : memref<4x128xi32, #tpu.memory_space<vmem>>, vector<16xi32>,
    %get3A_656 = arith.constant 2 : i32
    %get3A_657 = arith.index_cast %get3A_656 : i32 to index
    %get3A_658 = arith.constant 112 : index
    %get3A_659 = tpu.vector_load %arg9[%get3A_657, %get3A_658] {strides = array<i32>} : memref<4x128xi32, #tpu.memory_space<vmem>>, vector<16xi32>,
    %shift_right_arithmetic3A_660 = arith.constant 4 : i32
    %shift_right_arithmetic3A_661 = vector.broadcast %shift_right_arithmetic3A_660 : i32 to vector<16xi32>
    %shift_right_arithmetic3A_662 = arith.shrsi %get3A_659, %shift_right_arithmetic3A_661 : vector<16xi32>
    %swap3A_663 = arith.constant 2 : i32
    %swap3A_664 = arith.index_cast %swap3A_663 : i32 to index
    %swap3A_665 = arith.constant 112 : index
    %swap3A_666 = tpu.vector_load %arg11[%swap3A_664, %swap3A_665] {strides = array<i32>} : memref<4x128xi32, #tpu.memory_space<vmem>>, vector<16xi32>,
    tpu.vector_store %arg11[%swap3A_664, %swap3A_665], %shift_right_arithmetic3A_662 {strides = array<i32>} : memref<4x128xi32, #tpu.memory_space<vmem>>, vector<16xi32>,
    %get3A_667 = arith.constant 2 : i32
    %get3A_668 = arith.index_cast %get3A_667 : i32 to index
    %get3A_669 = arith.constant 112 : index
    %get3A_670 = tpu.vector_load %arg10[%get3A_668, %get3A_669] {strides = array<i32>} : memref<4x128xi32, #tpu.memory_space<vmem>>, vector<16xi32>,
    %shift_right_arithmetic3A_671 = arith.constant 4 : i32
    %shift_right_arithmetic3A_672 = vector.broadcast %shift_right_arithmetic3A_671 : i32 to vector<16xi32>
    %shift_right_arithmetic3A_673 = arith.shrsi %get3A_670, %shift_right_arithmetic3A_672 : vector<16xi32>
    %swap3A_674 = arith.constant 2 : i32
    %swap3A_675 = arith.index_cast %swap3A_674 : i32 to index
    %swap3A_676 = arith.constant 112 : index
    %swap3A_677 = tpu.vector_load %arg12[%swap3A_675, %swap3A_676] {strides = array<i32>} : memref<4x128xi32, #tpu.memory_space<vmem>>, vector<16xi32>,
    tpu.vector_store %arg12[%swap3A_675, %swap3A_676], %shift_right_arithmetic3A_673 {strides = array<i32>} : memref<4x128xi32, #tpu.memory_space<vmem>>, vector<16xi32>,
    %get3A_678 = arith.constant 3 : i32
    %get3A_679 = arith.index_cast %get3A_678 : i32 to index
    %get3A_680 = arith.constant 0 : index
    %get3A_681 = tpu.vector_load %arg9[%get3A_679, %get3A_680] {strides = array<i32>} : memref<4x128xi32, #tpu.memory_space<vmem>>, vector<16xi32>,
    %shift_right_arithmetic3A_682 = arith.constant 4 : i32
    %shift_right_arithmetic3A_683 = vector.broadcast %shift_right_arithmetic3A_682 : i32 to vector<16xi32>
    %shift_right_arithmetic3A_684 = arith.shrsi %get3A_681, %shift_right_arithmetic3A_683 : vector<16xi32>
    %swap3A_685 = arith.constant 3 : i32
    %swap3A_686 = arith.index_cast %swap3A_685 : i32 to index
    %swap3A_687 = arith.constant 0 : index
    %swap3A_688 = tpu.vector_load %arg11[%swap3A_686, %swap3A_687] {strides = array<i32>} : memref<4x128xi32, #tpu.memory_space<vmem>>, vector<16xi32>,
    tpu.vector_store %arg11[%swap3A_686, %swap3A_687], %shift_right_arithmetic3A_684 {strides = array<i32>} : memref<4x128xi32, #tpu.memory_space<vmem>>, vector<16xi32>,
    %get3A_689 = arith.constant 3 : i32
    %get3A_690 = arith.index_cast %get3A_689 : i32 to index
    %get3A_691 = arith.constant 0 : index
    %get3A_692 = tpu.vector_load %arg10[%get3A_690, %get3A_691] {strides = array<i32>} : memref<4x128xi32, #tpu.memory_space<vmem>>, vector<16xi32>,
    %shift_right_arithmetic3A_693 = arith.constant 4 : i32
    %shift_right_arithmetic3A_694 = vector.broadcast %shift_right_arithmetic3A_693 : i32 to vector<16xi32>
    %shift_right_arithmetic3A_695 = arith.shrsi %get3A_692, %shift_right_arithmetic3A_694 : vector<16xi32>
    %swap3A_696 = arith.constant 3 : i32
    %swap3A_697 = arith.index_cast %swap3A_696 : i32 to index
    %swap3A_698 = arith.constant 0 : index
    %swap3A_699 = tpu.vector_load %arg12[%swap3A_697, %swap3A_698] {strides = array<i32>} : memref<4x128xi32, #tpu.memory_space<vmem>>, vector<16xi32>,
    tpu.vector_store %arg12[%swap3A_697, %swap3A_698], %shift_right_arithmetic3A_695 {strides = array<i32>} : memref<4x128xi32, #tpu.memory_space<vmem>>, vector<16xi32>,
    %get3A_700 = arith.constant 3 : i32
    %get3A_701 = arith.index_cast %get3A_700 : i32 to index
    %get3A_702 = arith.constant 16 : index
    %get3A_703 = tpu.vector_load %arg9[%get3A_701, %get3A_702] {strides = array<i32>} : memref<4x128xi32, #tpu.memory_space<vmem>>, vector<16xi32>,
    %shift_right_arithmetic3A_704 = arith.constant 4 : i32
    %shift_right_arithmetic3A_705 = vector.broadcast %shift_right_arithmetic3A_704 : i32 to vector<16xi32>
    %shift_right_arithmetic3A_706 = arith.shrsi %get3A_703, %shift_right_arithmetic3A_705 : vector<16xi32>
    %swap3A_707 = arith.constant 3 : i32
    %swap3A_708 = arith.index_cast %swap3A_707 : i32 to index
    %swap3A_709 = arith.constant 16 : index
    %swap3A_710 = tpu.vector_load %arg11[%swap3A_708, %swap3A_709] {strides = array<i32>} : memref<4x128xi32, #tpu.memory_space<vmem>>, vector<16xi32>,
    tpu.vector_store %arg11[%swap3A_708, %swap3A_709], %shift_right_arithmetic3A_706 {strides = array<i32>} : memref<4x128xi32, #tpu.memory_space<vmem>>, vector<16xi32>,
    %get3A_711 = arith.constant 3 : i32
    %get3A_712 = arith.index_cast %get3A_711 : i32 to index
    %get3A_713 = arith.constant 16 : index
    %get3A_714 = tpu.vector_load %arg10[%get3A_712, %get3A_713] {strides = array<i32>} : memref<4x128xi32, #tpu.memory_space<vmem>>, vector<16xi32>,
    %shift_right_arithmetic3A_715 = arith.constant 4 : i32
    %shift_right_arithmetic3A_716 = vector.broadcast %shift_right_arithmetic3A_715 : i32 to vector<16xi32>
    %shift_right_arithmetic3A_717 = arith.shrsi %get3A_714, %shift_right_arithmetic3A_716 : vector<16xi32>
    %swap3A_718 = arith.constant 3 : i32
    %swap3A_719 = arith.index_cast %swap3A_718 : i32 to index
    %swap3A_720 = arith.constant 16 : index
    %swap3A_721 = tpu.vector_load %arg12[%swap3A_719, %swap3A_720] {strides = array<i32>} : memref<4x128xi32, #tpu.memory_space<vmem>>, vector<16xi32>,
    tpu.vector_store %arg12[%swap3A_719, %swap3A_720], %shift_right_arithmetic3A_717 {strides = array<i32>} : memref<4x128xi32, #tpu.memory_space<vmem>>, vector<16xi32>,
    %get3A_722 = arith.constant 3 : i32
    %get3A_723 = arith.index_cast %get3A_722 : i32 to index
    %get3A_724 = arith.constant 32 : index
    %get3A_725 = tpu.vector_load %arg9[%get3A_723, %get3A_724] {strides = array<i32>} : memref<4x128xi32, #tpu.memory_space<vmem>>, vector<16xi32>,
    %shift_right_arithmetic3A_726 = arith.constant 4 : i32
    %shift_right_arithmetic3A_727 = vector.broadcast %shift_right_arithmetic3A_726 : i32 to vector<16xi32>
    %shift_right_arithmetic3A_728 = arith.shrsi %get3A_725, %shift_right_arithmetic3A_727 : vector<16xi32>
    %swap3A_729 = arith.constant 3 : i32
    %swap3A_730 = arith.index_cast %swap3A_729 : i32 to index
    %swap3A_731 = arith.constant 32 : index
    %swap3A_732 = tpu.vector_load %arg11[%swap3A_730, %swap3A_731] {strides = array<i32>} : memref<4x128xi32, #tpu.memory_space<vmem>>, vector<16xi32>,
    tpu.vector_store %arg11[%swap3A_730, %swap3A_731], %shift_right_arithmetic3A_728 {strides = array<i32>} : memref<4x128xi32, #tpu.memory_space<vmem>>, vector<16xi32>,
    %get3A_733 = arith.constant 3 : i32
    %get3A_734 = arith.index_cast %get3A_733 : i32 to index
    %get3A_735 = arith.constant 32 : index
    %get3A_736 = tpu.vector_load %arg10[%get3A_734, %get3A_735] {strides = array<i32>} : memref<4x128xi32, #tpu.memory_space<vmem>>, vector<16xi32>,
    %shift_right_arithmetic3A_737 = arith.constant 4 : i32
    %shift_right_arithmetic3A_738 = vector.broadcast %shift_right_arithmetic3A_737 : i32 to vector<16xi32>
    %shift_right_arithmetic3A_739 = arith.shrsi %get3A_736, %shift_right_arithmetic3A_738 : vector<16xi32>
    %swap3A_740 = arith.constant 3 : i32
    %swap3A_741 = arith.index_cast %swap3A_740 : i32 to index
    %swap3A_742 = arith.constant 32 : index
    %swap3A_743 = tpu.vector_load %arg12[%swap3A_741, %swap3A_742] {strides = array<i32>} : memref<4x128xi32, #tpu.memory_space<vmem>>, vector<16xi32>,
    tpu.vector_store %arg12[%swap3A_741, %swap3A_742], %shift_right_arithmetic3A_739 {strides = array<i32>} : memref<4x128xi32, #tpu.memory_space<vmem>>, vector<16xi32>,
    %get3A_744 = arith.constant 3 : i32
    %get3A_745 = arith.index_cast %get3A_744 : i32 to index
    %get3A_746 = arith.constant 48 : index
    %get3A_747 = tpu.vector_load %arg9[%get3A_745, %get3A_746] {strides = array<i32>} : memref<4x128xi32, #tpu.memory_space<vmem>>, vector<16xi32>,
    %shift_right_arithmetic3A_748 = arith.constant 4 : i32
    %shift_right_arithmetic3A_749 = vector.broadcast %shift_right_arithmetic3A_748 : i32 to vector<16xi32>
    %shift_right_arithmetic3A_750 = arith.shrsi %get3A_747, %shift_right_arithmetic3A_749 : vector<16xi32>
    %swap3A_751 = arith.constant 3 : i32
    %swap3A_752 = arith.index_cast %swap3A_751 : i32 to index
    %swap3A_753 = arith.constant 48 : index
    %swap3A_754 = tpu.vector_load %arg11[%swap3A_752, %swap3A_753] {strides = array<i32>} : memref<4x128xi32, #tpu.memory_space<vmem>>, vector<16xi32>,
    tpu.vector_store %arg11[%swap3A_752, %swap3A_753], %shift_right_arithmetic3A_750 {strides = array<i32>} : memref<4x128xi32, #tpu.memory_space<vmem>>, vector<16xi32>,
    %get3A_755 = arith.constant 3 : i32
    %get3A_756 = arith.index_cast %get3A_755 : i32 to index
    %get3A_757 = arith.constant 48 : index
    %get3A_758 = tpu.vector_load %arg10[%get3A_756, %get3A_757] {strides = array<i32>} : memref<4x128xi32, #tpu.memory_space<vmem>>, vector<16xi32>,
    %shift_right_arithmetic3A_759 = arith.constant 4 : i32
    %shift_right_arithmetic3A_760 = vector.broadcast %shift_right_arithmetic3A_759 : i32 to vector<16xi32>
    %shift_right_arithmetic3A_761 = arith.shrsi %get3A_758, %shift_right_arithmetic3A_760 : vector<16xi32>
    %swap3A_762 = arith.constant 3 : i32
    %swap3A_763 = arith.index_cast %swap3A_762 : i32 to index
    %swap3A_764 = arith.constant 48 : index
    %swap3A_765 = tpu.vector_load %arg12[%swap3A_763, %swap3A_764] {strides = array<i32>} : memref<4x128xi32, #tpu.memory_space<vmem>>, vector<16xi32>,
    tpu.vector_store %arg12[%swap3A_763, %swap3A_764], %shift_right_arithmetic3A_761 {strides = array<i32>} : memref<4x128xi32, #tpu.memory_space<vmem>>, vector<16xi32>,
    %get3A_766 = arith.constant 3 : i32
    %get3A_767 = arith.index_cast %get3A_766 : i32 to index
    %get3A_768 = arith.constant 64 : index
    %get3A_769 = tpu.vector_load %arg9[%get3A_767, %get3A_768] {strides = array<i32>} : memref<4x128xi32, #tpu.memory_space<vmem>>, vector<16xi32>,
    %shift_right_arithmetic3A_770 = arith.constant 4 : i32
    %shift_right_arithmetic3A_771 = vector.broadcast %shift_right_arithmetic3A_770 : i32 to vector<16xi32>
    %shift_right_arithmetic3A_772 = arith.shrsi %get3A_769, %shift_right_arithmetic3A_771 : vector<16xi32>
    %swap3A_773 = arith.constant 3 : i32
    %swap3A_774 = arith.index_cast %swap3A_773 : i32 to index
    %swap3A_775 = arith.constant 64 : index
    %swap3A_776 = tpu.vector_load %arg11[%swap3A_774, %swap3A_775] {strides = array<i32>} : memref<4x128xi32, #tpu.memory_space<vmem>>, vector<16xi32>,
    tpu.vector_store %arg11[%swap3A_774, %swap3A_775], %shift_right_arithmetic3A_772 {strides = array<i32>} : memref<4x128xi32, #tpu.memory_space<vmem>>, vector<16xi32>,
    %get3A_777 = arith.constant 3 : i32
    %get3A_778 = arith.index_cast %get3A_777 : i32 to index
    %get3A_779 = arith.constant 64 : index
    %get3A_780 = tpu.vector_load %arg10[%get3A_778, %get3A_779] {strides = array<i32>} : memref<4x128xi32, #tpu.memory_space<vmem>>, vector<16xi32>,
    %shift_right_arithmetic3A_781 = arith.constant 4 : i32
    %shift_right_arithmetic3A_782 = vector.broadcast %shift_right_arithmetic3A_781 : i32 to vector<16xi32>
    %shift_right_arithmetic3A_783 = arith.shrsi %get3A_780, %shift_right_arithmetic3A_782 : vector<16xi32>
    %swap3A_784 = arith.constant 3 : i32
    %swap3A_785 = arith.index_cast %swap3A_784 : i32 to index
    %swap3A_786 = arith.constant 64 : index
    %swap3A_787 = tpu.vector_load %arg12[%swap3A_785, %swap3A_786] {strides = array<i32>} : memref<4x128xi32, #tpu.memory_space<vmem>>, vector<16xi32>,
    tpu.vector_store %arg12[%swap3A_785, %swap3A_786], %shift_right_arithmetic3A_783 {strides = array<i32>} : memref<4x128xi32, #tpu.memory_space<vmem>>, vector<16xi32>,
    %get3A_788 = arith.constant 3 : i32
    %get3A_789 = arith.index_cast %get3A_788 : i32 to index
    %get3A_790 = arith.constant 80 : index
    %get3A_791 = tpu.vector_load %arg9[%get3A_789, %get3A_790] {strides = array<i32>} : memref<4x128xi32, #tpu.memory_space<vmem>>, vector<16xi32>,
    %shift_right_arithmetic3A_792 = arith.constant 4 : i32
    %shift_right_arithmetic3A_793 = vector.broadcast %shift_right_arithmetic3A_792 : i32 to vector<16xi32>
    %shift_right_arithmetic3A_794 = arith.shrsi %get3A_791, %shift_right_arithmetic3A_793 : vector<16xi32>
    %swap3A_795 = arith.constant 3 : i32
    %swap3A_796 = arith.index_cast %swap3A_795 : i32 to index
    %swap3A_797 = arith.constant 80 : index
    %swap3A_798 = tpu.vector_load %arg11[%swap3A_796, %swap3A_797] {strides = array<i32>} : memref<4x128xi32, #tpu.memory_space<vmem>>, vector<16xi32>,
    tpu.vector_store %arg11[%swap3A_796, %swap3A_797], %shift_right_arithmetic3A_794 {strides = array<i32>} : memref<4x128xi32, #tpu.memory_space<vmem>>, vector<16xi32>,
    %get3A_799 = arith.constant 3 : i32
    %get3A_800 = arith.index_cast %get3A_799 : i32 to index
    %get3A_801 = arith.constant 80 : index
    %get3A_802 = tpu.vector_load %arg10[%get3A_800, %get3A_801] {strides = array<i32>} : memref<4x128xi32, #tpu.memory_space<vmem>>, vector<16xi32>,
    %shift_right_arithmetic3A_803 = arith.constant 4 : i32
    %shift_right_arithmetic3A_804 = vector.broadcast %shift_right_arithmetic3A_803 : i32 to vector<16xi32>
    %shift_right_arithmetic3A_805 = arith.shrsi %get3A_802, %shift_right_arithmetic3A_804 : vector<16xi32>
    %swap3A_806 = arith.constant 3 : i32
    %swap3A_807 = arith.index_cast %swap3A_806 : i32 to index
    %swap3A_808 = arith.constant 80 : index
    %swap3A_809 = tpu.vector_load %arg12[%swap3A_807, %swap3A_808] {strides = array<i32>} : memref<4x128xi32, #tpu.memory_space<vmem>>, vector<16xi32>,
    tpu.vector_store %arg12[%swap3A_807, %swap3A_808], %shift_right_arithmetic3A_805 {strides = array<i32>} : memref<4x128xi32, #tpu.memory_space<vmem>>, vector<16xi32>,
    %get3A_810 = arith.constant 3 : i32
    %get3A_811 = arith.index_cast %get3A_810 : i32 to index
    %get3A_812 = arith.constant 96 : index
    %get3A_813 = tpu.vector_load %arg9[%get3A_811, %get3A_812] {strides = array<i32>} : memref<4x128xi32, #tpu.memory_space<vmem>>, vector<16xi32>,
    %shift_right_arithmetic3A_814 = arith.constant 4 : i32
    %shift_right_arithmetic3A_815 = vector.broadcast %shift_right_arithmetic3A_814 : i32 to vector<16xi32>
    %shift_right_arithmetic3A_816 = arith.shrsi %get3A_813, %shift_right_arithmetic3A_815 : vector<16xi32>
    %swap3A_817 = arith.constant 3 : i32
    %swap3A_818 = arith.index_cast %swap3A_817 : i32 to index
    %swap3A_819 = arith.constant 96 : index
    %swap3A_820 = tpu.vector_load %arg11[%swap3A_818, %swap3A_819] {strides = array<i32>} : memref<4x128xi32, #tpu.memory_space<vmem>>, vector<16xi32>,
    tpu.vector_store %arg11[%swap3A_818, %swap3A_819], %shift_right_arithmetic3A_816 {strides = array<i32>} : memref<4x128xi32, #tpu.memory_space<vmem>>, vector<16xi32>,
    %get3A_821 = arith.constant 3 : i32
    %get3A_822 = arith.index_cast %get3A_821 : i32 to index
    %get3A_823 = arith.constant 96 : index
    %get3A_824 = tpu.vector_load %arg10[%get3A_822, %get3A_823] {strides = array<i32>} : memref<4x128xi32, #tpu.memory_space<vmem>>, vector<16xi32>,
    %shift_right_arithmetic3A_825 = arith.constant 4 : i32
    %shift_right_arithmetic3A_826 = vector.broadcast %shift_right_arithmetic3A_825 : i32 to vector<16xi32>
    %shift_right_arithmetic3A_827 = arith.shrsi %get3A_824, %shift_right_arithmetic3A_826 : vector<16xi32>
    %swap3A_828 = arith.constant 3 : i32
    %swap3A_829 = arith.index_cast %swap3A_828 : i32 to index
    %swap3A_830 = arith.constant 96 : index
    %swap3A_831 = tpu.vector_load %arg12[%swap3A_829, %swap3A_830] {strides = array<i32>} : memref<4x128xi32, #tpu.memory_space<vmem>>, vector<16xi32>,
    tpu.vector_store %arg12[%swap3A_829, %swap3A_830], %shift_right_arithmetic3A_827 {strides = array<i32>} : memref<4x128xi32, #tpu.memory_space<vmem>>, vector<16xi32>,
    %get3A_832 = arith.constant 3 : i32
    %get3A_833 = arith.index_cast %get3A_832 : i32 to index
    %get3A_834 = arith.constant 112 : index
    %get3A_835 = tpu.vector_load %arg9[%get3A_833, %get3A_834] {strides = array<i32>} : memref<4x128xi32, #tpu.memory_space<vmem>>, vector<16xi32>,
    %shift_right_arithmetic3A_836 = arith.constant 4 : i32
    %shift_right_arithmetic3A_837 = vector.broadcast %shift_right_arithmetic3A_836 : i32 to vector<16xi32>
    %shift_right_arithmetic3A_838 = arith.shrsi %get3A_835, %shift_right_arithmetic3A_837 : vector<16xi32>
    %swap3A_839 = arith.constant 3 : i32
    %swap3A_840 = arith.index_cast %swap3A_839 : i32 to index
    %swap3A_841 = arith.constant 112 : index
    %swap3A_842 = tpu.vector_load %arg11[%swap3A_840, %swap3A_841] {strides = array<i32>} : memref<4x128xi32, #tpu.memory_space<vmem>>, vector<16xi32>,
    tpu.vector_store %arg11[%swap3A_840, %swap3A_841], %shift_right_arithmetic3A_838 {strides = array<i32>} : memref<4x128xi32, #tpu.memory_space<vmem>>, vector<16xi32>,
    %get3A_843 = arith.constant 3 : i32
    %get3A_844 = arith.index_cast %get3A_843 : i32 to index
    %get3A_845 = arith.constant 112 : index
    %get3A_846 = tpu.vector_load %arg10[%get3A_844, %get3A_845] {strides = array<i32>} : memref<4x128xi32, #tpu.memory_space<vmem>>, vector<16xi32>,
    %shift_right_arithmetic3A_847 = arith.constant 4 : i32
    %shift_right_arithmetic3A_848 = vector.broadcast %shift_right_arithmetic3A_847 : i32 to vector<16xi32>
    %shift_right_arithmetic3A_849 = arith.shrsi %get3A_846, %shift_right_arithmetic3A_848 : vector<16xi32>
    %swap3A_850 = arith.constant 3 : i32
    %swap3A_851 = arith.index_cast %swap3A_850 : i32 to index
    %swap3A_852 = arith.constant 112 : index
    %swap3A_853 = tpu.vector_load %arg12[%swap3A_851, %swap3A_852] {strides = array<i32>} : memref<4x128xi32, #tpu.memory_space<vmem>>, vector<16xi32>,
    tpu.vector_store %arg12[%swap3A_851, %swap3A_852], %shift_right_arithmetic3A_849 {strides = array<i32>} : memref<4x128xi32, #tpu.memory_space<vmem>>, vector<16xi32>,
    %dma_start3A_854 = arith.constant 0 : i32
    %dma_start3A_855 = arith.constant 0 : i32
    %dma_start3A_856 = arith.constant 0 : i32
    %dma_start3A_857 = arith.constant 0 : i32
    %dma_start3A_858 = tpu.memref_slice %arg13[%dma_start3A_855, %dma_start3A_856, %dma_start3A_857] : memref<4x128x64xf32, #tpu.memory_space<vmem>> -> memref<1x128x64xf32, #tpu.memory_space<vmem>>
    %dma_start3A_859 = tpu.memref_squeeze %dma_start3A_858 : memref<1x128x64xf32, #tpu.memory_space<vmem>> -> memref<128x64xf32, #tpu.memory_space<vmem>>
    %dma_start3A_860 = arith.constant 0 : i32
    %dma_start3A_861 = tpu.memref_slice %arg9[%dma_start3A_854, %dma_start3A_860] : memref<4x128xi32, #tpu.memory_space<vmem>> -> memref<1x128xi32, #tpu.memory_space<vmem>>
    %dma_start3A_862 = tpu.memref_squeeze %dma_start3A_861 : memref<1x128xi32, #tpu.memory_space<vmem>> -> memref<128xi32, #tpu.memory_space<vmem>>
    %dma_start3A_863 = arith.constant 0 : i32
    %dma_start3A_864 = arith.constant 0 : i32
    %dma_start3A_865 = tpu.memref_slice %arg4[%dma_start3A_863, %dma_start3A_864] : memref<1000000x64xf32, #tpu.memory_space<hbm>> -> memref<1000000x64xf32, #tpu.memory_space<hbm>>
    tpu.enqueue_indirect_dma source(%dma_start3A_865 : memref<1000000x64xf32, #tpu.memory_space<hbm>>) target(%dma_start3A_859 : memref<128x64xf32, #tpu.memory_space<vmem>>) offsets(%dma_start3A_862 : memref<128xi32, #tpu.memory_space<vmem>>) semaphore(%arg18 : memref<!tpu.dma_semaphore, #tpu.memory_space<semaphore_mem>>)
    %dma_start3A_866 = arith.constant 0 : i32
    %dma_start3A_867 = arith.constant 0 : i32
    %dma_start3A_868 = arith.constant 0 : i32
    %dma_start3A_869 = arith.constant 0 : i32
    %dma_start3A_870 = tpu.memref_slice %arg14[%dma_start3A_867, %dma_start3A_868, %dma_start3A_869] : memref<4x128x64xf32, #tpu.memory_space<vmem>> -> memref<1x128x64xf32, #tpu.memory_space<vmem>>
    %dma_start3A_871 = tpu.memref_squeeze %dma_start3A_870 : memref<1x128x64xf32, #tpu.memory_space<vmem>> -> memref<128x64xf32, #tpu.memory_space<vmem>>
    %dma_start3A_872 = arith.constant 0 : i32
    %dma_start3A_873 = tpu.memref_slice %arg10[%dma_start3A_866, %dma_start3A_872] : memref<4x128xi32, #tpu.memory_space<vmem>> -> memref<1x128xi32, #tpu.memory_space<vmem>>
    %dma_start3A_874 = tpu.memref_squeeze %dma_start3A_873 : memref<1x128xi32, #tpu.memory_space<vmem>> -> memref<128xi32, #tpu.memory_space<vmem>>
    %dma_start3A_875 = arith.constant 0 : i32
    %dma_start3A_876 = arith.constant 0 : i32
    %dma_start3A_877 = tpu.memref_slice %arg6[%dma_start3A_875, %dma_start3A_876] : memref<100000x64xf32, #tpu.memory_space<hbm>> -> memref<100000x64xf32, #tpu.memory_space<hbm>>
    tpu.enqueue_indirect_dma source(%dma_start3A_877 : memref<100000x64xf32, #tpu.memory_space<hbm>>) target(%dma_start3A_871 : memref<128x64xf32, #tpu.memory_space<vmem>>) offsets(%dma_start3A_874 : memref<128xi32, #tpu.memory_space<vmem>>) semaphore(%arg18 : memref<!tpu.dma_semaphore, #tpu.memory_space<semaphore_mem>>)
    %dma_start3A_878 = arith.constant 0 : i32
    %dma_start3A_879 = arith.constant 0 : i32
    %dma_start3A_880 = arith.constant 0 : i32
    %dma_start3A_881 = arith.constant 0 : i32
    %dma_start3A_882 = tpu.memref_slice %arg15[%dma_start3A_879, %dma_start3A_880, %dma_start3A_881] : memref<4x128x16xf32, #tpu.memory_space<vmem>> -> memref<1x128x16xf32, #tpu.memory_space<vmem>>
    %dma_start3A_883 = tpu.memref_squeeze %dma_start3A_882 : memref<1x128x16xf32, #tpu.memory_space<vmem>> -> memref<128x16xf32, #tpu.memory_space<vmem>>
    %dma_start3A_884 = arith.constant 0 : i32
    %dma_start3A_885 = tpu.memref_slice %arg11[%dma_start3A_878, %dma_start3A_884] : memref<4x128xi32, #tpu.memory_space<vmem>> -> memref<1x128xi32, #tpu.memory_space<vmem>>
    %dma_start3A_886 = tpu.memref_squeeze %dma_start3A_885 : memref<1x128xi32, #tpu.memory_space<vmem>> -> memref<128xi32, #tpu.memory_space<vmem>>
    %dma_start3A_887 = arith.constant 0 : i32
    %dma_start3A_888 = arith.constant 0 : i32
    %dma_start3A_889 = tpu.memref_slice %arg5[%dma_start3A_887, %dma_start3A_888] : memref<62500x16xf32, #tpu.memory_space<hbm>> -> memref<62500x16xf32, #tpu.memory_space<hbm>>
    tpu.enqueue_indirect_dma source(%dma_start3A_889 : memref<62500x16xf32, #tpu.memory_space<hbm>>) target(%dma_start3A_883 : memref<128x16xf32, #tpu.memory_space<vmem>>) offsets(%dma_start3A_886 : memref<128xi32, #tpu.memory_space<vmem>>) semaphore(%arg18 : memref<!tpu.dma_semaphore, #tpu.memory_space<semaphore_mem>>)
    %dma_start3A_890 = arith.constant 0 : i32
    %dma_start3A_891 = arith.constant 0 : i32
    %dma_start3A_892 = arith.constant 0 : i32
    %dma_start3A_893 = arith.constant 0 : i32
    %dma_start3A_894 = tpu.memref_slice %arg16[%dma_start3A_891, %dma_start3A_892, %dma_start3A_893] : memref<4x128x16xf32, #tpu.memory_space<vmem>> -> memref<1x128x16xf32, #tpu.memory_space<vmem>>
    %dma_start3A_895 = tpu.memref_squeeze %dma_start3A_894 : memref<1x128x16xf32, #tpu.memory_space<vmem>> -> memref<128x16xf32, #tpu.memory_space<vmem>>
    %dma_start3A_896 = arith.constant 0 : i32
    %dma_start3A_897 = tpu.memref_slice %arg12[%dma_start3A_890, %dma_start3A_896] : memref<4x128xi32, #tpu.memory_space<vmem>> -> memref<1x128xi32, #tpu.memory_space<vmem>>
    %dma_start3A_898 = tpu.memref_squeeze %dma_start3A_897 : memref<1x128xi32, #tpu.memory_space<vmem>> -> memref<128xi32, #tpu.memory_space<vmem>>
    %dma_start3A_899 = arith.constant 0 : i32
    %dma_start3A_900 = arith.constant 0 : i32
    %dma_start3A_901 = tpu.memref_slice %arg7[%dma_start3A_899, %dma_start3A_900] : memref<6250x16xf32, #tpu.memory_space<hbm>> -> memref<6250x16xf32, #tpu.memory_space<hbm>>
    tpu.enqueue_indirect_dma source(%dma_start3A_901 : memref<6250x16xf32, #tpu.memory_space<hbm>>) target(%dma_start3A_895 : memref<128x16xf32, #tpu.memory_space<vmem>>) offsets(%dma_start3A_898 : memref<128xi32, #tpu.memory_space<vmem>>) semaphore(%arg18 : memref<!tpu.dma_semaphore, #tpu.memory_space<semaphore_mem>>)
    %dma_start3A_902 = arith.constant 1 : i32
    %dma_start3A_903 = arith.constant 1 : i32
    %dma_start3A_904 = arith.constant 0 : i32
    %dma_start3A_905 = arith.constant 0 : i32
    %dma_start3A_906 = tpu.memref_slice %arg13[%dma_start3A_903, %dma_start3A_904, %dma_start3A_905] : memref<4x128x64xf32, #tpu.memory_space<vmem>> -> memref<1x128x64xf32, #tpu.memory_space<vmem>>
    %dma_start3A_907 = tpu.memref_squeeze %dma_start3A_906 : memref<1x128x64xf32, #tpu.memory_space<vmem>> -> memref<128x64xf32, #tpu.memory_space<vmem>>
    %dma_start3A_908 = arith.constant 0 : i32
    %dma_start3A_909 = tpu.memref_slice %arg9[%dma_start3A_902, %dma_start3A_908] : memref<4x128xi32, #tpu.memory_space<vmem>> -> memref<1x128xi32, #tpu.memory_space<vmem>>
    %dma_start3A_910 = tpu.memref_squeeze %dma_start3A_909 : memref<1x128xi32, #tpu.memory_space<vmem>> -> memref<128xi32, #tpu.memory_space<vmem>>
    %dma_start3A_911 = arith.constant 0 : i32
    %dma_start3A_912 = arith.constant 0 : i32
    %dma_start3A_913 = tpu.memref_slice %arg4[%dma_start3A_911, %dma_start3A_912] : memref<1000000x64xf32, #tpu.memory_space<hbm>> -> memref<1000000x64xf32, #tpu.memory_space<hbm>>
    tpu.enqueue_indirect_dma source(%dma_start3A_913 : memref<1000000x64xf32, #tpu.memory_space<hbm>>) target(%dma_start3A_907 : memref<128x64xf32, #tpu.memory_space<vmem>>) offsets(%dma_start3A_910 : memref<128xi32, #tpu.memory_space<vmem>>) semaphore(%arg18 : memref<!tpu.dma_semaphore, #tpu.memory_space<semaphore_mem>>)
    %dma_start3A_914 = arith.constant 1 : i32
    %dma_start3A_915 = arith.constant 1 : i32
    %dma_start3A_916 = arith.constant 0 : i32
    %dma_start3A_917 = arith.constant 0 : i32
    %dma_start3A_918 = tpu.memref_slice %arg14[%dma_start3A_915, %dma_start3A_916, %dma_start3A_917] : memref<4x128x64xf32, #tpu.memory_space<vmem>> -> memref<1x128x64xf32, #tpu.memory_space<vmem>>
    %dma_start3A_919 = tpu.memref_squeeze %dma_start3A_918 : memref<1x128x64xf32, #tpu.memory_space<vmem>> -> memref<128x64xf32, #tpu.memory_space<vmem>>
    %dma_start3A_920 = arith.constant 0 : i32
    %dma_start3A_921 = tpu.memref_slice %arg10[%dma_start3A_914, %dma_start3A_920] : memref<4x128xi32, #tpu.memory_space<vmem>> -> memref<1x128xi32, #tpu.memory_space<vmem>>
    %dma_start3A_922 = tpu.memref_squeeze %dma_start3A_921 : memref<1x128xi32, #tpu.memory_space<vmem>> -> memref<128xi32, #tpu.memory_space<vmem>>
    %dma_start3A_923 = arith.constant 0 : i32
    %dma_start3A_924 = arith.constant 0 : i32
    %dma_start3A_925 = tpu.memref_slice %arg6[%dma_start3A_923, %dma_start3A_924] : memref<100000x64xf32, #tpu.memory_space<hbm>> -> memref<100000x64xf32, #tpu.memory_space<hbm>>
    tpu.enqueue_indirect_dma source(%dma_start3A_925 : memref<100000x64xf32, #tpu.memory_space<hbm>>) target(%dma_start3A_919 : memref<128x64xf32, #tpu.memory_space<vmem>>) offsets(%dma_start3A_922 : memref<128xi32, #tpu.memory_space<vmem>>) semaphore(%arg18 : memref<!tpu.dma_semaphore, #tpu.memory_space<semaphore_mem>>)
    %dma_start3A_926 = arith.constant 1 : i32
    %dma_start3A_927 = arith.constant 1 : i32
    %dma_start3A_928 = arith.constant 0 : i32
    %dma_start3A_929 = arith.constant 0 : i32
    %dma_start3A_930 = tpu.memref_slice %arg15[%dma_start3A_927, %dma_start3A_928, %dma_start3A_929] : memref<4x128x16xf32, #tpu.memory_space<vmem>> -> memref<1x128x16xf32, #tpu.memory_space<vmem>>
    %dma_start3A_931 = tpu.memref_squeeze %dma_start3A_930 : memref<1x128x16xf32, #tpu.memory_space<vmem>> -> memref<128x16xf32, #tpu.memory_space<vmem>>
    %dma_start3A_932 = arith.constant 0 : i32
    %dma_start3A_933 = tpu.memref_slice %arg11[%dma_start3A_926, %dma_start3A_932] : memref<4x128xi32, #tpu.memory_space<vmem>> -> memref<1x128xi32, #tpu.memory_space<vmem>>
    %dma_start3A_934 = tpu.memref_squeeze %dma_start3A_933 : memref<1x128xi32, #tpu.memory_space<vmem>> -> memref<128xi32, #tpu.memory_space<vmem>>
    %dma_start3A_935 = arith.constant 0 : i32
    %dma_start3A_936 = arith.constant 0 : i32
    %dma_start3A_937 = tpu.memref_slice %arg5[%dma_start3A_935, %dma_start3A_936] : memref<62500x16xf32, #tpu.memory_space<hbm>> -> memref<62500x16xf32, #tpu.memory_space<hbm>>
    tpu.enqueue_indirect_dma source(%dma_start3A_937 : memref<62500x16xf32, #tpu.memory_space<hbm>>) target(%dma_start3A_931 : memref<128x16xf32, #tpu.memory_space<vmem>>) offsets(%dma_start3A_934 : memref<128xi32, #tpu.memory_space<vmem>>) semaphore(%arg18 : memref<!tpu.dma_semaphore, #tpu.memory_space<semaphore_mem>>)
    %dma_start3A_938 = arith.constant 1 : i32
    %dma_start3A_939 = arith.constant 1 : i32
    %dma_start3A_940 = arith.constant 0 : i32
    %dma_start3A_941 = arith.constant 0 : i32
    %dma_start3A_942 = tpu.memref_slice %arg16[%dma_start3A_939, %dma_start3A_940, %dma_start3A_941] : memref<4x128x16xf32, #tpu.memory_space<vmem>> -> memref<1x128x16xf32, #tpu.memory_space<vmem>>
    %dma_start3A_943 = tpu.memref_squeeze %dma_start3A_942 : memref<1x128x16xf32, #tpu.memory_space<vmem>> -> memref<128x16xf32, #tpu.memory_space<vmem>>
    %dma_start3A_944 = arith.constant 0 : i32
    %dma_start3A_945 = tpu.memref_slice %arg12[%dma_start3A_938, %dma_start3A_944] : memref<4x128xi32, #tpu.memory_space<vmem>> -> memref<1x128xi32, #tpu.memory_space<vmem>>
    %dma_start3A_946 = tpu.memref_squeeze %dma_start3A_945 : memref<1x128xi32, #tpu.memory_space<vmem>> -> memref<128xi32, #tpu.memory_space<vmem>>
    %dma_start3A_947 = arith.constant 0 : i32
    %dma_start3A_948 = arith.constant 0 : i32
    %dma_start3A_949 = tpu.memref_slice %arg7[%dma_start3A_947, %dma_start3A_948] : memref<6250x16xf32, #tpu.memory_space<hbm>> -> memref<6250x16xf32, #tpu.memory_space<hbm>>
    tpu.enqueue_indirect_dma source(%dma_start3A_949 : memref<6250x16xf32, #tpu.memory_space<hbm>>) target(%dma_start3A_943 : memref<128x16xf32, #tpu.memory_space<vmem>>) offsets(%dma_start3A_946 : memref<128xi32, #tpu.memory_space<vmem>>) semaphore(%arg18 : memref<!tpu.dma_semaphore, #tpu.memory_space<semaphore_mem>>)
    %dma_start3A_950 = arith.constant 2 : i32
    %dma_start3A_951 = arith.constant 2 : i32
    %dma_start3A_952 = arith.constant 0 : i32
    %dma_start3A_953 = arith.constant 0 : i32
    %dma_start3A_954 = tpu.memref_slice %arg13[%dma_start3A_951, %dma_start3A_952, %dma_start3A_953] : memref<4x128x64xf32, #tpu.memory_space<vmem>> -> memref<1x128x64xf32, #tpu.memory_space<vmem>>
    %dma_start3A_955 = tpu.memref_squeeze %dma_start3A_954 : memref<1x128x64xf32, #tpu.memory_space<vmem>> -> memref<128x64xf32, #tpu.memory_space<vmem>>
    %dma_start3A_956 = arith.constant 0 : i32
    %dma_start3A_957 = tpu.memref_slice %arg9[%dma_start3A_950, %dma_start3A_956] : memref<4x128xi32, #tpu.memory_space<vmem>> -> memref<1x128xi32, #tpu.memory_space<vmem>>
    %dma_start3A_958 = tpu.memref_squeeze %dma_start3A_957 : memref<1x128xi32, #tpu.memory_space<vmem>> -> memref<128xi32, #tpu.memory_space<vmem>>
    %dma_start3A_959 = arith.constant 0 : i32
    %dma_start3A_960 = arith.constant 0 : i32
    %dma_start3A_961 = tpu.memref_slice %arg4[%dma_start3A_959, %dma_start3A_960] : memref<1000000x64xf32, #tpu.memory_space<hbm>> -> memref<1000000x64xf32, #tpu.memory_space<hbm>>
    tpu.enqueue_indirect_dma source(%dma_start3A_961 : memref<1000000x64xf32, #tpu.memory_space<hbm>>) target(%dma_start3A_955 : memref<128x64xf32, #tpu.memory_space<vmem>>) offsets(%dma_start3A_958 : memref<128xi32, #tpu.memory_space<vmem>>) semaphore(%arg18 : memref<!tpu.dma_semaphore, #tpu.memory_space<semaphore_mem>>)
    %dma_start3A_962 = arith.constant 2 : i32
    %dma_start3A_963 = arith.constant 2 : i32
    %dma_start3A_964 = arith.constant 0 : i32
    %dma_start3A_965 = arith.constant 0 : i32
    %dma_start3A_966 = tpu.memref_slice %arg14[%dma_start3A_963, %dma_start3A_964, %dma_start3A_965] : memref<4x128x64xf32, #tpu.memory_space<vmem>> -> memref<1x128x64xf32, #tpu.memory_space<vmem>>
    %dma_start3A_967 = tpu.memref_squeeze %dma_start3A_966 : memref<1x128x64xf32, #tpu.memory_space<vmem>> -> memref<128x64xf32, #tpu.memory_space<vmem>>
    %dma_start3A_968 = arith.constant 0 : i32
    %dma_start3A_969 = tpu.memref_slice %arg10[%dma_start3A_962, %dma_start3A_968] : memref<4x128xi32, #tpu.memory_space<vmem>> -> memref<1x128xi32, #tpu.memory_space<vmem>>
    %dma_start3A_970 = tpu.memref_squeeze %dma_start3A_969 : memref<1x128xi32, #tpu.memory_space<vmem>> -> memref<128xi32, #tpu.memory_space<vmem>>
    %dma_start3A_971 = arith.constant 0 : i32
    %dma_start3A_972 = arith.constant 0 : i32
    %dma_start3A_973 = tpu.memref_slice %arg6[%dma_start3A_971, %dma_start3A_972] : memref<100000x64xf32, #tpu.memory_space<hbm>> -> memref<100000x64xf32, #tpu.memory_space<hbm>>
    tpu.enqueue_indirect_dma source(%dma_start3A_973 : memref<100000x64xf32, #tpu.memory_space<hbm>>) target(%dma_start3A_967 : memref<128x64xf32, #tpu.memory_space<vmem>>) offsets(%dma_start3A_970 : memref<128xi32, #tpu.memory_space<vmem>>) semaphore(%arg18 : memref<!tpu.dma_semaphore, #tpu.memory_space<semaphore_mem>>)
    %dma_start3A_974 = arith.constant 2 : i32
    %dma_start3A_975 = arith.constant 2 : i32
    %dma_start3A_976 = arith.constant 0 : i32
    %dma_start3A_977 = arith.constant 0 : i32
    %dma_start3A_978 = tpu.memref_slice %arg15[%dma_start3A_975, %dma_start3A_976, %dma_start3A_977] : memref<4x128x16xf32, #tpu.memory_space<vmem>> -> memref<1x128x16xf32, #tpu.memory_space<vmem>>
    %dma_start3A_979 = tpu.memref_squeeze %dma_start3A_978 : memref<1x128x16xf32, #tpu.memory_space<vmem>> -> memref<128x16xf32, #tpu.memory_space<vmem>>
    %dma_start3A_980 = arith.constant 0 : i32
    %dma_start3A_981 = tpu.memref_slice %arg11[%dma_start3A_974, %dma_start3A_980] : memref<4x128xi32, #tpu.memory_space<vmem>> -> memref<1x128xi32, #tpu.memory_space<vmem>>
    %dma_start3A_982 = tpu.memref_squeeze %dma_start3A_981 : memref<1x128xi32, #tpu.memory_space<vmem>> -> memref<128xi32, #tpu.memory_space<vmem>>
    %dma_start3A_983 = arith.constant 0 : i32
    %dma_start3A_984 = arith.constant 0 : i32
    %dma_start3A_985 = tpu.memref_slice %arg5[%dma_start3A_983, %dma_start3A_984] : memref<62500x16xf32, #tpu.memory_space<hbm>> -> memref<62500x16xf32, #tpu.memory_space<hbm>>
    tpu.enqueue_indirect_dma source(%dma_start3A_985 : memref<62500x16xf32, #tpu.memory_space<hbm>>) target(%dma_start3A_979 : memref<128x16xf32, #tpu.memory_space<vmem>>) offsets(%dma_start3A_982 : memref<128xi32, #tpu.memory_space<vmem>>) semaphore(%arg18 : memref<!tpu.dma_semaphore, #tpu.memory_space<semaphore_mem>>)
    %dma_start3A_986 = arith.constant 2 : i32
    %dma_start3A_987 = arith.constant 2 : i32
    %dma_start3A_988 = arith.constant 0 : i32
    %dma_start3A_989 = arith.constant 0 : i32
    %dma_start3A_990 = tpu.memref_slice %arg16[%dma_start3A_987, %dma_start3A_988, %dma_start3A_989] : memref<4x128x16xf32, #tpu.memory_space<vmem>> -> memref<1x128x16xf32, #tpu.memory_space<vmem>>
    %dma_start3A_991 = tpu.memref_squeeze %dma_start3A_990 : memref<1x128x16xf32, #tpu.memory_space<vmem>> -> memref<128x16xf32, #tpu.memory_space<vmem>>
    %dma_start3A_992 = arith.constant 0 : i32
    %dma_start3A_993 = tpu.memref_slice %arg12[%dma_start3A_986, %dma_start3A_992] : memref<4x128xi32, #tpu.memory_space<vmem>> -> memref<1x128xi32, #tpu.memory_space<vmem>>
    %dma_start3A_994 = tpu.memref_squeeze %dma_start3A_993 : memref<1x128xi32, #tpu.memory_space<vmem>> -> memref<128xi32, #tpu.memory_space<vmem>>
    %dma_start3A_995 = arith.constant 0 : i32
    %dma_start3A_996 = arith.constant 0 : i32
    %dma_start3A_997 = tpu.memref_slice %arg7[%dma_start3A_995, %dma_start3A_996] : memref<6250x16xf32, #tpu.memory_space<hbm>> -> memref<6250x16xf32, #tpu.memory_space<hbm>>
    tpu.enqueue_indirect_dma source(%dma_start3A_997 : memref<6250x16xf32, #tpu.memory_space<hbm>>) target(%dma_start3A_991 : memref<128x16xf32, #tpu.memory_space<vmem>>) offsets(%dma_start3A_994 : memref<128xi32, #tpu.memory_space<vmem>>) semaphore(%arg18 : memref<!tpu.dma_semaphore, #tpu.memory_space<semaphore_mem>>)
    %dma_start3A_998 = arith.constant 3 : i32
    %dma_start3A_999 = arith.constant 3 : i32
    %dma_start3A_1000 = arith.constant 0 : i32
    %dma_start3A_1001 = arith.constant 0 : i32
    %dma_start3A_1002 = tpu.memref_slice %arg13[%dma_start3A_999, %dma_start3A_1000, %dma_start3A_1001] : memref<4x128x64xf32, #tpu.memory_space<vmem>> -> memref<1x128x64xf32, #tpu.memory_space<vmem>>
    %dma_start3A_1003 = tpu.memref_squeeze %dma_start3A_1002 : memref<1x128x64xf32, #tpu.memory_space<vmem>> -> memref<128x64xf32, #tpu.memory_space<vmem>>
    %dma_start3A_1004 = arith.constant 0 : i32
    %dma_start3A_1005 = tpu.memref_slice %arg9[%dma_start3A_998, %dma_start3A_1004] : memref<4x128xi32, #tpu.memory_space<vmem>> -> memref<1x128xi32, #tpu.memory_space<vmem>>
    %dma_start3A_1006 = tpu.memref_squeeze %dma_start3A_1005 : memref<1x128xi32, #tpu.memory_space<vmem>> -> memref<128xi32, #tpu.memory_space<vmem>>
    %dma_start3A_1007 = arith.constant 0 : i32
    %dma_start3A_1008 = arith.constant 0 : i32
    %dma_start3A_1009 = tpu.memref_slice %arg4[%dma_start3A_1007, %dma_start3A_1008] : memref<1000000x64xf32, #tpu.memory_space<hbm>> -> memref<1000000x64xf32, #tpu.memory_space<hbm>>
    tpu.enqueue_indirect_dma source(%dma_start3A_1009 : memref<1000000x64xf32, #tpu.memory_space<hbm>>) target(%dma_start3A_1003 : memref<128x64xf32, #tpu.memory_space<vmem>>) offsets(%dma_start3A_1006 : memref<128xi32, #tpu.memory_space<vmem>>) semaphore(%arg18 : memref<!tpu.dma_semaphore, #tpu.memory_space<semaphore_mem>>)
    %dma_start3A_1010 = arith.constant 3 : i32
    %dma_start3A_1011 = arith.constant 3 : i32
    %dma_start3A_1012 = arith.constant 0 : i32
    %dma_start3A_1013 = arith.constant 0 : i32
    %dma_start3A_1014 = tpu.memref_slice %arg14[%dma_start3A_1011, %dma_start3A_1012, %dma_start3A_1013] : memref<4x128x64xf32, #tpu.memory_space<vmem>> -> memref<1x128x64xf32, #tpu.memory_space<vmem>>
    %dma_start3A_1015 = tpu.memref_squeeze %dma_start3A_1014 : memref<1x128x64xf32, #tpu.memory_space<vmem>> -> memref<128x64xf32, #tpu.memory_space<vmem>>
    %dma_start3A_1016 = arith.constant 0 : i32
    %dma_start3A_1017 = tpu.memref_slice %arg10[%dma_start3A_1010, %dma_start3A_1016] : memref<4x128xi32, #tpu.memory_space<vmem>> -> memref<1x128xi32, #tpu.memory_space<vmem>>
    %dma_start3A_1018 = tpu.memref_squeeze %dma_start3A_1017 : memref<1x128xi32, #tpu.memory_space<vmem>> -> memref<128xi32, #tpu.memory_space<vmem>>
    %dma_start3A_1019 = arith.constant 0 : i32
    %dma_start3A_1020 = arith.constant 0 : i32
    %dma_start3A_1021 = tpu.memref_slice %arg6[%dma_start3A_1019, %dma_start3A_1020] : memref<100000x64xf32, #tpu.memory_space<hbm>> -> memref<100000x64xf32, #tpu.memory_space<hbm>>
    tpu.enqueue_indirect_dma source(%dma_start3A_1021 : memref<100000x64xf32, #tpu.memory_space<hbm>>) target(%dma_start3A_1015 : memref<128x64xf32, #tpu.memory_space<vmem>>) offsets(%dma_start3A_1018 : memref<128xi32, #tpu.memory_space<vmem>>) semaphore(%arg18 : memref<!tpu.dma_semaphore, #tpu.memory_space<semaphore_mem>>)
    %dma_start3A_1022 = arith.constant 3 : i32
    %dma_start3A_1023 = arith.constant 3 : i32
    %dma_start3A_1024 = arith.constant 0 : i32
    %dma_start3A_1025 = arith.constant 0 : i32
    %dma_start3A_1026 = tpu.memref_slice %arg15[%dma_start3A_1023, %dma_start3A_1024, %dma_start3A_1025] : memref<4x128x16xf32, #tpu.memory_space<vmem>> -> memref<1x128x16xf32, #tpu.memory_space<vmem>>
    %dma_start3A_1027 = tpu.memref_squeeze %dma_start3A_1026 : memref<1x128x16xf32, #tpu.memory_space<vmem>> -> memref<128x16xf32, #tpu.memory_space<vmem>>
    %dma_start3A_1028 = arith.constant 0 : i32
    %dma_start3A_1029 = tpu.memref_slice %arg11[%dma_start3A_1022, %dma_start3A_1028] : memref<4x128xi32, #tpu.memory_space<vmem>> -> memref<1x128xi32, #tpu.memory_space<vmem>>
    %dma_start3A_1030 = tpu.memref_squeeze %dma_start3A_1029 : memref<1x128xi32, #tpu.memory_space<vmem>> -> memref<128xi32, #tpu.memory_space<vmem>>
    %dma_start3A_1031 = arith.constant 0 : i32
    %dma_start3A_1032 = arith.constant 0 : i32
    %dma_start3A_1033 = tpu.memref_slice %arg5[%dma_start3A_1031, %dma_start3A_1032] : memref<62500x16xf32, #tpu.memory_space<hbm>> -> memref<62500x16xf32, #tpu.memory_space<hbm>>
    tpu.enqueue_indirect_dma source(%dma_start3A_1033 : memref<62500x16xf32, #tpu.memory_space<hbm>>) target(%dma_start3A_1027 : memref<128x16xf32, #tpu.memory_space<vmem>>) offsets(%dma_start3A_1030 : memref<128xi32, #tpu.memory_space<vmem>>) semaphore(%arg18 : memref<!tpu.dma_semaphore, #tpu.memory_space<semaphore_mem>>)
    %dma_start3A_1034 = arith.constant 3 : i32
    %dma_start3A_1035 = arith.constant 3 : i32
    %dma_start3A_1036 = arith.constant 0 : i32
    %dma_start3A_1037 = arith.constant 0 : i32
    %dma_start3A_1038 = tpu.memref_slice %arg16[%dma_start3A_1035, %dma_start3A_1036, %dma_start3A_1037] : memref<4x128x16xf32, #tpu.memory_space<vmem>> -> memref<1x128x16xf32, #tpu.memory_space<vmem>>
    %dma_start3A_1039 = tpu.memref_squeeze %dma_start3A_1038 : memref<1x128x16xf32, #tpu.memory_space<vmem>> -> memref<128x16xf32, #tpu.memory_space<vmem>>
    %dma_start3A_1040 = arith.constant 0 : i32
    %dma_start3A_1041 = tpu.memref_slice %arg12[%dma_start3A_1034, %dma_start3A_1040] : memref<4x128xi32, #tpu.memory_space<vmem>> -> memref<1x128xi32, #tpu.memory_space<vmem>>
    %dma_start3A_1042 = tpu.memref_squeeze %dma_start3A_1041 : memref<1x128xi32, #tpu.memory_space<vmem>> -> memref<128xi32, #tpu.memory_space<vmem>>
    %dma_start3A_1043 = arith.constant 0 : i32
    %dma_start3A_1044 = arith.constant 0 : i32
    %dma_start3A_1045 = tpu.memref_slice %arg7[%dma_start3A_1043, %dma_start3A_1044] : memref<6250x16xf32, #tpu.memory_space<hbm>> -> memref<6250x16xf32, #tpu.memory_space<hbm>>
    tpu.enqueue_indirect_dma source(%dma_start3A_1045 : memref<6250x16xf32, #tpu.memory_space<hbm>>) target(%dma_start3A_1039 : memref<128x16xf32, #tpu.memory_space<vmem>>) offsets(%dma_start3A_1042 : memref<128xi32, #tpu.memory_space<vmem>>) semaphore(%arg18 : memref<!tpu.dma_semaphore, #tpu.memory_space<semaphore_mem>>)
    %dma_wait3A_1046 = arith.constant 0 : i32
    %dma_wait3A_1047 = arith.constant 0 : i32
    %dma_wait3A_1048 = arith.constant 0 : i32
    %dma_wait3A_1049 = arith.constant 0 : i32
    %dma_wait3A_1050 = tpu.memref_slice %arg13[%dma_wait3A_1047, %dma_wait3A_1048, %dma_wait3A_1049] : memref<4x128x64xf32, #tpu.memory_space<vmem>> -> memref<1x128x64xf32, #tpu.memory_space<vmem>>
    %dma_wait3A_1051 = tpu.memref_squeeze %dma_wait3A_1050 : memref<1x128x64xf32, #tpu.memory_space<vmem>> -> memref<128x64xf32, #tpu.memory_space<vmem>>
    %dma_wait3A_1052 = arith.constant 0 : i32
    %dma_wait3A_1053 = tpu.memref_slice %arg9[%dma_wait3A_1046, %dma_wait3A_1052] : memref<4x128xi32, #tpu.memory_space<vmem>> -> memref<1x128xi32, #tpu.memory_space<vmem>>
    %dma_wait3A_1054 = tpu.memref_squeeze %dma_wait3A_1053 : memref<1x128xi32, #tpu.memory_space<vmem>> -> memref<128xi32, #tpu.memory_space<vmem>>
    %dma_wait3A_1055 = arith.constant 0 : i32
    %dma_wait3A_1056 = arith.constant 0 : i32
    %dma_wait3A_1057 = tpu.memref_slice %arg4[%dma_wait3A_1055, %dma_wait3A_1056] : memref<1000000x64xf32, #tpu.memory_space<hbm>> -> memref<1000000x64xf32, #tpu.memory_space<hbm>>
    tpu.wait_indirect_dma semaphore(%arg18 : memref<!tpu.dma_semaphore, #tpu.memory_space<semaphore_mem>>) src(%dma_wait3A_1057 : memref<1000000x64xf32, #tpu.memory_space<hbm>>) dst(%dma_wait3A_1051 : memref<128x64xf32, #tpu.memory_space<vmem>>)
    %dma_wait3A_1058 = arith.constant 0 : i32
    %dma_wait3A_1059 = arith.constant 0 : i32
    %dma_wait3A_1060 = arith.constant 0 : i32
    %dma_wait3A_1061 = arith.constant 0 : i32
    %dma_wait3A_1062 = tpu.memref_slice %arg14[%dma_wait3A_1059, %dma_wait3A_1060, %dma_wait3A_1061] : memref<4x128x64xf32, #tpu.memory_space<vmem>> -> memref<1x128x64xf32, #tpu.memory_space<vmem>>
    %dma_wait3A_1063 = tpu.memref_squeeze %dma_wait3A_1062 : memref<1x128x64xf32, #tpu.memory_space<vmem>> -> memref<128x64xf32, #tpu.memory_space<vmem>>
    %dma_wait3A_1064 = arith.constant 0 : i32
    %dma_wait3A_1065 = tpu.memref_slice %arg10[%dma_wait3A_1058, %dma_wait3A_1064] : memref<4x128xi32, #tpu.memory_space<vmem>> -> memref<1x128xi32, #tpu.memory_space<vmem>>
    %dma_wait3A_1066 = tpu.memref_squeeze %dma_wait3A_1065 : memref<1x128xi32, #tpu.memory_space<vmem>> -> memref<128xi32, #tpu.memory_space<vmem>>
    %dma_wait3A_1067 = arith.constant 0 : i32
    %dma_wait3A_1068 = arith.constant 0 : i32
    %dma_wait3A_1069 = tpu.memref_slice %arg6[%dma_wait3A_1067, %dma_wait3A_1068] : memref<100000x64xf32, #tpu.memory_space<hbm>> -> memref<100000x64xf32, #tpu.memory_space<hbm>>
    tpu.wait_indirect_dma semaphore(%arg18 : memref<!tpu.dma_semaphore, #tpu.memory_space<semaphore_mem>>) src(%dma_wait3A_1069 : memref<100000x64xf32, #tpu.memory_space<hbm>>) dst(%dma_wait3A_1063 : memref<128x64xf32, #tpu.memory_space<vmem>>)
    %dma_wait3A_1070 = arith.constant 0 : i32
    %dma_wait3A_1071 = arith.constant 0 : i32
    %dma_wait3A_1072 = arith.constant 0 : i32
    %dma_wait3A_1073 = arith.constant 0 : i32
    %dma_wait3A_1074 = tpu.memref_slice %arg15[%dma_wait3A_1071, %dma_wait3A_1072, %dma_wait3A_1073] : memref<4x128x16xf32, #tpu.memory_space<vmem>> -> memref<1x128x16xf32, #tpu.memory_space<vmem>>
    %dma_wait3A_1075 = tpu.memref_squeeze %dma_wait3A_1074 : memref<1x128x16xf32, #tpu.memory_space<vmem>> -> memref<128x16xf32, #tpu.memory_space<vmem>>
    %dma_wait3A_1076 = arith.constant 0 : i32
    %dma_wait3A_1077 = tpu.memref_slice %arg11[%dma_wait3A_1070, %dma_wait3A_1076] : memref<4x128xi32, #tpu.memory_space<vmem>> -> memref<1x128xi32, #tpu.memory_space<vmem>>
    %dma_wait3A_1078 = tpu.memref_squeeze %dma_wait3A_1077 : memref<1x128xi32, #tpu.memory_space<vmem>> -> memref<128xi32, #tpu.memory_space<vmem>>
    %dma_wait3A_1079 = arith.constant 0 : i32
    %dma_wait3A_1080 = arith.constant 0 : i32
    %dma_wait3A_1081 = tpu.memref_slice %arg5[%dma_wait3A_1079, %dma_wait3A_1080] : memref<62500x16xf32, #tpu.memory_space<hbm>> -> memref<62500x16xf32, #tpu.memory_space<hbm>>
    tpu.wait_indirect_dma semaphore(%arg18 : memref<!tpu.dma_semaphore, #tpu.memory_space<semaphore_mem>>) src(%dma_wait3A_1081 : memref<62500x16xf32, #tpu.memory_space<hbm>>) dst(%dma_wait3A_1075 : memref<128x16xf32, #tpu.memory_space<vmem>>)
    %dma_wait3A_1082 = arith.constant 0 : i32
    %dma_wait3A_1083 = arith.constant 0 : i32
    %dma_wait3A_1084 = arith.constant 0 : i32
    %dma_wait3A_1085 = arith.constant 0 : i32
    %dma_wait3A_1086 = tpu.memref_slice %arg16[%dma_wait3A_1083, %dma_wait3A_1084, %dma_wait3A_1085] : memref<4x128x16xf32, #tpu.memory_space<vmem>> -> memref<1x128x16xf32, #tpu.memory_space<vmem>>
    %dma_wait3A_1087 = tpu.memref_squeeze %dma_wait3A_1086 : memref<1x128x16xf32, #tpu.memory_space<vmem>> -> memref<128x16xf32, #tpu.memory_space<vmem>>
    %dma_wait3A_1088 = arith.constant 0 : i32
    %dma_wait3A_1089 = tpu.memref_slice %arg12[%dma_wait3A_1082, %dma_wait3A_1088] : memref<4x128xi32, #tpu.memory_space<vmem>> -> memref<1x128xi32, #tpu.memory_space<vmem>>
    %dma_wait3A_1090 = tpu.memref_squeeze %dma_wait3A_1089 : memref<1x128xi32, #tpu.memory_space<vmem>> -> memref<128xi32, #tpu.memory_space<vmem>>
    %dma_wait3A_1091 = arith.constant 0 : i32
    %dma_wait3A_1092 = arith.constant 0 : i32
    %dma_wait3A_1093 = tpu.memref_slice %arg7[%dma_wait3A_1091, %dma_wait3A_1092] : memref<6250x16xf32, #tpu.memory_space<hbm>> -> memref<6250x16xf32, #tpu.memory_space<hbm>>
    tpu.wait_indirect_dma semaphore(%arg18 : memref<!tpu.dma_semaphore, #tpu.memory_space<semaphore_mem>>) src(%dma_wait3A_1093 : memref<6250x16xf32, #tpu.memory_space<hbm>>) dst(%dma_wait3A_1087 : memref<128x16xf32, #tpu.memory_space<vmem>>)
    %dma_wait3A_1094 = arith.constant 1 : i32
    %dma_wait3A_1095 = arith.constant 1 : i32
    %dma_wait3A_1096 = arith.constant 0 : i32
    %dma_wait3A_1097 = arith.constant 0 : i32
    %dma_wait3A_1098 = tpu.memref_slice %arg13[%dma_wait3A_1095, %dma_wait3A_1096, %dma_wait3A_1097] : memref<4x128x64xf32, #tpu.memory_space<vmem>> -> memref<1x128x64xf32, #tpu.memory_space<vmem>>
    %dma_wait3A_1099 = tpu.memref_squeeze %dma_wait3A_1098 : memref<1x128x64xf32, #tpu.memory_space<vmem>> -> memref<128x64xf32, #tpu.memory_space<vmem>>
    %dma_wait3A_1100 = arith.constant 0 : i32
    %dma_wait3A_1101 = tpu.memref_slice %arg9[%dma_wait3A_1094, %dma_wait3A_1100] : memref<4x128xi32, #tpu.memory_space<vmem>> -> memref<1x128xi32, #tpu.memory_space<vmem>>
    %dma_wait3A_1102 = tpu.memref_squeeze %dma_wait3A_1101 : memref<1x128xi32, #tpu.memory_space<vmem>> -> memref<128xi32, #tpu.memory_space<vmem>>
    %dma_wait3A_1103 = arith.constant 0 : i32
    %dma_wait3A_1104 = arith.constant 0 : i32
    %dma_wait3A_1105 = tpu.memref_slice %arg4[%dma_wait3A_1103, %dma_wait3A_1104] : memref<1000000x64xf32, #tpu.memory_space<hbm>> -> memref<1000000x64xf32, #tpu.memory_space<hbm>>
    tpu.wait_indirect_dma semaphore(%arg18 : memref<!tpu.dma_semaphore, #tpu.memory_space<semaphore_mem>>) src(%dma_wait3A_1105 : memref<1000000x64xf32, #tpu.memory_space<hbm>>) dst(%dma_wait3A_1099 : memref<128x64xf32, #tpu.memory_space<vmem>>)
    %dma_wait3A_1106 = arith.constant 1 : i32
    %dma_wait3A_1107 = arith.constant 1 : i32
    %dma_wait3A_1108 = arith.constant 0 : i32
    %dma_wait3A_1109 = arith.constant 0 : i32
    %dma_wait3A_1110 = tpu.memref_slice %arg14[%dma_wait3A_1107, %dma_wait3A_1108, %dma_wait3A_1109] : memref<4x128x64xf32, #tpu.memory_space<vmem>> -> memref<1x128x64xf32, #tpu.memory_space<vmem>>
    %dma_wait3A_1111 = tpu.memref_squeeze %dma_wait3A_1110 : memref<1x128x64xf32, #tpu.memory_space<vmem>> -> memref<128x64xf32, #tpu.memory_space<vmem>>
    %dma_wait3A_1112 = arith.constant 0 : i32
    %dma_wait3A_1113 = tpu.memref_slice %arg10[%dma_wait3A_1106, %dma_wait3A_1112] : memref<4x128xi32, #tpu.memory_space<vmem>> -> memref<1x128xi32, #tpu.memory_space<vmem>>
    %dma_wait3A_1114 = tpu.memref_squeeze %dma_wait3A_1113 : memref<1x128xi32, #tpu.memory_space<vmem>> -> memref<128xi32, #tpu.memory_space<vmem>>
    %dma_wait3A_1115 = arith.constant 0 : i32
    %dma_wait3A_1116 = arith.constant 0 : i32
    %dma_wait3A_1117 = tpu.memref_slice %arg6[%dma_wait3A_1115, %dma_wait3A_1116] : memref<100000x64xf32, #tpu.memory_space<hbm>> -> memref<100000x64xf32, #tpu.memory_space<hbm>>
    tpu.wait_indirect_dma semaphore(%arg18 : memref<!tpu.dma_semaphore, #tpu.memory_space<semaphore_mem>>) src(%dma_wait3A_1117 : memref<100000x64xf32, #tpu.memory_space<hbm>>) dst(%dma_wait3A_1111 : memref<128x64xf32, #tpu.memory_space<vmem>>)
    %dma_wait3A_1118 = arith.constant 1 : i32
    %dma_wait3A_1119 = arith.constant 1 : i32
    %dma_wait3A_1120 = arith.constant 0 : i32
    %dma_wait3A_1121 = arith.constant 0 : i32
    %dma_wait3A_1122 = tpu.memref_slice %arg15[%dma_wait3A_1119, %dma_wait3A_1120, %dma_wait3A_1121] : memref<4x128x16xf32, #tpu.memory_space<vmem>> -> memref<1x128x16xf32, #tpu.memory_space<vmem>>
    %dma_wait3A_1123 = tpu.memref_squeeze %dma_wait3A_1122 : memref<1x128x16xf32, #tpu.memory_space<vmem>> -> memref<128x16xf32, #tpu.memory_space<vmem>>
    %dma_wait3A_1124 = arith.constant 0 : i32
    %dma_wait3A_1125 = tpu.memref_slice %arg11[%dma_wait3A_1118, %dma_wait3A_1124] : memref<4x128xi32, #tpu.memory_space<vmem>> -> memref<1x128xi32, #tpu.memory_space<vmem>>
    %dma_wait3A_1126 = tpu.memref_squeeze %dma_wait3A_1125 : memref<1x128xi32, #tpu.memory_space<vmem>> -> memref<128xi32, #tpu.memory_space<vmem>>
    %dma_wait3A_1127 = arith.constant 0 : i32
    %dma_wait3A_1128 = arith.constant 0 : i32
    %dma_wait3A_1129 = tpu.memref_slice %arg5[%dma_wait3A_1127, %dma_wait3A_1128] : memref<62500x16xf32, #tpu.memory_space<hbm>> -> memref<62500x16xf32, #tpu.memory_space<hbm>>
    tpu.wait_indirect_dma semaphore(%arg18 : memref<!tpu.dma_semaphore, #tpu.memory_space<semaphore_mem>>) src(%dma_wait3A_1129 : memref<62500x16xf32, #tpu.memory_space<hbm>>) dst(%dma_wait3A_1123 : memref<128x16xf32, #tpu.memory_space<vmem>>)
    %dma_wait3A_1130 = arith.constant 1 : i32
    %dma_wait3A_1131 = arith.constant 1 : i32
    %dma_wait3A_1132 = arith.constant 0 : i32
    %dma_wait3A_1133 = arith.constant 0 : i32
    %dma_wait3A_1134 = tpu.memref_slice %arg16[%dma_wait3A_1131, %dma_wait3A_1132, %dma_wait3A_1133] : memref<4x128x16xf32, #tpu.memory_space<vmem>> -> memref<1x128x16xf32, #tpu.memory_space<vmem>>
    %dma_wait3A_1135 = tpu.memref_squeeze %dma_wait3A_1134 : memref<1x128x16xf32, #tpu.memory_space<vmem>> -> memref<128x16xf32, #tpu.memory_space<vmem>>
    %dma_wait3A_1136 = arith.constant 0 : i32
    %dma_wait3A_1137 = tpu.memref_slice %arg12[%dma_wait3A_1130, %dma_wait3A_1136] : memref<4x128xi32, #tpu.memory_space<vmem>> -> memref<1x128xi32, #tpu.memory_space<vmem>>
    %dma_wait3A_1138 = tpu.memref_squeeze %dma_wait3A_1137 : memref<1x128xi32, #tpu.memory_space<vmem>> -> memref<128xi32, #tpu.memory_space<vmem>>
    %dma_wait3A_1139 = arith.constant 0 : i32
    %dma_wait3A_1140 = arith.constant 0 : i32
    %dma_wait3A_1141 = tpu.memref_slice %arg7[%dma_wait3A_1139, %dma_wait3A_1140] : memref<6250x16xf32, #tpu.memory_space<hbm>> -> memref<6250x16xf32, #tpu.memory_space<hbm>>
    tpu.wait_indirect_dma semaphore(%arg18 : memref<!tpu.dma_semaphore, #tpu.memory_space<semaphore_mem>>) src(%dma_wait3A_1141 : memref<6250x16xf32, #tpu.memory_space<hbm>>) dst(%dma_wait3A_1135 : memref<128x16xf32, #tpu.memory_space<vmem>>)
    %dma_wait3A_1142 = arith.constant 2 : i32
    %dma_wait3A_1143 = arith.constant 2 : i32
    %dma_wait3A_1144 = arith.constant 0 : i32
    %dma_wait3A_1145 = arith.constant 0 : i32
    %dma_wait3A_1146 = tpu.memref_slice %arg13[%dma_wait3A_1143, %dma_wait3A_1144, %dma_wait3A_1145] : memref<4x128x64xf32, #tpu.memory_space<vmem>> -> memref<1x128x64xf32, #tpu.memory_space<vmem>>
    %dma_wait3A_1147 = tpu.memref_squeeze %dma_wait3A_1146 : memref<1x128x64xf32, #tpu.memory_space<vmem>> -> memref<128x64xf32, #tpu.memory_space<vmem>>
    %dma_wait3A_1148 = arith.constant 0 : i32
    %dma_wait3A_1149 = tpu.memref_slice %arg9[%dma_wait3A_1142, %dma_wait3A_1148] : memref<4x128xi32, #tpu.memory_space<vmem>> -> memref<1x128xi32, #tpu.memory_space<vmem>>
    %dma_wait3A_1150 = tpu.memref_squeeze %dma_wait3A_1149 : memref<1x128xi32, #tpu.memory_space<vmem>> -> memref<128xi32, #tpu.memory_space<vmem>>
    %dma_wait3A_1151 = arith.constant 0 : i32
    %dma_wait3A_1152 = arith.constant 0 : i32
    %dma_wait3A_1153 = tpu.memref_slice %arg4[%dma_wait3A_1151, %dma_wait3A_1152] : memref<1000000x64xf32, #tpu.memory_space<hbm>> -> memref<1000000x64xf32, #tpu.memory_space<hbm>>
    tpu.wait_indirect_dma semaphore(%arg18 : memref<!tpu.dma_semaphore, #tpu.memory_space<semaphore_mem>>) src(%dma_wait3A_1153 : memref<1000000x64xf32, #tpu.memory_space<hbm>>) dst(%dma_wait3A_1147 : memref<128x64xf32, #tpu.memory_space<vmem>>)
    %dma_wait3A_1154 = arith.constant 2 : i32
    %dma_wait3A_1155 = arith.constant 2 : i32
    %dma_wait3A_1156 = arith.constant 0 : i32
    %dma_wait3A_1157 = arith.constant 0 : i32
    %dma_wait3A_1158 = tpu.memref_slice %arg14[%dma_wait3A_1155, %dma_wait3A_1156, %dma_wait3A_1157] : memref<4x128x64xf32, #tpu.memory_space<vmem>> -> memref<1x128x64xf32, #tpu.memory_space<vmem>>
    %dma_wait3A_1159 = tpu.memref_squeeze %dma_wait3A_1158 : memref<1x128x64xf32, #tpu.memory_space<vmem>> -> memref<128x64xf32, #tpu.memory_space<vmem>>
    %dma_wait3A_1160 = arith.constant 0 : i32
    %dma_wait3A_1161 = tpu.memref_slice %arg10[%dma_wait3A_1154, %dma_wait3A_1160] : memref<4x128xi32, #tpu.memory_space<vmem>> -> memref<1x128xi32, #tpu.memory_space<vmem>>
    %dma_wait3A_1162 = tpu.memref_squeeze %dma_wait3A_1161 : memref<1x128xi32, #tpu.memory_space<vmem>> -> memref<128xi32, #tpu.memory_space<vmem>>
    %dma_wait3A_1163 = arith.constant 0 : i32
    %dma_wait3A_1164 = arith.constant 0 : i32
    %dma_wait3A_1165 = tpu.memref_slice %arg6[%dma_wait3A_1163, %dma_wait3A_1164] : memref<100000x64xf32, #tpu.memory_space<hbm>> -> memref<100000x64xf32, #tpu.memory_space<hbm>>
    tpu.wait_indirect_dma semaphore(%arg18 : memref<!tpu.dma_semaphore, #tpu.memory_space<semaphore_mem>>) src(%dma_wait3A_1165 : memref<100000x64xf32, #tpu.memory_space<hbm>>) dst(%dma_wait3A_1159 : memref<128x64xf32, #tpu.memory_space<vmem>>)
    %dma_wait3A_1166 = arith.constant 2 : i32
    %dma_wait3A_1167 = arith.constant 2 : i32
    %dma_wait3A_1168 = arith.constant 0 : i32
    %dma_wait3A_1169 = arith.constant 0 : i32
    %dma_wait3A_1170 = tpu.memref_slice %arg15[%dma_wait3A_1167, %dma_wait3A_1168, %dma_wait3A_1169] : memref<4x128x16xf32, #tpu.memory_space<vmem>> -> memref<1x128x16xf32, #tpu.memory_space<vmem>>
    %dma_wait3A_1171 = tpu.memref_squeeze %dma_wait3A_1170 : memref<1x128x16xf32, #tpu.memory_space<vmem>> -> memref<128x16xf32, #tpu.memory_space<vmem>>
    %dma_wait3A_1172 = arith.constant 0 : i32
    %dma_wait3A_1173 = tpu.memref_slice %arg11[%dma_wait3A_1166, %dma_wait3A_1172] : memref<4x128xi32, #tpu.memory_space<vmem>> -> memref<1x128xi32, #tpu.memory_space<vmem>>
    %dma_wait3A_1174 = tpu.memref_squeeze %dma_wait3A_1173 : memref<1x128xi32, #tpu.memory_space<vmem>> -> memref<128xi32, #tpu.memory_space<vmem>>
    %dma_wait3A_1175 = arith.constant 0 : i32
    %dma_wait3A_1176 = arith.constant 0 : i32
    %dma_wait3A_1177 = tpu.memref_slice %arg5[%dma_wait3A_1175, %dma_wait3A_1176] : memref<62500x16xf32, #tpu.memory_space<hbm>> -> memref<62500x16xf32, #tpu.memory_space<hbm>>
    tpu.wait_indirect_dma semaphore(%arg18 : memref<!tpu.dma_semaphore, #tpu.memory_space<semaphore_mem>>) src(%dma_wait3A_1177 : memref<62500x16xf32, #tpu.memory_space<hbm>>) dst(%dma_wait3A_1171 : memref<128x16xf32, #tpu.memory_space<vmem>>)
    %dma_wait3A_1178 = arith.constant 2 : i32
    %dma_wait3A_1179 = arith.constant 2 : i32
    %dma_wait3A_1180 = arith.constant 0 : i32
    %dma_wait3A_1181 = arith.constant 0 : i32
    %dma_wait3A_1182 = tpu.memref_slice %arg16[%dma_wait3A_1179, %dma_wait3A_1180, %dma_wait3A_1181] : memref<4x128x16xf32, #tpu.memory_space<vmem>> -> memref<1x128x16xf32, #tpu.memory_space<vmem>>
    %dma_wait3A_1183 = tpu.memref_squeeze %dma_wait3A_1182 : memref<1x128x16xf32, #tpu.memory_space<vmem>> -> memref<128x16xf32, #tpu.memory_space<vmem>>
    %dma_wait3A_1184 = arith.constant 0 : i32
    %dma_wait3A_1185 = tpu.memref_slice %arg12[%dma_wait3A_1178, %dma_wait3A_1184] : memref<4x128xi32, #tpu.memory_space<vmem>> -> memref<1x128xi32, #tpu.memory_space<vmem>>
    %dma_wait3A_1186 = tpu.memref_squeeze %dma_wait3A_1185 : memref<1x128xi32, #tpu.memory_space<vmem>> -> memref<128xi32, #tpu.memory_space<vmem>>
    %dma_wait3A_1187 = arith.constant 0 : i32
    %dma_wait3A_1188 = arith.constant 0 : i32
    %dma_wait3A_1189 = tpu.memref_slice %arg7[%dma_wait3A_1187, %dma_wait3A_1188] : memref<6250x16xf32, #tpu.memory_space<hbm>> -> memref<6250x16xf32, #tpu.memory_space<hbm>>
    tpu.wait_indirect_dma semaphore(%arg18 : memref<!tpu.dma_semaphore, #tpu.memory_space<semaphore_mem>>) src(%dma_wait3A_1189 : memref<6250x16xf32, #tpu.memory_space<hbm>>) dst(%dma_wait3A_1183 : memref<128x16xf32, #tpu.memory_space<vmem>>)
    %dma_wait3A_1190 = arith.constant 3 : i32
    %dma_wait3A_1191 = arith.constant 3 : i32
    %dma_wait3A_1192 = arith.constant 0 : i32
    %dma_wait3A_1193 = arith.constant 0 : i32
    %dma_wait3A_1194 = tpu.memref_slice %arg13[%dma_wait3A_1191, %dma_wait3A_1192, %dma_wait3A_1193] : memref<4x128x64xf32, #tpu.memory_space<vmem>> -> memref<1x128x64xf32, #tpu.memory_space<vmem>>
    %dma_wait3A_1195 = tpu.memref_squeeze %dma_wait3A_1194 : memref<1x128x64xf32, #tpu.memory_space<vmem>> -> memref<128x64xf32, #tpu.memory_space<vmem>>
    %dma_wait3A_1196 = arith.constant 0 : i32
    %dma_wait3A_1197 = tpu.memref_slice %arg9[%dma_wait3A_1190, %dma_wait3A_1196] : memref<4x128xi32, #tpu.memory_space<vmem>> -> memref<1x128xi32, #tpu.memory_space<vmem>>
    %dma_wait3A_1198 = tpu.memref_squeeze %dma_wait3A_1197 : memref<1x128xi32, #tpu.memory_space<vmem>> -> memref<128xi32, #tpu.memory_space<vmem>>
    %dma_wait3A_1199 = arith.constant 0 : i32
    %dma_wait3A_1200 = arith.constant 0 : i32
    %dma_wait3A_1201 = tpu.memref_slice %arg4[%dma_wait3A_1199, %dma_wait3A_1200] : memref<1000000x64xf32, #tpu.memory_space<hbm>> -> memref<1000000x64xf32, #tpu.memory_space<hbm>>
    tpu.wait_indirect_dma semaphore(%arg18 : memref<!tpu.dma_semaphore, #tpu.memory_space<semaphore_mem>>) src(%dma_wait3A_1201 : memref<1000000x64xf32, #tpu.memory_space<hbm>>) dst(%dma_wait3A_1195 : memref<128x64xf32, #tpu.memory_space<vmem>>)
    %dma_wait3A_1202 = arith.constant 3 : i32
    %dma_wait3A_1203 = arith.constant 3 : i32
    %dma_wait3A_1204 = arith.constant 0 : i32
    %dma_wait3A_1205 = arith.constant 0 : i32
    %dma_wait3A_1206 = tpu.memref_slice %arg14[%dma_wait3A_1203, %dma_wait3A_1204, %dma_wait3A_1205] : memref<4x128x64xf32, #tpu.memory_space<vmem>> -> memref<1x128x64xf32, #tpu.memory_space<vmem>>
    %dma_wait3A_1207 = tpu.memref_squeeze %dma_wait3A_1206 : memref<1x128x64xf32, #tpu.memory_space<vmem>> -> memref<128x64xf32, #tpu.memory_space<vmem>>
    %dma_wait3A_1208 = arith.constant 0 : i32
    %dma_wait3A_1209 = tpu.memref_slice %arg10[%dma_wait3A_1202, %dma_wait3A_1208] : memref<4x128xi32, #tpu.memory_space<vmem>> -> memref<1x128xi32, #tpu.memory_space<vmem>>
    %dma_wait3A_1210 = tpu.memref_squeeze %dma_wait3A_1209 : memref<1x128xi32, #tpu.memory_space<vmem>> -> memref<128xi32, #tpu.memory_space<vmem>>
    %dma_wait3A_1211 = arith.constant 0 : i32
    %dma_wait3A_1212 = arith.constant 0 : i32
    %dma_wait3A_1213 = tpu.memref_slice %arg6[%dma_wait3A_1211, %dma_wait3A_1212] : memref<100000x64xf32, #tpu.memory_space<hbm>> -> memref<100000x64xf32, #tpu.memory_space<hbm>>
    tpu.wait_indirect_dma semaphore(%arg18 : memref<!tpu.dma_semaphore, #tpu.memory_space<semaphore_mem>>) src(%dma_wait3A_1213 : memref<100000x64xf32, #tpu.memory_space<hbm>>) dst(%dma_wait3A_1207 : memref<128x64xf32, #tpu.memory_space<vmem>>)
    %dma_wait3A_1214 = arith.constant 3 : i32
    %dma_wait3A_1215 = arith.constant 3 : i32
    %dma_wait3A_1216 = arith.constant 0 : i32
    %dma_wait3A_1217 = arith.constant 0 : i32
    %dma_wait3A_1218 = tpu.memref_slice %arg15[%dma_wait3A_1215, %dma_wait3A_1216, %dma_wait3A_1217] : memref<4x128x16xf32, #tpu.memory_space<vmem>> -> memref<1x128x16xf32, #tpu.memory_space<vmem>>
    %dma_wait3A_1219 = tpu.memref_squeeze %dma_wait3A_1218 : memref<1x128x16xf32, #tpu.memory_space<vmem>> -> memref<128x16xf32, #tpu.memory_space<vmem>>
    %dma_wait3A_1220 = arith.constant 0 : i32
    %dma_wait3A_1221 = tpu.memref_slice %arg11[%dma_wait3A_1214, %dma_wait3A_1220] : memref<4x128xi32, #tpu.memory_space<vmem>> -> memref<1x128xi32, #tpu.memory_space<vmem>>
    %dma_wait3A_1222 = tpu.memref_squeeze %dma_wait3A_1221 : memref<1x128xi32, #tpu.memory_space<vmem>> -> memref<128xi32, #tpu.memory_space<vmem>>
    %dma_wait3A_1223 = arith.constant 0 : i32
    %dma_wait3A_1224 = arith.constant 0 : i32
    %dma_wait3A_1225 = tpu.memref_slice %arg5[%dma_wait3A_1223, %dma_wait3A_1224] : memref<62500x16xf32, #tpu.memory_space<hbm>> -> memref<62500x16xf32, #tpu.memory_space<hbm>>
    tpu.wait_indirect_dma semaphore(%arg18 : memref<!tpu.dma_semaphore, #tpu.memory_space<semaphore_mem>>) src(%dma_wait3A_1225 : memref<62500x16xf32, #tpu.memory_space<hbm>>) dst(%dma_wait3A_1219 : memref<128x16xf32, #tpu.memory_space<vmem>>)
    %dma_wait3A_1226 = arith.constant 3 : i32
    %dma_wait3A_1227 = arith.constant 3 : i32
    %dma_wait3A_1228 = arith.constant 0 : i32
    %dma_wait3A_1229 = arith.constant 0 : i32
    %dma_wait3A_1230 = tpu.memref_slice %arg16[%dma_wait3A_1227, %dma_wait3A_1228, %dma_wait3A_1229] : memref<4x128x16xf32, #tpu.memory_space<vmem>> -> memref<1x128x16xf32, #tpu.memory_space<vmem>>
    %dma_wait3A_1231 = tpu.memref_squeeze %dma_wait3A_1230 : memref<1x128x16xf32, #tpu.memory_space<vmem>> -> memref<128x16xf32, #tpu.memory_space<vmem>>
    %dma_wait3A_1232 = arith.constant 0 : i32
    %dma_wait3A_1233 = tpu.memref_slice %arg12[%dma_wait3A_1226, %dma_wait3A_1232] : memref<4x128xi32, #tpu.memory_space<vmem>> -> memref<1x128xi32, #tpu.memory_space<vmem>>
    %dma_wait3A_1234 = tpu.memref_squeeze %dma_wait3A_1233 : memref<1x128xi32, #tpu.memory_space<vmem>> -> memref<128xi32, #tpu.memory_space<vmem>>
    %dma_wait3A_1235 = arith.constant 0 : i32
    %dma_wait3A_1236 = arith.constant 0 : i32
    %dma_wait3A_1237 = tpu.memref_slice %arg7[%dma_wait3A_1235, %dma_wait3A_1236] : memref<6250x16xf32, #tpu.memory_space<hbm>> -> memref<6250x16xf32, #tpu.memory_space<hbm>>
    tpu.wait_indirect_dma semaphore(%arg18 : memref<!tpu.dma_semaphore, #tpu.memory_space<semaphore_mem>>) src(%dma_wait3A_1237 : memref<6250x16xf32, #tpu.memory_space<hbm>>) dst(%dma_wait3A_1231 : memref<128x16xf32, #tpu.memory_space<vmem>>)
    %iota3A = tpu.iota {dimensions = array<i32: 0>} : vector<16xi32>
    %scan3A = arith.constant 0 : i32
    %scan3A_1238 = arith.constant 0 : i32
    %scan3A_1239 = arith.constant 32 : i32
    %scan3A_1240 = arith.addi %scan3A_1238, %scan3A_1239 : i32
    %scan3A_1241 = arith.constant 1 : i32
    scf.for %scan3A_1243 = %scan3A_1238 to %scan3A_1240 step %scan3A_1241  : i32 {
      %jit3A = arith.constant 8 : i32
      %div3A = arith.divsi %scan3A_1243, %jit3A : i32
      %sign3A = arith.constant 0 : i32
      %sign3A_1244 = arith.cmpi sgt, %scan3A_1243, %sign3A : i32
      %sign3A_1245 = arith.extui %sign3A_1244 : i1 to i32
      %sign3A_1246 = arith.constant 0 : i32
      %sign3A_1247 = arith.cmpi slt, %scan3A_1243, %sign3A_1246 : i32
      %sign3A_1248 = arith.extui %sign3A_1247 : i1 to i32
      %sign3A_1249 = arith.subi %sign3A_1245, %sign3A_1248 : i32
      %sign3A_1250 = arith.constant 0 : i32
      %sign3A_1251 = arith.cmpi sgt, %jit3A, %sign3A_1250 : i32
      %sign3A_1252 = arith.extui %sign3A_1251 : i1 to i32
      %sign3A_1253 = arith.constant 0 : i32
      %sign3A_1254 = arith.cmpi slt, %jit3A, %sign3A_1253 : i32
      %sign3A_1255 = arith.extui %sign3A_1254 : i1 to i32
      %sign3A_1256 = arith.subi %sign3A_1252, %sign3A_1255 : i32
      %ne3A = arith.cmpi ne, %sign3A_1249, %sign3A_1256 : i32
      %rem3A = arith.remsi %scan3A_1243, %jit3A : i32
      %ne3A_1257 = arith.constant 0 : i32
      %ne3A_1258 = arith.cmpi ne, %rem3A, %ne3A_1257 : i32
      %and3A = arith.andi %ne3A, %ne3A_1258 : i1
      %sub3A = arith.constant 1 : i32
      %sub3A_1259 = arith.subi %div3A, %sub3A : i32
      %select_n3A = arith.select %and3A, %sub3A_1259, %div3A : i32
      %jit3A_1260 = arith.constant 8 : i32
      %eq3A = arith.constant 0 : i32
      %eq3A_1261 = arith.cmpi eq, %jit3A_1260, %eq3A : i32
      %jit3A_1262 = arith.constant 1 : i32
      %select_n3A_1263 = arith.select %eq3A_1261, %jit3A_1262, %jit3A_1260 : i32
      %rem3A_1264 = arith.remsi %scan3A_1243, %select_n3A_1263 : i32
      %ne3A_1265 = arith.constant 0 : i32
      %ne3A_1266 = arith.cmpi ne, %rem3A_1264, %ne3A_1265 : i32
      %lt3A = arith.constant 0 : i32
      %lt3A_1267 = arith.cmpi slt, %rem3A_1264, %lt3A : i32
      %lt3A_1268 = arith.constant 0 : i32
      %lt3A_1269 = arith.cmpi slt, %select_n3A_1263, %lt3A_1268 : i32
      %ne3A_1270 = arith.xori %lt3A_1267, %lt3A_1269 : i1
      %and3A_1271 = arith.andi %ne3A_1270, %ne3A_1266 : i1
      %add3A_1272 = arith.addi %rem3A_1264, %select_n3A_1263 : i32
      %select_n3A_1273 = arith.select %and3A_1271, %add3A_1272, %rem3A_1264 : i32
      %mul3A_1274 = arith.constant 16 : i32
      %mul3A_1275 = arith.muli %select_n3A_1273, %mul3A_1274 : i32
      %broadcast_in_dim3A = vector.broadcast %select_n3A : i32 to vector<16xi32>
      %add3A_1276 = vector.broadcast %mul3A_1275 : i32 to vector<16xi32>
      %add3A_1277 = arith.addi %add3A_1276, %iota3A : vector<16xi32>
      %broadcast_in_dim3A_1278 = arith.constant 0.000000e+00 : f32
      %broadcast_in_dim3A_1279 = vector.broadcast %broadcast_in_dim3A_1278 : f32 to vector<16xf32>
      %broadcast_in_dim3A_1280 = arith.constant 0 : i32
      %broadcast_in_dim3A_1281 = vector.broadcast %broadcast_in_dim3A_1280 : i32 to vector<16xi32>
      %gather3A = tpu.vector_load_idx %arg13[%broadcast_in_dim3A, %add3A_1277, %broadcast_in_dim3A_1281] : memref<4x128x64xf32, #tpu.memory_space<vmem>>[vector<16xi32>, vector<16xi32>, vector<16xi32>], vector<16xf32>,
      %gather3A_1282 = tpu.vector_load_idx %arg14[%broadcast_in_dim3A, %add3A_1277, %broadcast_in_dim3A_1281] : memref<4x128x64xf32, #tpu.memory_space<vmem>>[vector<16xi32>, vector<16xi32>, vector<16xi32>], vector<16xf32>,
      %mul3A_1283 = arith.mulf %gather3A, %gather3A_1282 : vector<16xf32>
      %add3A_1284 = arith.addf %broadcast_in_dim3A_1279, %mul3A_1283 : vector<16xf32>
      %broadcast_in_dim3A_1285 = arith.constant 1 : i32
      %broadcast_in_dim3A_1286 = vector.broadcast %broadcast_in_dim3A_1285 : i32 to vector<16xi32>
      %gather3A_1287 = tpu.vector_load_idx %arg13[%broadcast_in_dim3A, %add3A_1277, %broadcast_in_dim3A_1286] : memref<4x128x64xf32, #tpu.memory_space<vmem>>[vector<16xi32>, vector<16xi32>, vector<16xi32>], vector<16xf32>,
      %gather3A_1288 = tpu.vector_load_idx %arg14[%broadcast_in_dim3A, %add3A_1277, %broadcast_in_dim3A_1286] : memref<4x128x64xf32, #tpu.memory_space<vmem>>[vector<16xi32>, vector<16xi32>, vector<16xi32>], vector<16xf32>,
      %mul3A_1289 = arith.mulf %gather3A_1287, %gather3A_1288 : vector<16xf32>
      %add3A_1290 = arith.addf %add3A_1284, %mul3A_1289 : vector<16xf32>
      %broadcast_in_dim3A_1291 = arith.constant 2 : i32
      %broadcast_in_dim3A_1292 = vector.broadcast %broadcast_in_dim3A_1291 : i32 to vector<16xi32>
      %gather3A_1293 = tpu.vector_load_idx %arg13[%broadcast_in_dim3A, %add3A_1277, %broadcast_in_dim3A_1292] : memref<4x128x64xf32, #tpu.memory_space<vmem>>[vector<16xi32>, vector<16xi32>, vector<16xi32>], vector<16xf32>,
      %gather3A_1294 = tpu.vector_load_idx %arg14[%broadcast_in_dim3A, %add3A_1277, %broadcast_in_dim3A_1292] : memref<4x128x64xf32, #tpu.memory_space<vmem>>[vector<16xi32>, vector<16xi32>, vector<16xi32>], vector<16xf32>,
      %mul3A_1295 = arith.mulf %gather3A_1293, %gather3A_1294 : vector<16xf32>
      %add3A_1296 = arith.addf %add3A_1290, %mul3A_1295 : vector<16xf32>
      %broadcast_in_dim3A_1297 = arith.constant 3 : i32
      %broadcast_in_dim3A_1298 = vector.broadcast %broadcast_in_dim3A_1297 : i32 to vector<16xi32>
      %gather3A_1299 = tpu.vector_load_idx %arg13[%broadcast_in_dim3A, %add3A_1277, %broadcast_in_dim3A_1298] : memref<4x128x64xf32, #tpu.memory_space<vmem>>[vector<16xi32>, vector<16xi32>, vector<16xi32>], vector<16xf32>,
      %gather3A_1300 = tpu.vector_load_idx %arg14[%broadcast_in_dim3A, %add3A_1277, %broadcast_in_dim3A_1298] : memref<4x128x64xf32, #tpu.memory_space<vmem>>[vector<16xi32>, vector<16xi32>, vector<16xi32>], vector<16xf32>,
      %mul3A_1301 = arith.mulf %gather3A_1299, %gather3A_1300 : vector<16xf32>
      %add3A_1302 = arith.addf %add3A_1296, %mul3A_1301 : vector<16xf32>
      %broadcast_in_dim3A_1303 = arith.constant 4 : i32
      %broadcast_in_dim3A_1304 = vector.broadcast %broadcast_in_dim3A_1303 : i32 to vector<16xi32>
      %gather3A_1305 = tpu.vector_load_idx %arg13[%broadcast_in_dim3A, %add3A_1277, %broadcast_in_dim3A_1304] : memref<4x128x64xf32, #tpu.memory_space<vmem>>[vector<16xi32>, vector<16xi32>, vector<16xi32>], vector<16xf32>,
      %gather3A_1306 = tpu.vector_load_idx %arg14[%broadcast_in_dim3A, %add3A_1277, %broadcast_in_dim3A_1304] : memref<4x128x64xf32, #tpu.memory_space<vmem>>[vector<16xi32>, vector<16xi32>, vector<16xi32>], vector<16xf32>,
      %mul3A_1307 = arith.mulf %gather3A_1305, %gather3A_1306 : vector<16xf32>
      %add3A_1308 = arith.addf %add3A_1302, %mul3A_1307 : vector<16xf32>
      %broadcast_in_dim3A_1309 = arith.constant 5 : i32
      %broadcast_in_dim3A_1310 = vector.broadcast %broadcast_in_dim3A_1309 : i32 to vector<16xi32>
      %gather3A_1311 = tpu.vector_load_idx %arg13[%broadcast_in_dim3A, %add3A_1277, %broadcast_in_dim3A_1310] : memref<4x128x64xf32, #tpu.memory_space<vmem>>[vector<16xi32>, vector<16xi32>, vector<16xi32>], vector<16xf32>,
      %gather3A_1312 = tpu.vector_load_idx %arg14[%broadcast_in_dim3A, %add3A_1277, %broadcast_in_dim3A_1310] : memref<4x128x64xf32, #tpu.memory_space<vmem>>[vector<16xi32>, vector<16xi32>, vector<16xi32>], vector<16xf32>,
      %mul3A_1313 = arith.mulf %gather3A_1311, %gather3A_1312 : vector<16xf32>
      %add3A_1314 = arith.addf %add3A_1308, %mul3A_1313 : vector<16xf32>
      %broadcast_in_dim3A_1315 = arith.constant 6 : i32
      %broadcast_in_dim3A_1316 = vector.broadcast %broadcast_in_dim3A_1315 : i32 to vector<16xi32>
      %gather3A_1317 = tpu.vector_load_idx %arg13[%broadcast_in_dim3A, %add3A_1277, %broadcast_in_dim3A_1316] : memref<4x128x64xf32, #tpu.memory_space<vmem>>[vector<16xi32>, vector<16xi32>, vector<16xi32>], vector<16xf32>,
      %gather3A_1318 = tpu.vector_load_idx %arg14[%broadcast_in_dim3A, %add3A_1277, %broadcast_in_dim3A_1316] : memref<4x128x64xf32, #tpu.memory_space<vmem>>[vector<16xi32>, vector<16xi32>, vector<16xi32>], vector<16xf32>,
      %mul3A_1319 = arith.mulf %gather3A_1317, %gather3A_1318 : vector<16xf32>
      %add3A_1320 = arith.addf %add3A_1314, %mul3A_1319 : vector<16xf32>
      %broadcast_in_dim3A_1321 = arith.constant 7 : i32
      %broadcast_in_dim3A_1322 = vector.broadcast %broadcast_in_dim3A_1321 : i32 to vector<16xi32>
      %gather3A_1323 = tpu.vector_load_idx %arg13[%broadcast_in_dim3A, %add3A_1277, %broadcast_in_dim3A_1322] : memref<4x128x64xf32, #tpu.memory_space<vmem>>[vector<16xi32>, vector<16xi32>, vector<16xi32>], vector<16xf32>,
      %gather3A_1324 = tpu.vector_load_idx %arg14[%broadcast_in_dim3A, %add3A_1277, %broadcast_in_dim3A_1322] : memref<4x128x64xf32, #tpu.memory_space<vmem>>[vector<16xi32>, vector<16xi32>, vector<16xi32>], vector<16xf32>,
      %mul3A_1325 = arith.mulf %gather3A_1323, %gather3A_1324 : vector<16xf32>
      %add3A_1326 = arith.addf %add3A_1320, %mul3A_1325 : vector<16xf32>
      %broadcast_in_dim3A_1327 = arith.constant 8 : i32
      %broadcast_in_dim3A_1328 = vector.broadcast %broadcast_in_dim3A_1327 : i32 to vector<16xi32>
      %gather3A_1329 = tpu.vector_load_idx %arg13[%broadcast_in_dim3A, %add3A_1277, %broadcast_in_dim3A_1328] : memref<4x128x64xf32, #tpu.memory_space<vmem>>[vector<16xi32>, vector<16xi32>, vector<16xi32>], vector<16xf32>,
      %gather3A_1330 = tpu.vector_load_idx %arg14[%broadcast_in_dim3A, %add3A_1277, %broadcast_in_dim3A_1328] : memref<4x128x64xf32, #tpu.memory_space<vmem>>[vector<16xi32>, vector<16xi32>, vector<16xi32>], vector<16xf32>,
      %mul3A_1331 = arith.mulf %gather3A_1329, %gather3A_1330 : vector<16xf32>
      %add3A_1332 = arith.addf %add3A_1326, %mul3A_1331 : vector<16xf32>
      %broadcast_in_dim3A_1333 = arith.constant 9 : i32
      %broadcast_in_dim3A_1334 = vector.broadcast %broadcast_in_dim3A_1333 : i32 to vector<16xi32>
      %gather3A_1335 = tpu.vector_load_idx %arg13[%broadcast_in_dim3A, %add3A_1277, %broadcast_in_dim3A_1334] : memref<4x128x64xf32, #tpu.memory_space<vmem>>[vector<16xi32>, vector<16xi32>, vector<16xi32>], vector<16xf32>,
      %gather3A_1336 = tpu.vector_load_idx %arg14[%broadcast_in_dim3A, %add3A_1277, %broadcast_in_dim3A_1334] : memref<4x128x64xf32, #tpu.memory_space<vmem>>[vector<16xi32>, vector<16xi32>, vector<16xi32>], vector<16xf32>,
      %mul3A_1337 = arith.mulf %gather3A_1335, %gather3A_1336 : vector<16xf32>
      %add3A_1338 = arith.addf %add3A_1332, %mul3A_1337 : vector<16xf32>
      %broadcast_in_dim3A_1339 = arith.constant 10 : i32
      %broadcast_in_dim3A_1340 = vector.broadcast %broadcast_in_dim3A_1339 : i32 to vector<16xi32>
      %gather3A_1341 = tpu.vector_load_idx %arg13[%broadcast_in_dim3A, %add3A_1277, %broadcast_in_dim3A_1340] : memref<4x128x64xf32, #tpu.memory_space<vmem>>[vector<16xi32>, vector<16xi32>, vector<16xi32>], vector<16xf32>,
      %gather3A_1342 = tpu.vector_load_idx %arg14[%broadcast_in_dim3A, %add3A_1277, %broadcast_in_dim3A_1340] : memref<4x128x64xf32, #tpu.memory_space<vmem>>[vector<16xi32>, vector<16xi32>, vector<16xi32>], vector<16xf32>,
      %mul3A_1343 = arith.mulf %gather3A_1341, %gather3A_1342 : vector<16xf32>
      %add3A_1344 = arith.addf %add3A_1338, %mul3A_1343 : vector<16xf32>
      %broadcast_in_dim3A_1345 = arith.constant 11 : i32
      %broadcast_in_dim3A_1346 = vector.broadcast %broadcast_in_dim3A_1345 : i32 to vector<16xi32>
      %gather3A_1347 = tpu.vector_load_idx %arg13[%broadcast_in_dim3A, %add3A_1277, %broadcast_in_dim3A_1346] : memref<4x128x64xf32, #tpu.memory_space<vmem>>[vector<16xi32>, vector<16xi32>, vector<16xi32>], vector<16xf32>,
      %gather3A_1348 = tpu.vector_load_idx %arg14[%broadcast_in_dim3A, %add3A_1277, %broadcast_in_dim3A_1346] : memref<4x128x64xf32, #tpu.memory_space<vmem>>[vector<16xi32>, vector<16xi32>, vector<16xi32>], vector<16xf32>,
      %mul3A_1349 = arith.mulf %gather3A_1347, %gather3A_1348 : vector<16xf32>
      %add3A_1350 = arith.addf %add3A_1344, %mul3A_1349 : vector<16xf32>
      %broadcast_in_dim3A_1351 = arith.constant 12 : i32
      %broadcast_in_dim3A_1352 = vector.broadcast %broadcast_in_dim3A_1351 : i32 to vector<16xi32>
      %gather3A_1353 = tpu.vector_load_idx %arg13[%broadcast_in_dim3A, %add3A_1277, %broadcast_in_dim3A_1352] : memref<4x128x64xf32, #tpu.memory_space<vmem>>[vector<16xi32>, vector<16xi32>, vector<16xi32>], vector<16xf32>,
      %gather3A_1354 = tpu.vector_load_idx %arg14[%broadcast_in_dim3A, %add3A_1277, %broadcast_in_dim3A_1352] : memref<4x128x64xf32, #tpu.memory_space<vmem>>[vector<16xi32>, vector<16xi32>, vector<16xi32>], vector<16xf32>,
      %mul3A_1355 = arith.mulf %gather3A_1353, %gather3A_1354 : vector<16xf32>
      %add3A_1356 = arith.addf %add3A_1350, %mul3A_1355 : vector<16xf32>
      %broadcast_in_dim3A_1357 = arith.constant 13 : i32
      %broadcast_in_dim3A_1358 = vector.broadcast %broadcast_in_dim3A_1357 : i32 to vector<16xi32>
      %gather3A_1359 = tpu.vector_load_idx %arg13[%broadcast_in_dim3A, %add3A_1277, %broadcast_in_dim3A_1358] : memref<4x128x64xf32, #tpu.memory_space<vmem>>[vector<16xi32>, vector<16xi32>, vector<16xi32>], vector<16xf32>,
      %gather3A_1360 = tpu.vector_load_idx %arg14[%broadcast_in_dim3A, %add3A_1277, %broadcast_in_dim3A_1358] : memref<4x128x64xf32, #tpu.memory_space<vmem>>[vector<16xi32>, vector<16xi32>, vector<16xi32>], vector<16xf32>,
      %mul3A_1361 = arith.mulf %gather3A_1359, %gather3A_1360 : vector<16xf32>
      %add3A_1362 = arith.addf %add3A_1356, %mul3A_1361 : vector<16xf32>
      %broadcast_in_dim3A_1363 = arith.constant 14 : i32
      %broadcast_in_dim3A_1364 = vector.broadcast %broadcast_in_dim3A_1363 : i32 to vector<16xi32>
      %gather3A_1365 = tpu.vector_load_idx %arg13[%broadcast_in_dim3A, %add3A_1277, %broadcast_in_dim3A_1364] : memref<4x128x64xf32, #tpu.memory_space<vmem>>[vector<16xi32>, vector<16xi32>, vector<16xi32>], vector<16xf32>,
      %gather3A_1366 = tpu.vector_load_idx %arg14[%broadcast_in_dim3A, %add3A_1277, %broadcast_in_dim3A_1364] : memref<4x128x64xf32, #tpu.memory_space<vmem>>[vector<16xi32>, vector<16xi32>, vector<16xi32>], vector<16xf32>,
      %mul3A_1367 = arith.mulf %gather3A_1365, %gather3A_1366 : vector<16xf32>
      %add3A_1368 = arith.addf %add3A_1362, %mul3A_1367 : vector<16xf32>
      %broadcast_in_dim3A_1369 = arith.constant 15 : i32
      %broadcast_in_dim3A_1370 = vector.broadcast %broadcast_in_dim3A_1369 : i32 to vector<16xi32>
      %gather3A_1371 = tpu.vector_load_idx %arg13[%broadcast_in_dim3A, %add3A_1277, %broadcast_in_dim3A_1370] : memref<4x128x64xf32, #tpu.memory_space<vmem>>[vector<16xi32>, vector<16xi32>, vector<16xi32>], vector<16xf32>,
      %gather3A_1372 = tpu.vector_load_idx %arg14[%broadcast_in_dim3A, %add3A_1277, %broadcast_in_dim3A_1370] : memref<4x128x64xf32, #tpu.memory_space<vmem>>[vector<16xi32>, vector<16xi32>, vector<16xi32>], vector<16xf32>,
      %mul3A_1373 = arith.mulf %gather3A_1371, %gather3A_1372 : vector<16xf32>
      %add3A_1374 = arith.addf %add3A_1368, %mul3A_1373 : vector<16xf32>
      %broadcast_in_dim3A_1375 = arith.constant 16 : i32
      %broadcast_in_dim3A_1376 = vector.broadcast %broadcast_in_dim3A_1375 : i32 to vector<16xi32>
      %gather3A_1377 = tpu.vector_load_idx %arg13[%broadcast_in_dim3A, %add3A_1277, %broadcast_in_dim3A_1376] : memref<4x128x64xf32, #tpu.memory_space<vmem>>[vector<16xi32>, vector<16xi32>, vector<16xi32>], vector<16xf32>,
      %gather3A_1378 = tpu.vector_load_idx %arg14[%broadcast_in_dim3A, %add3A_1277, %broadcast_in_dim3A_1376] : memref<4x128x64xf32, #tpu.memory_space<vmem>>[vector<16xi32>, vector<16xi32>, vector<16xi32>], vector<16xf32>,
      %mul3A_1379 = arith.mulf %gather3A_1377, %gather3A_1378 : vector<16xf32>
      %add3A_1380 = arith.addf %add3A_1374, %mul3A_1379 : vector<16xf32>
      %broadcast_in_dim3A_1381 = arith.constant 17 : i32
      %broadcast_in_dim3A_1382 = vector.broadcast %broadcast_in_dim3A_1381 : i32 to vector<16xi32>
      %gather3A_1383 = tpu.vector_load_idx %arg13[%broadcast_in_dim3A, %add3A_1277, %broadcast_in_dim3A_1382] : memref<4x128x64xf32, #tpu.memory_space<vmem>>[vector<16xi32>, vector<16xi32>, vector<16xi32>], vector<16xf32>,
      %gather3A_1384 = tpu.vector_load_idx %arg14[%broadcast_in_dim3A, %add3A_1277, %broadcast_in_dim3A_1382] : memref<4x128x64xf32, #tpu.memory_space<vmem>>[vector<16xi32>, vector<16xi32>, vector<16xi32>], vector<16xf32>,
      %mul3A_1385 = arith.mulf %gather3A_1383, %gather3A_1384 : vector<16xf32>
      %add3A_1386 = arith.addf %add3A_1380, %mul3A_1385 : vector<16xf32>
      %broadcast_in_dim3A_1387 = arith.constant 18 : i32
      %broadcast_in_dim3A_1388 = vector.broadcast %broadcast_in_dim3A_1387 : i32 to vector<16xi32>
      %gather3A_1389 = tpu.vector_load_idx %arg13[%broadcast_in_dim3A, %add3A_1277, %broadcast_in_dim3A_1388] : memref<4x128x64xf32, #tpu.memory_space<vmem>>[vector<16xi32>, vector<16xi32>, vector<16xi32>], vector<16xf32>,
      %gather3A_1390 = tpu.vector_load_idx %arg14[%broadcast_in_dim3A, %add3A_1277, %broadcast_in_dim3A_1388] : memref<4x128x64xf32, #tpu.memory_space<vmem>>[vector<16xi32>, vector<16xi32>, vector<16xi32>], vector<16xf32>,
      %mul3A_1391 = arith.mulf %gather3A_1389, %gather3A_1390 : vector<16xf32>
      %add3A_1392 = arith.addf %add3A_1386, %mul3A_1391 : vector<16xf32>
      %broadcast_in_dim3A_1393 = arith.constant 19 : i32
      %broadcast_in_dim3A_1394 = vector.broadcast %broadcast_in_dim3A_1393 : i32 to vector<16xi32>
      %gather3A_1395 = tpu.vector_load_idx %arg13[%broadcast_in_dim3A, %add3A_1277, %broadcast_in_dim3A_1394] : memref<4x128x64xf32, #tpu.memory_space<vmem>>[vector<16xi32>, vector<16xi32>, vector<16xi32>], vector<16xf32>,
      %gather3A_1396 = tpu.vector_load_idx %arg14[%broadcast_in_dim3A, %add3A_1277, %broadcast_in_dim3A_1394] : memref<4x128x64xf32, #tpu.memory_space<vmem>>[vector<16xi32>, vector<16xi32>, vector<16xi32>], vector<16xf32>,
      %mul3A_1397 = arith.mulf %gather3A_1395, %gather3A_1396 : vector<16xf32>
      %add3A_1398 = arith.addf %add3A_1392, %mul3A_1397 : vector<16xf32>
      %broadcast_in_dim3A_1399 = arith.constant 20 : i32
      %broadcast_in_dim3A_1400 = vector.broadcast %broadcast_in_dim3A_1399 : i32 to vector<16xi32>
      %gather3A_1401 = tpu.vector_load_idx %arg13[%broadcast_in_dim3A, %add3A_1277, %broadcast_in_dim3A_1400] : memref<4x128x64xf32, #tpu.memory_space<vmem>>[vector<16xi32>, vector<16xi32>, vector<16xi32>], vector<16xf32>,
      %gather3A_1402 = tpu.vector_load_idx %arg14[%broadcast_in_dim3A, %add3A_1277, %broadcast_in_dim3A_1400] : memref<4x128x64xf32, #tpu.memory_space<vmem>>[vector<16xi32>, vector<16xi32>, vector<16xi32>], vector<16xf32>,
      %mul3A_1403 = arith.mulf %gather3A_1401, %gather3A_1402 : vector<16xf32>
      %add3A_1404 = arith.addf %add3A_1398, %mul3A_1403 : vector<16xf32>
      %broadcast_in_dim3A_1405 = arith.constant 21 : i32
      %broadcast_in_dim3A_1406 = vector.broadcast %broadcast_in_dim3A_1405 : i32 to vector<16xi32>
      %gather3A_1407 = tpu.vector_load_idx %arg13[%broadcast_in_dim3A, %add3A_1277, %broadcast_in_dim3A_1406] : memref<4x128x64xf32, #tpu.memory_space<vmem>>[vector<16xi32>, vector<16xi32>, vector<16xi32>], vector<16xf32>,
      %gather3A_1408 = tpu.vector_load_idx %arg14[%broadcast_in_dim3A, %add3A_1277, %broadcast_in_dim3A_1406] : memref<4x128x64xf32, #tpu.memory_space<vmem>>[vector<16xi32>, vector<16xi32>, vector<16xi32>], vector<16xf32>,
      %mul3A_1409 = arith.mulf %gather3A_1407, %gather3A_1408 : vector<16xf32>
      %add3A_1410 = arith.addf %add3A_1404, %mul3A_1409 : vector<16xf32>
      %broadcast_in_dim3A_1411 = arith.constant 22 : i32
      %broadcast_in_dim3A_1412 = vector.broadcast %broadcast_in_dim3A_1411 : i32 to vector<16xi32>
      %gather3A_1413 = tpu.vector_load_idx %arg13[%broadcast_in_dim3A, %add3A_1277, %broadcast_in_dim3A_1412] : memref<4x128x64xf32, #tpu.memory_space<vmem>>[vector<16xi32>, vector<16xi32>, vector<16xi32>], vector<16xf32>,
      %gather3A_1414 = tpu.vector_load_idx %arg14[%broadcast_in_dim3A, %add3A_1277, %broadcast_in_dim3A_1412] : memref<4x128x64xf32, #tpu.memory_space<vmem>>[vector<16xi32>, vector<16xi32>, vector<16xi32>], vector<16xf32>,
      %mul3A_1415 = arith.mulf %gather3A_1413, %gather3A_1414 : vector<16xf32>
      %add3A_1416 = arith.addf %add3A_1410, %mul3A_1415 : vector<16xf32>
      %broadcast_in_dim3A_1417 = arith.constant 23 : i32
      %broadcast_in_dim3A_1418 = vector.broadcast %broadcast_in_dim3A_1417 : i32 to vector<16xi32>
      %gather3A_1419 = tpu.vector_load_idx %arg13[%broadcast_in_dim3A, %add3A_1277, %broadcast_in_dim3A_1418] : memref<4x128x64xf32, #tpu.memory_space<vmem>>[vector<16xi32>, vector<16xi32>, vector<16xi32>], vector<16xf32>,
      %gather3A_1420 = tpu.vector_load_idx %arg14[%broadcast_in_dim3A, %add3A_1277, %broadcast_in_dim3A_1418] : memref<4x128x64xf32, #tpu.memory_space<vmem>>[vector<16xi32>, vector<16xi32>, vector<16xi32>], vector<16xf32>,
      %mul3A_1421 = arith.mulf %gather3A_1419, %gather3A_1420 : vector<16xf32>
      %add3A_1422 = arith.addf %add3A_1416, %mul3A_1421 : vector<16xf32>
      %broadcast_in_dim3A_1423 = arith.constant 24 : i32
      %broadcast_in_dim3A_1424 = vector.broadcast %broadcast_in_dim3A_1423 : i32 to vector<16xi32>
      %gather3A_1425 = tpu.vector_load_idx %arg13[%broadcast_in_dim3A, %add3A_1277, %broadcast_in_dim3A_1424] : memref<4x128x64xf32, #tpu.memory_space<vmem>>[vector<16xi32>, vector<16xi32>, vector<16xi32>], vector<16xf32>,
      %gather3A_1426 = tpu.vector_load_idx %arg14[%broadcast_in_dim3A, %add3A_1277, %broadcast_in_dim3A_1424] : memref<4x128x64xf32, #tpu.memory_space<vmem>>[vector<16xi32>, vector<16xi32>, vector<16xi32>], vector<16xf32>,
      %mul3A_1427 = arith.mulf %gather3A_1425, %gather3A_1426 : vector<16xf32>
      %add3A_1428 = arith.addf %add3A_1422, %mul3A_1427 : vector<16xf32>
      %broadcast_in_dim3A_1429 = arith.constant 25 : i32
      %broadcast_in_dim3A_1430 = vector.broadcast %broadcast_in_dim3A_1429 : i32 to vector<16xi32>
      %gather3A_1431 = tpu.vector_load_idx %arg13[%broadcast_in_dim3A, %add3A_1277, %broadcast_in_dim3A_1430] : memref<4x128x64xf32, #tpu.memory_space<vmem>>[vector<16xi32>, vector<16xi32>, vector<16xi32>], vector<16xf32>,
      %gather3A_1432 = tpu.vector_load_idx %arg14[%broadcast_in_dim3A, %add3A_1277, %broadcast_in_dim3A_1430] : memref<4x128x64xf32, #tpu.memory_space<vmem>>[vector<16xi32>, vector<16xi32>, vector<16xi32>], vector<16xf32>,
      %mul3A_1433 = arith.mulf %gather3A_1431, %gather3A_1432 : vector<16xf32>
      %add3A_1434 = arith.addf %add3A_1428, %mul3A_1433 : vector<16xf32>
      %broadcast_in_dim3A_1435 = arith.constant 26 : i32
      %broadcast_in_dim3A_1436 = vector.broadcast %broadcast_in_dim3A_1435 : i32 to vector<16xi32>
      %gather3A_1437 = tpu.vector_load_idx %arg13[%broadcast_in_dim3A, %add3A_1277, %broadcast_in_dim3A_1436] : memref<4x128x64xf32, #tpu.memory_space<vmem>>[vector<16xi32>, vector<16xi32>, vector<16xi32>], vector<16xf32>,
      %gather3A_1438 = tpu.vector_load_idx %arg14[%broadcast_in_dim3A, %add3A_1277, %broadcast_in_dim3A_1436] : memref<4x128x64xf32, #tpu.memory_space<vmem>>[vector<16xi32>, vector<16xi32>, vector<16xi32>], vector<16xf32>,
      %mul3A_1439 = arith.mulf %gather3A_1437, %gather3A_1438 : vector<16xf32>
      %add3A_1440 = arith.addf %add3A_1434, %mul3A_1439 : vector<16xf32>
      %broadcast_in_dim3A_1441 = arith.constant 27 : i32
      %broadcast_in_dim3A_1442 = vector.broadcast %broadcast_in_dim3A_1441 : i32 to vector<16xi32>
      %gather3A_1443 = tpu.vector_load_idx %arg13[%broadcast_in_dim3A, %add3A_1277, %broadcast_in_dim3A_1442] : memref<4x128x64xf32, #tpu.memory_space<vmem>>[vector<16xi32>, vector<16xi32>, vector<16xi32>], vector<16xf32>,
      %gather3A_1444 = tpu.vector_load_idx %arg14[%broadcast_in_dim3A, %add3A_1277, %broadcast_in_dim3A_1442] : memref<4x128x64xf32, #tpu.memory_space<vmem>>[vector<16xi32>, vector<16xi32>, vector<16xi32>], vector<16xf32>,
      %mul3A_1445 = arith.mulf %gather3A_1443, %gather3A_1444 : vector<16xf32>
      %add3A_1446 = arith.addf %add3A_1440, %mul3A_1445 : vector<16xf32>
      %broadcast_in_dim3A_1447 = arith.constant 28 : i32
      %broadcast_in_dim3A_1448 = vector.broadcast %broadcast_in_dim3A_1447 : i32 to vector<16xi32>
      %gather3A_1449 = tpu.vector_load_idx %arg13[%broadcast_in_dim3A, %add3A_1277, %broadcast_in_dim3A_1448] : memref<4x128x64xf32, #tpu.memory_space<vmem>>[vector<16xi32>, vector<16xi32>, vector<16xi32>], vector<16xf32>,
      %gather3A_1450 = tpu.vector_load_idx %arg14[%broadcast_in_dim3A, %add3A_1277, %broadcast_in_dim3A_1448] : memref<4x128x64xf32, #tpu.memory_space<vmem>>[vector<16xi32>, vector<16xi32>, vector<16xi32>], vector<16xf32>,
      %mul3A_1451 = arith.mulf %gather3A_1449, %gather3A_1450 : vector<16xf32>
      %add3A_1452 = arith.addf %add3A_1446, %mul3A_1451 : vector<16xf32>
      %broadcast_in_dim3A_1453 = arith.constant 29 : i32
      %broadcast_in_dim3A_1454 = vector.broadcast %broadcast_in_dim3A_1453 : i32 to vector<16xi32>
      %gather3A_1455 = tpu.vector_load_idx %arg13[%broadcast_in_dim3A, %add3A_1277, %broadcast_in_dim3A_1454] : memref<4x128x64xf32, #tpu.memory_space<vmem>>[vector<16xi32>, vector<16xi32>, vector<16xi32>], vector<16xf32>,
      %gather3A_1456 = tpu.vector_load_idx %arg14[%broadcast_in_dim3A, %add3A_1277, %broadcast_in_dim3A_1454] : memref<4x128x64xf32, #tpu.memory_space<vmem>>[vector<16xi32>, vector<16xi32>, vector<16xi32>], vector<16xf32>,
      %mul3A_1457 = arith.mulf %gather3A_1455, %gather3A_1456 : vector<16xf32>
      %add3A_1458 = arith.addf %add3A_1452, %mul3A_1457 : vector<16xf32>
      %broadcast_in_dim3A_1459 = arith.constant 30 : i32
      %broadcast_in_dim3A_1460 = vector.broadcast %broadcast_in_dim3A_1459 : i32 to vector<16xi32>
      %gather3A_1461 = tpu.vector_load_idx %arg13[%broadcast_in_dim3A, %add3A_1277, %broadcast_in_dim3A_1460] : memref<4x128x64xf32, #tpu.memory_space<vmem>>[vector<16xi32>, vector<16xi32>, vector<16xi32>], vector<16xf32>,
      %gather3A_1462 = tpu.vector_load_idx %arg14[%broadcast_in_dim3A, %add3A_1277, %broadcast_in_dim3A_1460] : memref<4x128x64xf32, #tpu.memory_space<vmem>>[vector<16xi32>, vector<16xi32>, vector<16xi32>], vector<16xf32>,
      %mul3A_1463 = arith.mulf %gather3A_1461, %gather3A_1462 : vector<16xf32>
      %add3A_1464 = arith.addf %add3A_1458, %mul3A_1463 : vector<16xf32>
      %broadcast_in_dim3A_1465 = arith.constant 31 : i32
      %broadcast_in_dim3A_1466 = vector.broadcast %broadcast_in_dim3A_1465 : i32 to vector<16xi32>
      %gather3A_1467 = tpu.vector_load_idx %arg13[%broadcast_in_dim3A, %add3A_1277, %broadcast_in_dim3A_1466] : memref<4x128x64xf32, #tpu.memory_space<vmem>>[vector<16xi32>, vector<16xi32>, vector<16xi32>], vector<16xf32>,
      %gather3A_1468 = tpu.vector_load_idx %arg14[%broadcast_in_dim3A, %add3A_1277, %broadcast_in_dim3A_1466] : memref<4x128x64xf32, #tpu.memory_space<vmem>>[vector<16xi32>, vector<16xi32>, vector<16xi32>], vector<16xf32>,
      %mul3A_1469 = arith.mulf %gather3A_1467, %gather3A_1468 : vector<16xf32>
      %add3A_1470 = arith.addf %add3A_1464, %mul3A_1469 : vector<16xf32>
      %broadcast_in_dim3A_1471 = arith.constant 32 : i32
      %broadcast_in_dim3A_1472 = vector.broadcast %broadcast_in_dim3A_1471 : i32 to vector<16xi32>
      %gather3A_1473 = tpu.vector_load_idx %arg13[%broadcast_in_dim3A, %add3A_1277, %broadcast_in_dim3A_1472] : memref<4x128x64xf32, #tpu.memory_space<vmem>>[vector<16xi32>, vector<16xi32>, vector<16xi32>], vector<16xf32>,
      %gather3A_1474 = tpu.vector_load_idx %arg14[%broadcast_in_dim3A, %add3A_1277, %broadcast_in_dim3A_1472] : memref<4x128x64xf32, #tpu.memory_space<vmem>>[vector<16xi32>, vector<16xi32>, vector<16xi32>], vector<16xf32>,
      %mul3A_1475 = arith.mulf %gather3A_1473, %gather3A_1474 : vector<16xf32>
      %add3A_1476 = arith.addf %add3A_1470, %mul3A_1475 : vector<16xf32>
      %broadcast_in_dim3A_1477 = arith.constant 33 : i32
      %broadcast_in_dim3A_1478 = vector.broadcast %broadcast_in_dim3A_1477 : i32 to vector<16xi32>
      %gather3A_1479 = tpu.vector_load_idx %arg13[%broadcast_in_dim3A, %add3A_1277, %broadcast_in_dim3A_1478] : memref<4x128x64xf32, #tpu.memory_space<vmem>>[vector<16xi32>, vector<16xi32>, vector<16xi32>], vector<16xf32>,
      %gather3A_1480 = tpu.vector_load_idx %arg14[%broadcast_in_dim3A, %add3A_1277, %broadcast_in_dim3A_1478] : memref<4x128x64xf32, #tpu.memory_space<vmem>>[vector<16xi32>, vector<16xi32>, vector<16xi32>], vector<16xf32>,
      %mul3A_1481 = arith.mulf %gather3A_1479, %gather3A_1480 : vector<16xf32>
      %add3A_1482 = arith.addf %add3A_1476, %mul3A_1481 : vector<16xf32>
      %broadcast_in_dim3A_1483 = arith.constant 34 : i32
      %broadcast_in_dim3A_1484 = vector.broadcast %broadcast_in_dim3A_1483 : i32 to vector<16xi32>
      %gather3A_1485 = tpu.vector_load_idx %arg13[%broadcast_in_dim3A, %add3A_1277, %broadcast_in_dim3A_1484] : memref<4x128x64xf32, #tpu.memory_space<vmem>>[vector<16xi32>, vector<16xi32>, vector<16xi32>], vector<16xf32>,
      %gather3A_1486 = tpu.vector_load_idx %arg14[%broadcast_in_dim3A, %add3A_1277, %broadcast_in_dim3A_1484] : memref<4x128x64xf32, #tpu.memory_space<vmem>>[vector<16xi32>, vector<16xi32>, vector<16xi32>], vector<16xf32>,
      %mul3A_1487 = arith.mulf %gather3A_1485, %gather3A_1486 : vector<16xf32>
      %add3A_1488 = arith.addf %add3A_1482, %mul3A_1487 : vector<16xf32>
      %broadcast_in_dim3A_1489 = arith.constant 35 : i32
      %broadcast_in_dim3A_1490 = vector.broadcast %broadcast_in_dim3A_1489 : i32 to vector<16xi32>
      %gather3A_1491 = tpu.vector_load_idx %arg13[%broadcast_in_dim3A, %add3A_1277, %broadcast_in_dim3A_1490] : memref<4x128x64xf32, #tpu.memory_space<vmem>>[vector<16xi32>, vector<16xi32>, vector<16xi32>], vector<16xf32>,
      %gather3A_1492 = tpu.vector_load_idx %arg14[%broadcast_in_dim3A, %add3A_1277, %broadcast_in_dim3A_1490] : memref<4x128x64xf32, #tpu.memory_space<vmem>>[vector<16xi32>, vector<16xi32>, vector<16xi32>], vector<16xf32>,
      %mul3A_1493 = arith.mulf %gather3A_1491, %gather3A_1492 : vector<16xf32>
      %add3A_1494 = arith.addf %add3A_1488, %mul3A_1493 : vector<16xf32>
      %broadcast_in_dim3A_1495 = arith.constant 36 : i32
      %broadcast_in_dim3A_1496 = vector.broadcast %broadcast_in_dim3A_1495 : i32 to vector<16xi32>
      %gather3A_1497 = tpu.vector_load_idx %arg13[%broadcast_in_dim3A, %add3A_1277, %broadcast_in_dim3A_1496] : memref<4x128x64xf32, #tpu.memory_space<vmem>>[vector<16xi32>, vector<16xi32>, vector<16xi32>], vector<16xf32>,
      %gather3A_1498 = tpu.vector_load_idx %arg14[%broadcast_in_dim3A, %add3A_1277, %broadcast_in_dim3A_1496] : memref<4x128x64xf32, #tpu.memory_space<vmem>>[vector<16xi32>, vector<16xi32>, vector<16xi32>], vector<16xf32>,
      %mul3A_1499 = arith.mulf %gather3A_1497, %gather3A_1498 : vector<16xf32>
      %add3A_1500 = arith.addf %add3A_1494, %mul3A_1499 : vector<16xf32>
      %broadcast_in_dim3A_1501 = arith.constant 37 : i32
      %broadcast_in_dim3A_1502 = vector.broadcast %broadcast_in_dim3A_1501 : i32 to vector<16xi32>
      %gather3A_1503 = tpu.vector_load_idx %arg13[%broadcast_in_dim3A, %add3A_1277, %broadcast_in_dim3A_1502] : memref<4x128x64xf32, #tpu.memory_space<vmem>>[vector<16xi32>, vector<16xi32>, vector<16xi32>], vector<16xf32>,
      %gather3A_1504 = tpu.vector_load_idx %arg14[%broadcast_in_dim3A, %add3A_1277, %broadcast_in_dim3A_1502] : memref<4x128x64xf32, #tpu.memory_space<vmem>>[vector<16xi32>, vector<16xi32>, vector<16xi32>], vector<16xf32>,
      %mul3A_1505 = arith.mulf %gather3A_1503, %gather3A_1504 : vector<16xf32>
      %add3A_1506 = arith.addf %add3A_1500, %mul3A_1505 : vector<16xf32>
      %broadcast_in_dim3A_1507 = arith.constant 38 : i32
      %broadcast_in_dim3A_1508 = vector.broadcast %broadcast_in_dim3A_1507 : i32 to vector<16xi32>
      %gather3A_1509 = tpu.vector_load_idx %arg13[%broadcast_in_dim3A, %add3A_1277, %broadcast_in_dim3A_1508] : memref<4x128x64xf32, #tpu.memory_space<vmem>>[vector<16xi32>, vector<16xi32>, vector<16xi32>], vector<16xf32>,
      %gather3A_1510 = tpu.vector_load_idx %arg14[%broadcast_in_dim3A, %add3A_1277, %broadcast_in_dim3A_1508] : memref<4x128x64xf32, #tpu.memory_space<vmem>>[vector<16xi32>, vector<16xi32>, vector<16xi32>], vector<16xf32>,
      %mul3A_1511 = arith.mulf %gather3A_1509, %gather3A_1510 : vector<16xf32>
      %add3A_1512 = arith.addf %add3A_1506, %mul3A_1511 : vector<16xf32>
      %broadcast_in_dim3A_1513 = arith.constant 39 : i32
      %broadcast_in_dim3A_1514 = vector.broadcast %broadcast_in_dim3A_1513 : i32 to vector<16xi32>
      %gather3A_1515 = tpu.vector_load_idx %arg13[%broadcast_in_dim3A, %add3A_1277, %broadcast_in_dim3A_1514] : memref<4x128x64xf32, #tpu.memory_space<vmem>>[vector<16xi32>, vector<16xi32>, vector<16xi32>], vector<16xf32>,
      %gather3A_1516 = tpu.vector_load_idx %arg14[%broadcast_in_dim3A, %add3A_1277, %broadcast_in_dim3A_1514] : memref<4x128x64xf32, #tpu.memory_space<vmem>>[vector<16xi32>, vector<16xi32>, vector<16xi32>], vector<16xf32>,
      %mul3A_1517 = arith.mulf %gather3A_1515, %gather3A_1516 : vector<16xf32>
      %add3A_1518 = arith.addf %add3A_1512, %mul3A_1517 : vector<16xf32>
      %broadcast_in_dim3A_1519 = arith.constant 40 : i32
      %broadcast_in_dim3A_1520 = vector.broadcast %broadcast_in_dim3A_1519 : i32 to vector<16xi32>
      %gather3A_1521 = tpu.vector_load_idx %arg13[%broadcast_in_dim3A, %add3A_1277, %broadcast_in_dim3A_1520] : memref<4x128x64xf32, #tpu.memory_space<vmem>>[vector<16xi32>, vector<16xi32>, vector<16xi32>], vector<16xf32>,
      %gather3A_1522 = tpu.vector_load_idx %arg14[%broadcast_in_dim3A, %add3A_1277, %broadcast_in_dim3A_1520] : memref<4x128x64xf32, #tpu.memory_space<vmem>>[vector<16xi32>, vector<16xi32>, vector<16xi32>], vector<16xf32>,
      %mul3A_1523 = arith.mulf %gather3A_1521, %gather3A_1522 : vector<16xf32>
      %add3A_1524 = arith.addf %add3A_1518, %mul3A_1523 : vector<16xf32>
      %broadcast_in_dim3A_1525 = arith.constant 41 : i32
      %broadcast_in_dim3A_1526 = vector.broadcast %broadcast_in_dim3A_1525 : i32 to vector<16xi32>
      %gather3A_1527 = tpu.vector_load_idx %arg13[%broadcast_in_dim3A, %add3A_1277, %broadcast_in_dim3A_1526] : memref<4x128x64xf32, #tpu.memory_space<vmem>>[vector<16xi32>, vector<16xi32>, vector<16xi32>], vector<16xf32>,
      %gather3A_1528 = tpu.vector_load_idx %arg14[%broadcast_in_dim3A, %add3A_1277, %broadcast_in_dim3A_1526] : memref<4x128x64xf32, #tpu.memory_space<vmem>>[vector<16xi32>, vector<16xi32>, vector<16xi32>], vector<16xf32>,
      %mul3A_1529 = arith.mulf %gather3A_1527, %gather3A_1528 : vector<16xf32>
      %add3A_1530 = arith.addf %add3A_1524, %mul3A_1529 : vector<16xf32>
      %broadcast_in_dim3A_1531 = arith.constant 42 : i32
      %broadcast_in_dim3A_1532 = vector.broadcast %broadcast_in_dim3A_1531 : i32 to vector<16xi32>
      %gather3A_1533 = tpu.vector_load_idx %arg13[%broadcast_in_dim3A, %add3A_1277, %broadcast_in_dim3A_1532] : memref<4x128x64xf32, #tpu.memory_space<vmem>>[vector<16xi32>, vector<16xi32>, vector<16xi32>], vector<16xf32>,
      %gather3A_1534 = tpu.vector_load_idx %arg14[%broadcast_in_dim3A, %add3A_1277, %broadcast_in_dim3A_1532] : memref<4x128x64xf32, #tpu.memory_space<vmem>>[vector<16xi32>, vector<16xi32>, vector<16xi32>], vector<16xf32>,
      %mul3A_1535 = arith.mulf %gather3A_1533, %gather3A_1534 : vector<16xf32>
      %add3A_1536 = arith.addf %add3A_1530, %mul3A_1535 : vector<16xf32>
      %broadcast_in_dim3A_1537 = arith.constant 43 : i32
      %broadcast_in_dim3A_1538 = vector.broadcast %broadcast_in_dim3A_1537 : i32 to vector<16xi32>
      %gather3A_1539 = tpu.vector_load_idx %arg13[%broadcast_in_dim3A, %add3A_1277, %broadcast_in_dim3A_1538] : memref<4x128x64xf32, #tpu.memory_space<vmem>>[vector<16xi32>, vector<16xi32>, vector<16xi32>], vector<16xf32>,
      %gather3A_1540 = tpu.vector_load_idx %arg14[%broadcast_in_dim3A, %add3A_1277, %broadcast_in_dim3A_1538] : memref<4x128x64xf32, #tpu.memory_space<vmem>>[vector<16xi32>, vector<16xi32>, vector<16xi32>], vector<16xf32>,
      %mul3A_1541 = arith.mulf %gather3A_1539, %gather3A_1540 : vector<16xf32>
      %add3A_1542 = arith.addf %add3A_1536, %mul3A_1541 : vector<16xf32>
      %broadcast_in_dim3A_1543 = arith.constant 44 : i32
      %broadcast_in_dim3A_1544 = vector.broadcast %broadcast_in_dim3A_1543 : i32 to vector<16xi32>
      %gather3A_1545 = tpu.vector_load_idx %arg13[%broadcast_in_dim3A, %add3A_1277, %broadcast_in_dim3A_1544] : memref<4x128x64xf32, #tpu.memory_space<vmem>>[vector<16xi32>, vector<16xi32>, vector<16xi32>], vector<16xf32>,
      %gather3A_1546 = tpu.vector_load_idx %arg14[%broadcast_in_dim3A, %add3A_1277, %broadcast_in_dim3A_1544] : memref<4x128x64xf32, #tpu.memory_space<vmem>>[vector<16xi32>, vector<16xi32>, vector<16xi32>], vector<16xf32>,
      %mul3A_1547 = arith.mulf %gather3A_1545, %gather3A_1546 : vector<16xf32>
      %add3A_1548 = arith.addf %add3A_1542, %mul3A_1547 : vector<16xf32>
      %broadcast_in_dim3A_1549 = arith.constant 45 : i32
      %broadcast_in_dim3A_1550 = vector.broadcast %broadcast_in_dim3A_1549 : i32 to vector<16xi32>
      %gather3A_1551 = tpu.vector_load_idx %arg13[%broadcast_in_dim3A, %add3A_1277, %broadcast_in_dim3A_1550] : memref<4x128x64xf32, #tpu.memory_space<vmem>>[vector<16xi32>, vector<16xi32>, vector<16xi32>], vector<16xf32>,
      %gather3A_1552 = tpu.vector_load_idx %arg14[%broadcast_in_dim3A, %add3A_1277, %broadcast_in_dim3A_1550] : memref<4x128x64xf32, #tpu.memory_space<vmem>>[vector<16xi32>, vector<16xi32>, vector<16xi32>], vector<16xf32>,
      %mul3A_1553 = arith.mulf %gather3A_1551, %gather3A_1552 : vector<16xf32>
      %add3A_1554 = arith.addf %add3A_1548, %mul3A_1553 : vector<16xf32>
      %broadcast_in_dim3A_1555 = arith.constant 46 : i32
      %broadcast_in_dim3A_1556 = vector.broadcast %broadcast_in_dim3A_1555 : i32 to vector<16xi32>
      %gather3A_1557 = tpu.vector_load_idx %arg13[%broadcast_in_dim3A, %add3A_1277, %broadcast_in_dim3A_1556] : memref<4x128x64xf32, #tpu.memory_space<vmem>>[vector<16xi32>, vector<16xi32>, vector<16xi32>], vector<16xf32>,
      %gather3A_1558 = tpu.vector_load_idx %arg14[%broadcast_in_dim3A, %add3A_1277, %broadcast_in_dim3A_1556] : memref<4x128x64xf32, #tpu.memory_space<vmem>>[vector<16xi32>, vector<16xi32>, vector<16xi32>], vector<16xf32>,
      %mul3A_1559 = arith.mulf %gather3A_1557, %gather3A_1558 : vector<16xf32>
      %add3A_1560 = arith.addf %add3A_1554, %mul3A_1559 : vector<16xf32>
      %broadcast_in_dim3A_1561 = arith.constant 47 : i32
      %broadcast_in_dim3A_1562 = vector.broadcast %broadcast_in_dim3A_1561 : i32 to vector<16xi32>
      %gather3A_1563 = tpu.vector_load_idx %arg13[%broadcast_in_dim3A, %add3A_1277, %broadcast_in_dim3A_1562] : memref<4x128x64xf32, #tpu.memory_space<vmem>>[vector<16xi32>, vector<16xi32>, vector<16xi32>], vector<16xf32>,
      %gather3A_1564 = tpu.vector_load_idx %arg14[%broadcast_in_dim3A, %add3A_1277, %broadcast_in_dim3A_1562] : memref<4x128x64xf32, #tpu.memory_space<vmem>>[vector<16xi32>, vector<16xi32>, vector<16xi32>], vector<16xf32>,
      %mul3A_1565 = arith.mulf %gather3A_1563, %gather3A_1564 : vector<16xf32>
      %add3A_1566 = arith.addf %add3A_1560, %mul3A_1565 : vector<16xf32>
      %broadcast_in_dim3A_1567 = arith.constant 48 : i32
      %broadcast_in_dim3A_1568 = vector.broadcast %broadcast_in_dim3A_1567 : i32 to vector<16xi32>
      %gather3A_1569 = tpu.vector_load_idx %arg13[%broadcast_in_dim3A, %add3A_1277, %broadcast_in_dim3A_1568] : memref<4x128x64xf32, #tpu.memory_space<vmem>>[vector<16xi32>, vector<16xi32>, vector<16xi32>], vector<16xf32>,
      %gather3A_1570 = tpu.vector_load_idx %arg14[%broadcast_in_dim3A, %add3A_1277, %broadcast_in_dim3A_1568] : memref<4x128x64xf32, #tpu.memory_space<vmem>>[vector<16xi32>, vector<16xi32>, vector<16xi32>], vector<16xf32>,
      %mul3A_1571 = arith.mulf %gather3A_1569, %gather3A_1570 : vector<16xf32>
      %add3A_1572 = arith.addf %add3A_1566, %mul3A_1571 : vector<16xf32>
      %broadcast_in_dim3A_1573 = arith.constant 49 : i32
      %broadcast_in_dim3A_1574 = vector.broadcast %broadcast_in_dim3A_1573 : i32 to vector<16xi32>
      %gather3A_1575 = tpu.vector_load_idx %arg13[%broadcast_in_dim3A, %add3A_1277, %broadcast_in_dim3A_1574] : memref<4x128x64xf32, #tpu.memory_space<vmem>>[vector<16xi32>, vector<16xi32>, vector<16xi32>], vector<16xf32>,
      %gather3A_1576 = tpu.vector_load_idx %arg14[%broadcast_in_dim3A, %add3A_1277, %broadcast_in_dim3A_1574] : memref<4x128x64xf32, #tpu.memory_space<vmem>>[vector<16xi32>, vector<16xi32>, vector<16xi32>], vector<16xf32>,
      %mul3A_1577 = arith.mulf %gather3A_1575, %gather3A_1576 : vector<16xf32>
      %add3A_1578 = arith.addf %add3A_1572, %mul3A_1577 : vector<16xf32>
      %broadcast_in_dim3A_1579 = arith.constant 50 : i32
      %broadcast_in_dim3A_1580 = vector.broadcast %broadcast_in_dim3A_1579 : i32 to vector<16xi32>
      %gather3A_1581 = tpu.vector_load_idx %arg13[%broadcast_in_dim3A, %add3A_1277, %broadcast_in_dim3A_1580] : memref<4x128x64xf32, #tpu.memory_space<vmem>>[vector<16xi32>, vector<16xi32>, vector<16xi32>], vector<16xf32>,
      %gather3A_1582 = tpu.vector_load_idx %arg14[%broadcast_in_dim3A, %add3A_1277, %broadcast_in_dim3A_1580] : memref<4x128x64xf32, #tpu.memory_space<vmem>>[vector<16xi32>, vector<16xi32>, vector<16xi32>], vector<16xf32>,
      %mul3A_1583 = arith.mulf %gather3A_1581, %gather3A_1582 : vector<16xf32>
      %add3A_1584 = arith.addf %add3A_1578, %mul3A_1583 : vector<16xf32>
      %broadcast_in_dim3A_1585 = arith.constant 51 : i32
      %broadcast_in_dim3A_1586 = vector.broadcast %broadcast_in_dim3A_1585 : i32 to vector<16xi32>
      %gather3A_1587 = tpu.vector_load_idx %arg13[%broadcast_in_dim3A, %add3A_1277, %broadcast_in_dim3A_1586] : memref<4x128x64xf32, #tpu.memory_space<vmem>>[vector<16xi32>, vector<16xi32>, vector<16xi32>], vector<16xf32>,
      %gather3A_1588 = tpu.vector_load_idx %arg14[%broadcast_in_dim3A, %add3A_1277, %broadcast_in_dim3A_1586] : memref<4x128x64xf32, #tpu.memory_space<vmem>>[vector<16xi32>, vector<16xi32>, vector<16xi32>], vector<16xf32>,
      %mul3A_1589 = arith.mulf %gather3A_1587, %gather3A_1588 : vector<16xf32>
      %add3A_1590 = arith.addf %add3A_1584, %mul3A_1589 : vector<16xf32>
      %broadcast_in_dim3A_1591 = arith.constant 52 : i32
      %broadcast_in_dim3A_1592 = vector.broadcast %broadcast_in_dim3A_1591 : i32 to vector<16xi32>
      %gather3A_1593 = tpu.vector_load_idx %arg13[%broadcast_in_dim3A, %add3A_1277, %broadcast_in_dim3A_1592] : memref<4x128x64xf32, #tpu.memory_space<vmem>>[vector<16xi32>, vector<16xi32>, vector<16xi32>], vector<16xf32>,
      %gather3A_1594 = tpu.vector_load_idx %arg14[%broadcast_in_dim3A, %add3A_1277, %broadcast_in_dim3A_1592] : memref<4x128x64xf32, #tpu.memory_space<vmem>>[vector<16xi32>, vector<16xi32>, vector<16xi32>], vector<16xf32>,
      %mul3A_1595 = arith.mulf %gather3A_1593, %gather3A_1594 : vector<16xf32>
      %add3A_1596 = arith.addf %add3A_1590, %mul3A_1595 : vector<16xf32>
      %broadcast_in_dim3A_1597 = arith.constant 53 : i32
      %broadcast_in_dim3A_1598 = vector.broadcast %broadcast_in_dim3A_1597 : i32 to vector<16xi32>
      %gather3A_1599 = tpu.vector_load_idx %arg13[%broadcast_in_dim3A, %add3A_1277, %broadcast_in_dim3A_1598] : memref<4x128x64xf32, #tpu.memory_space<vmem>>[vector<16xi32>, vector<16xi32>, vector<16xi32>], vector<16xf32>,
      %gather3A_1600 = tpu.vector_load_idx %arg14[%broadcast_in_dim3A, %add3A_1277, %broadcast_in_dim3A_1598] : memref<4x128x64xf32, #tpu.memory_space<vmem>>[vector<16xi32>, vector<16xi32>, vector<16xi32>], vector<16xf32>,
      %mul3A_1601 = arith.mulf %gather3A_1599, %gather3A_1600 : vector<16xf32>
      %add3A_1602 = arith.addf %add3A_1596, %mul3A_1601 : vector<16xf32>
      %broadcast_in_dim3A_1603 = arith.constant 54 : i32
      %broadcast_in_dim3A_1604 = vector.broadcast %broadcast_in_dim3A_1603 : i32 to vector<16xi32>
      %gather3A_1605 = tpu.vector_load_idx %arg13[%broadcast_in_dim3A, %add3A_1277, %broadcast_in_dim3A_1604] : memref<4x128x64xf32, #tpu.memory_space<vmem>>[vector<16xi32>, vector<16xi32>, vector<16xi32>], vector<16xf32>,
      %gather3A_1606 = tpu.vector_load_idx %arg14[%broadcast_in_dim3A, %add3A_1277, %broadcast_in_dim3A_1604] : memref<4x128x64xf32, #tpu.memory_space<vmem>>[vector<16xi32>, vector<16xi32>, vector<16xi32>], vector<16xf32>,
      %mul3A_1607 = arith.mulf %gather3A_1605, %gather3A_1606 : vector<16xf32>
      %add3A_1608 = arith.addf %add3A_1602, %mul3A_1607 : vector<16xf32>
      %broadcast_in_dim3A_1609 = arith.constant 55 : i32
      %broadcast_in_dim3A_1610 = vector.broadcast %broadcast_in_dim3A_1609 : i32 to vector<16xi32>
      %gather3A_1611 = tpu.vector_load_idx %arg13[%broadcast_in_dim3A, %add3A_1277, %broadcast_in_dim3A_1610] : memref<4x128x64xf32, #tpu.memory_space<vmem>>[vector<16xi32>, vector<16xi32>, vector<16xi32>], vector<16xf32>,
      %gather3A_1612 = tpu.vector_load_idx %arg14[%broadcast_in_dim3A, %add3A_1277, %broadcast_in_dim3A_1610] : memref<4x128x64xf32, #tpu.memory_space<vmem>>[vector<16xi32>, vector<16xi32>, vector<16xi32>], vector<16xf32>,
      %mul3A_1613 = arith.mulf %gather3A_1611, %gather3A_1612 : vector<16xf32>
      %add3A_1614 = arith.addf %add3A_1608, %mul3A_1613 : vector<16xf32>
      %broadcast_in_dim3A_1615 = arith.constant 56 : i32
      %broadcast_in_dim3A_1616 = vector.broadcast %broadcast_in_dim3A_1615 : i32 to vector<16xi32>
      %gather3A_1617 = tpu.vector_load_idx %arg13[%broadcast_in_dim3A, %add3A_1277, %broadcast_in_dim3A_1616] : memref<4x128x64xf32, #tpu.memory_space<vmem>>[vector<16xi32>, vector<16xi32>, vector<16xi32>], vector<16xf32>,
      %gather3A_1618 = tpu.vector_load_idx %arg14[%broadcast_in_dim3A, %add3A_1277, %broadcast_in_dim3A_1616] : memref<4x128x64xf32, #tpu.memory_space<vmem>>[vector<16xi32>, vector<16xi32>, vector<16xi32>], vector<16xf32>,
      %mul3A_1619 = arith.mulf %gather3A_1617, %gather3A_1618 : vector<16xf32>
      %add3A_1620 = arith.addf %add3A_1614, %mul3A_1619 : vector<16xf32>
      %broadcast_in_dim3A_1621 = arith.constant 57 : i32
      %broadcast_in_dim3A_1622 = vector.broadcast %broadcast_in_dim3A_1621 : i32 to vector<16xi32>
      %gather3A_1623 = tpu.vector_load_idx %arg13[%broadcast_in_dim3A, %add3A_1277, %broadcast_in_dim3A_1622] : memref<4x128x64xf32, #tpu.memory_space<vmem>>[vector<16xi32>, vector<16xi32>, vector<16xi32>], vector<16xf32>,
      %gather3A_1624 = tpu.vector_load_idx %arg14[%broadcast_in_dim3A, %add3A_1277, %broadcast_in_dim3A_1622] : memref<4x128x64xf32, #tpu.memory_space<vmem>>[vector<16xi32>, vector<16xi32>, vector<16xi32>], vector<16xf32>,
      %mul3A_1625 = arith.mulf %gather3A_1623, %gather3A_1624 : vector<16xf32>
      %add3A_1626 = arith.addf %add3A_1620, %mul3A_1625 : vector<16xf32>
      %broadcast_in_dim3A_1627 = arith.constant 58 : i32
      %broadcast_in_dim3A_1628 = vector.broadcast %broadcast_in_dim3A_1627 : i32 to vector<16xi32>
      %gather3A_1629 = tpu.vector_load_idx %arg13[%broadcast_in_dim3A, %add3A_1277, %broadcast_in_dim3A_1628] : memref<4x128x64xf32, #tpu.memory_space<vmem>>[vector<16xi32>, vector<16xi32>, vector<16xi32>], vector<16xf32>,
      %gather3A_1630 = tpu.vector_load_idx %arg14[%broadcast_in_dim3A, %add3A_1277, %broadcast_in_dim3A_1628] : memref<4x128x64xf32, #tpu.memory_space<vmem>>[vector<16xi32>, vector<16xi32>, vector<16xi32>], vector<16xf32>,
      %mul3A_1631 = arith.mulf %gather3A_1629, %gather3A_1630 : vector<16xf32>
      %add3A_1632 = arith.addf %add3A_1626, %mul3A_1631 : vector<16xf32>
      %broadcast_in_dim3A_1633 = arith.constant 59 : i32
      %broadcast_in_dim3A_1634 = vector.broadcast %broadcast_in_dim3A_1633 : i32 to vector<16xi32>
      %gather3A_1635 = tpu.vector_load_idx %arg13[%broadcast_in_dim3A, %add3A_1277, %broadcast_in_dim3A_1634] : memref<4x128x64xf32, #tpu.memory_space<vmem>>[vector<16xi32>, vector<16xi32>, vector<16xi32>], vector<16xf32>,
      %gather3A_1636 = tpu.vector_load_idx %arg14[%broadcast_in_dim3A, %add3A_1277, %broadcast_in_dim3A_1634] : memref<4x128x64xf32, #tpu.memory_space<vmem>>[vector<16xi32>, vector<16xi32>, vector<16xi32>], vector<16xf32>,
      %mul3A_1637 = arith.mulf %gather3A_1635, %gather3A_1636 : vector<16xf32>
      %add3A_1638 = arith.addf %add3A_1632, %mul3A_1637 : vector<16xf32>
      %broadcast_in_dim3A_1639 = arith.constant 60 : i32
      %broadcast_in_dim3A_1640 = vector.broadcast %broadcast_in_dim3A_1639 : i32 to vector<16xi32>
      %gather3A_1641 = tpu.vector_load_idx %arg13[%broadcast_in_dim3A, %add3A_1277, %broadcast_in_dim3A_1640] : memref<4x128x64xf32, #tpu.memory_space<vmem>>[vector<16xi32>, vector<16xi32>, vector<16xi32>], vector<16xf32>,
      %gather3A_1642 = tpu.vector_load_idx %arg14[%broadcast_in_dim3A, %add3A_1277, %broadcast_in_dim3A_1640] : memref<4x128x64xf32, #tpu.memory_space<vmem>>[vector<16xi32>, vector<16xi32>, vector<16xi32>], vector<16xf32>,
      %mul3A_1643 = arith.mulf %gather3A_1641, %gather3A_1642 : vector<16xf32>
      %add3A_1644 = arith.addf %add3A_1638, %mul3A_1643 : vector<16xf32>
      %broadcast_in_dim3A_1645 = arith.constant 61 : i32
      %broadcast_in_dim3A_1646 = vector.broadcast %broadcast_in_dim3A_1645 : i32 to vector<16xi32>
      %gather3A_1647 = tpu.vector_load_idx %arg13[%broadcast_in_dim3A, %add3A_1277, %broadcast_in_dim3A_1646] : memref<4x128x64xf32, #tpu.memory_space<vmem>>[vector<16xi32>, vector<16xi32>, vector<16xi32>], vector<16xf32>,
      %gather3A_1648 = tpu.vector_load_idx %arg14[%broadcast_in_dim3A, %add3A_1277, %broadcast_in_dim3A_1646] : memref<4x128x64xf32, #tpu.memory_space<vmem>>[vector<16xi32>, vector<16xi32>, vector<16xi32>], vector<16xf32>,
      %mul3A_1649 = arith.mulf %gather3A_1647, %gather3A_1648 : vector<16xf32>
      %add3A_1650 = arith.addf %add3A_1644, %mul3A_1649 : vector<16xf32>
      %broadcast_in_dim3A_1651 = arith.constant 62 : i32
      %broadcast_in_dim3A_1652 = vector.broadcast %broadcast_in_dim3A_1651 : i32 to vector<16xi32>
      %gather3A_1653 = tpu.vector_load_idx %arg13[%broadcast_in_dim3A, %add3A_1277, %broadcast_in_dim3A_1652] : memref<4x128x64xf32, #tpu.memory_space<vmem>>[vector<16xi32>, vector<16xi32>, vector<16xi32>], vector<16xf32>,
      %gather3A_1654 = tpu.vector_load_idx %arg14[%broadcast_in_dim3A, %add3A_1277, %broadcast_in_dim3A_1652] : memref<4x128x64xf32, #tpu.memory_space<vmem>>[vector<16xi32>, vector<16xi32>, vector<16xi32>], vector<16xf32>,
      %mul3A_1655 = arith.mulf %gather3A_1653, %gather3A_1654 : vector<16xf32>
      %add3A_1656 = arith.addf %add3A_1650, %mul3A_1655 : vector<16xf32>
      %broadcast_in_dim3A_1657 = arith.constant 63 : i32
      %broadcast_in_dim3A_1658 = vector.broadcast %broadcast_in_dim3A_1657 : i32 to vector<16xi32>
      %gather3A_1659 = tpu.vector_load_idx %arg13[%broadcast_in_dim3A, %add3A_1277, %broadcast_in_dim3A_1658] : memref<4x128x64xf32, #tpu.memory_space<vmem>>[vector<16xi32>, vector<16xi32>, vector<16xi32>], vector<16xf32>,
      %gather3A_1660 = tpu.vector_load_idx %arg14[%broadcast_in_dim3A, %add3A_1277, %broadcast_in_dim3A_1658] : memref<4x128x64xf32, #tpu.memory_space<vmem>>[vector<16xi32>, vector<16xi32>, vector<16xi32>], vector<16xf32>,
      %mul3A_1661 = arith.mulf %gather3A_1659, %gather3A_1660 : vector<16xf32>
      %add3A_1662 = arith.addf %add3A_1656, %mul3A_1661 : vector<16xf32>
      %gather3A_1663 = tpu.vector_load_idx %arg9[%broadcast_in_dim3A, %add3A_1277] : memref<4x128xi32, #tpu.memory_space<vmem>>[vector<16xi32>, vector<16xi32>], vector<16xi32>,
      %gather3A_1664 = tpu.vector_load_idx %arg10[%broadcast_in_dim3A, %add3A_1277] : memref<4x128xi32, #tpu.memory_space<vmem>>[vector<16xi32>, vector<16xi32>], vector<16xi32>,
      %and3A_1665 = arith.constant 15 : i32
      %and3A_1666 = vector.broadcast %and3A_1665 : i32 to vector<16xi32>
      %and3A_1667 = arith.andi %gather3A_1663, %and3A_1666 : vector<16xi32>
      %gather3A_1668 = tpu.vector_load_idx %arg15[%broadcast_in_dim3A, %add3A_1277, %and3A_1667] : memref<4x128x16xf32, #tpu.memory_space<vmem>>[vector<16xi32>, vector<16xi32>, vector<16xi32>], vector<16xf32>,
      %and3A_1669 = arith.constant 15 : i32
      %and3A_1670 = vector.broadcast %and3A_1669 : i32 to vector<16xi32>
      %and3A_1671 = arith.andi %gather3A_1664, %and3A_1670 : vector<16xi32>
      %gather3A_1672 = tpu.vector_load_idx %arg16[%broadcast_in_dim3A, %add3A_1277, %and3A_1671] : memref<4x128x16xf32, #tpu.memory_space<vmem>>[vector<16xi32>, vector<16xi32>, vector<16xi32>], vector<16xf32>,
      %add3A_1673 = arith.addf %add3A_1662, %gather3A_1668 : vector<16xf32>
      %add3A_1674 = arith.addf %add3A_1673, %gather3A_1672 : vector<16xf32>
      %neg3A = arith.constant 0.000000e+00 : f32
      %neg3A_1675 = vector.broadcast %neg3A : f32 to vector<16xf32>
      %neg3A_1676 = arith.subf %neg3A_1675, %add3A_1674 : vector<16xf32>
      %exp3A = math.exp %neg3A_1676 : vector<16xf32>
      %add3A_1677 = arith.constant 1.000000e+00 : f32
      %add3A_1678 = vector.broadcast %add3A_1677 : f32 to vector<16xf32>
      %add3A_1679 = arith.addf %add3A_1678, %exp3A : vector<16xf32>
      %div3A_1680 = arith.constant 1.000000e+00 : f32
      %div3A_1681 = vector.broadcast %div3A_1680 : f32 to vector<16xf32>
      %div3A_1682 = arith.divf %div3A_1681, %add3A_1679 : vector<16xf32>
      %mul3A_1683 = arith.constant 16 : i32
      %mul3A_1684 = arith.muli %scan3A_1243, %mul3A_1683 : i32
      %add3A_1685 = vector.broadcast %mul3A_1684 : i32 to vector<16xi32>
      %add3A_1686 = arith.addi %add3A_1685, %iota3A : vector<16xi32>
      tpu.vector_store_idx %arg17[%add3A_1686], %div3A_1682 : memref<512xf32, #tpu.memory_space<vmem>>[vector<16xi32>], vector<16xf32>,
    }
    %scan3A_1242 = arith.constant 32 : i32
    "tpu.region"() ({
      %run_scoped3A = tpu.sem_alloc : memref<!tpu.dma_semaphore, #tpu.memory_space<semaphore_mem>>
      %dma_start3A_1243 = tpu.memref_slice %arg8[%mul3A_2] : memref<16384xf32, #tpu.memory_space<hbm>> -> memref<512xf32, #tpu.memory_space<hbm>>
      %dma_start3A_1244 = tpu.memref_slice %arg8[%mul3A_2] : memref<16384xf32, #tpu.memory_space<hbm>> -> memref<512xf32, #tpu.memory_space<hbm>>
      tpu.enqueue_dma source(%arg17 : memref<512xf32, #tpu.memory_space<vmem>>) target(%dma_start3A_1244 : memref<512xf32, #tpu.memory_space<hbm>>) target_semaphore(%run_scoped3A : memref<!tpu.dma_semaphore, #tpu.memory_space<semaphore_mem>>)
      %dma_wait3A_1245 = tpu.memref_slice %arg8[%mul3A_2] : memref<16384xf32, #tpu.memory_space<hbm>> -> memref<512xf32, #tpu.memory_space<hbm>>
      %dma_wait3A_1246 = tpu.memref_slice %arg8[%mul3A_2] : memref<16384xf32, #tpu.memory_space<hbm>> -> memref<512xf32, #tpu.memory_space<hbm>>
      tpu.wait_dma2 semaphore(%run_scoped3A : memref<!tpu.dma_semaphore, #tpu.memory_space<semaphore_mem>>) src(%arg17 : memref<512xf32, #tpu.memory_space<vmem>>) dst(%dma_wait3A_1246 : memref<512xf32, #tpu.memory_space<hbm>>)
      tpu.yield
    }) : () -> ()
    return
  }
}

</mosaic_0001>

<sc_bundles>
// kernel: kernel.3.cloned.1.call-start
scs
__scs_entry_jumppad:
0x0: {  	(pc) =	sbr.rel $0x88, $3  }
0x1: {  	(tag) =	ssettag $0x0;
	lr =	simm.s32 $0x1  }
0x2: {  	[smem:$0x3F9B] =	sst lr;
	_ =	strace $0xD0000000  }
0x3: {  	_ = 	snop  }
0x4: {  	_ = 	snop  }
0x5: {  	_ = 	snop  }
0x6: {  	_ = 	snop  }
0x7: {  	_ = 	snop  }
__scs_overlays_trampoline_lowered:
0x8: {  	[smem:$0x3FAA] =	sst s0  }
0x9: {  	[smem:$0x3FAB] =	sst s1  }
0xa: {  	[smem:$0x3FAC] =	sst s2  }
0xb: {  	[smem:$0x3FAD] =	sst s3  }
0xc: {  	[smem:$0x3FAE] =	sst s4  }
0xd: {  	[smem:$0x3FAF] =	sst s5  }
0xe: {  	[smem:$0x3FB0] =	sst s6  }
0xf: {  	[smem:$0x3FB1] =	sst s7  }
0x10: {  	[smem:$0x3FB2] =	sst s8  }
0x11: {  	[smem:$0x3FB3] =	sst s9;
	s0 =	simm.s32 @!p0 $0x0  }
0x12: {  	s1 =	sld [smem:$0x3F99];
	s0 =	simm.s32 @p0 $0x1  }
0x13: {  	[smem:$0x3FB4] =	sst s0;
	s0 =	simm.s32 @!p1 $0x0  }
0x14: {  	s2 =	sld [smem:$0x3F98];
	s0 =	simm.s32 @p1 $0x1  }
0x15: {  	[smem:$0x3FB5] =	sst s0;
	s0 =	simm.s32 @!p2 $0x0  }
0x16: {  	s3 =	sld [smem:$0x3FDB];
	s0 =	simm.s32 @p2 $0x1  }
0x17: {  	s4 =	simm.s32 $0x1BF5;
	[smem:$0x3FB7] =	sst s0  }
0x18: {  	s0 =	sld [smem:$0x3F9A];
	_ =	swait.ge [sflag:s4], $0x0  }
0x19: {  	s7 =	sld [smem:$0x3F9B]  }
0x1a: {  	s8 =	sadd.s32 $0xFFFFE003, lr  }
0x1b: {  	s9 =	sadd.s32 $0xFFFFFEF7, lr;
	s5 =	simm.s32 $0xFFFFFFFF;
	p2 =	slt.u32 s8, $0xFFFFF086  }
0x1c: {  	p1 =	slt.u32 s9, $0xF7A;
	s5 =	simm.s32 @!p2 $0x0  }
0x1d: {  	s5 =	simm.s32 @p1 $0x1;
	p0 =	seq.s32 s7, s2  }
0x1e: {  	s7 =	smul.u32 @!p0 $0xF7A, s2;
	p2 =	seq.s32 @!p0 s5, $0x0  }
0x1f: {  	s9 =	smul.u32 $0xF7A, s1;
	s8 =	simm.s32 @!p0 $0x1BF5;
	p2 =	por !p2, p0  }
0x20: {  	[sflag:s8] =	ssyncset.s32 @!p0 $0xFFFFF086;
	s6 =	sadd.s32 @!p0 s3, s7;
	s7 =	simm.s32 @!p0 $0x108  }
0x21: {  	s3 =	sadd.s32 s3, s9;
	s6 =	sadd.s32 @!p0 $0x88, s6;
	s7 =	simm.s32 @p2 $0x1082  }
0x22: {  	[simem:s7], [sflag:s8] =	dma.local @!p0 [hbm:s6], $0xF7A  }
0x23: {  	s9 =	sor.u32 $0xD0000000, s2;
	s6 =	simm.s32 $0x108;
	_ =	swait.ge @!p0 [sflag:s8], $0x0  }
0x24: {  	s3 =	sadd.s32 $0x88, s3;
	s6 =	simm.s32 @!p1 $0x1082;
	[sflag:s4] =	ssyncset.s32 $0xFFFFF086  }
0x25: {  	[simem:s6], [sflag:s4] =	dma.local [hbm:s3], $0xF7A  }
0x26: {  	[smem:$0x3F9B] =	sst s1;
	(tag) =	ssettag s2;
	_ =	strace s9  }
0x27: {  	s1 =	sld [smem:$0x3FAB]  }
0x28: {  	s2 =	sld [smem:$0x3FAC]  }
0x29: {  	s4 =	sld [smem:$0x3FAE]  }
0x2a: {  	p0 =	seq.s32 s5, $0x0;
	s5 =	sld [smem:$0x3FAF]  }
0x2b: {  	s6 =	sld [smem:$0x3FB0]  }
0x2c: {  	s7 =	sld [smem:$0x3FB1]  }
0x2d: {  	s3 =	simm.s32 $0x108;
	s8 =	sld [smem:$0x3FB2]  }
0x2e: {  	s3 =	simm.s32 @!p0 $0x1082;
	s9 =	sld [smem:$0x3FB3]  }
0x2f: {  	lr =	sadd.s32 s0, s3;
	s0 =	sld [smem:$0x3FAA]  }
0x30: {  	s3 =	sld [smem:$0x3FAD]  }
0x31: {  	[smem:$0x3FB6] =	sst s10  }
0x32: {  	s10 =	sld [smem:$0x3FB4];
	_ =	sdelay $0x3  }
0x33: {  	p0 =	seq.s32 s10, $0x1;
	s10 =	sld [smem:$0x3FB6];
	_ =	sdelay $0x3  }
0x34: {  	[smem:$0x3FB6] =	sst s10  }
0x35: {  	s10 =	sld [smem:$0x3FB5];
	_ =	sdelay $0x3  }
0x36: {  	p1 =	seq.s32 s10, $0x1;
	s10 =	sld [smem:$0x3FB6];
	_ =	sdelay $0x3  }
0x37: {  	[smem:$0x3FB6] =	sst s10  }
0x38: {  	s10 =	sld [smem:$0x3FB7]  }
0x39: {  	_ = 	snop;
	(pc) =	sbr.ind lr, $3  }
0x3a: {  	_ = 	snop  }
0x3b: {  	_ = 	snop  }
0x3c: {  	p2 =	seq.s32 s10, $0x1;
	s10 =	sld [smem:$0x3FB6]  }
0x3d: {  	_ =	shalt  }
0x3e: {  	_ =	shalt  }
0x3f: {  	_ =	shalt  }
0x40: {  	_ =	shalt  }
0x41: {  	_ =	shalt  }
0x42: {  	_ =	shalt  }
0x43: {  	_ =	shalt  }
0x44: {  	_ =	shalt  }
0x45: {  	_ =	shalt  }
0x46: {  	_ =	shalt  }
0x47: {  	_ =	shalt  }
0x48: {  	_ =	shalt  }
0x49: {  	_ =	shalt  }
0x4a: {  	_ =	shalt  }
0x4b: {  	_ =	shalt  }
0x4c: {  	_ =	shalt  }
0x4d: {  	_ =	shalt  }
0x4e: {  	_ =	shalt  }
0x4f: {  	_ =	shalt  }
0x50: {  	_ =	shalt  }
0x51: {  	_ =	shalt  }
0x52: {  	_ =	shalt  }
0x53: {  	_ =	shalt  }
0x54: {  	_ =	shalt  }
0x55: {  	_ =	shalt  }
0x56: {  	_ =	shalt  }
0x57: {  	_ =	shalt  }
0x58: {  	_ =	shalt  }
0x59: {  	_ =	shalt  }
0x5a: {  	_ =	shalt  }
0x5b: {  	_ =	shalt  }
0x5c: {  	_ =	shalt  }
0x5d: {  	_ =	shalt  }
0x5e: {  	_ =	shalt  }
0x5f: {  	_ =	shalt  }
0x60: {  	_ =	shalt  }
0x61: {  	_ =	shalt  }
0x62: {  	_ =	shalt  }
0x63: {  	_ =	shalt  }
0x64: {  	_ =	shalt  }
0x65: {  	_ =	shalt  }
0x66: {  	_ =	shalt  }
0x67: {  	_ =	shalt  }
0x68: {  	_ =	shalt  }
0x69: {  	_ =	shalt  }
0x6a: {  	_ =	shalt  }
0x6b: {  	_ =	shalt  }
0x6c: {  	_ =	shalt  }
0x6d: {  	_ =	shalt  }
0x6e: {  	_ =	shalt  }
0x6f: {  	_ =	shalt  }
0x70: {  	_ =	shalt  }
0x71: {  	_ =	shalt  }
0x72: {  	_ =	shalt  }
0x73: {  	_ =	shalt  }
0x74: {  	_ =	shalt  }
0x75: {  	_ =	shalt  }
0x76: {  	_ =	shalt  }
0x77: {  	_ =	shalt  }
0x78: {  	_ =	shalt  }
0x79: {  	_ =	shalt  }
0x7a: {  	_ =	shalt  }
0x7b: {  	_ =	shalt  }
0x7c: {  	_ =	shalt  }
0x7d: {  	_ =	shalt  }
0x7e: {  	_ =	shalt  }
0x7f: {  	_ =	shalt  }
0x80: {  	_ =	shalt  }
0x81: {  	_ =	shalt  }
0x82: {  	_ =	shalt  }
0x83: {  	_ =	shalt  }
0x84: {  	_ =	shalt  }
0x85: {  	_ =	shalt  }
0x86: {  	_ =	shalt  }
0x87: {  	_ =	shalt  }
.Lfunc_end0:
.L_simem_size_0:
called_computation_lowered:
.L_overlay_start_0:
0x88: {  	s2 =	sld [smem:$0x3FD9]  }
0x89: {  	s3 =	sld [smem:$0x3FFE];
	_ =	sdelay $0x1  }
0x8a: {  	s1 =	srdreg.scid  }
0x8b: {  	s0 =	sand.u32 $0x1, s1  }
0x8c: {  	s17 =	sshll.u32 s0, $0xA;
	s2 =	sadd.s32 s3, s2  }
0x8d: {  	s2 =	sadd.s32 s2, s17  }
0x8e: {  	[smem:$0x3FC2] =	sst s2  }
0x8f: {  	_ = 	snop  }
0x90: {  	s2 =	sld [smem:$0x3FC9]  }
0x91: {  	s18 =	sld [smem:$0x3FC8]  }
0x92: {  	s4 =	sld [smem:$0x3FD0];
	(tm) =	ssettm $0x1  }
0x93: {  	s5 =	sld [smem:$0x3FFB];
	_ =	sdelay $0x3  }
0x94: {  	_ =	strace s5  }
0x95: {  	s5 =	sld [smem:$0x3FFC];
	_ =	sdelay $0x3  }
0x96: {  	_ =	strace s5  }
0x97: {  	s5 =	sld [smem:$0x3FFD];
	_ =	sdelay $0x3  }
0x98: {  	_ =	strace s5  }
0x99: {  	_ =	strace $0x8FFFFFFF  }
0x9a: {  	s19 =	sld [smem:$0x3FDB];
	_ =	sdelay $0x1  }
0x9b: {  	s6 =	simm.s32 $_scs_section_size  }
0x9c: {  	s7 =	simm.s32 $_size__tile_overlayer_lowered;
	s8 =	simm.s32 $_tile_overlayer_lowered  }
0x9d: {  	s22 =	simm.s32 $0x1BFF;
	s21 =	sshll.u32 s8, $0x1;
	s5 =	sadd.s32 s6, s19  }
0x9e: {  	s9 =	simm.s32 $0x0;
	s20 =	sshll.u32 s7, $0x1;
	s7 =	sadd.s32 s21, s5  }
0x9f: {  	[timem:s9], [sflag:s22] =	dma.local [hbm:s7], s20  }
0xa0: {  	_ =	swait.ge [sflag:s22], s20  }
0xa1: {  	s6 =	ssub.s32 $0x0, s20;
	[sflag:s22] =	ssyncset.done $0x0  }
0xa2: {  	[sflag:s22] =	ssyncadd.s32 s6;
	_ =	sdelay $0x1  }
0xa3: {  	s23 =	simm.s32 $0x1B8B  }
0xa4: {  	_ =	swait.ge [sflag:s23], $0x1  }
0xa5: {  	[sflag:s23] =	ssyncset.done $0x0  }
0xa6: {  	s25 =	simm.s32 $0x1B8E;
	s24 =	sld [smem:$0x3FFE];
	[sflag:s23] =	ssyncadd.s32 $0xFFFFFFFF  }
0xa7: {  	s26 =	simm.s32 $execute0_lowered;
	[smem:$0x3FD2] =	sst s25  }
0xa8: {  	s7 =	sshll.u32 s26, $0x1;
	_ =	strace $0x80000046;
	[dreg:$0x1] =	wrdreg $0xFFFFFFFF  }
0xa9: {  	s28 =	simm.s32 $_size_execute0_lowered;
	s5 =	sadd.s32 s5, s7;
	[dreg:$0x0] =	wrdreg $0x0  }
0xaa: {  	s7 =	sshll.u32 s28, $0x1;
	[dreg:$0x2] =	wrdreg s5  }
0xab: {  	[dreg:$0x3] =	wrdreg s7  }
0xac: {  	[dreg:$0x4] =	wrdreg $0xC0  }
0xad: {  	_ =	task [dreg:s9], $0x5FFFF  }
0xae: {  	[dreg:$0x1] =	wrdreg $0xFFFFFFFF  }
0xaf: {  	[dreg:$0x0] =	wrdreg $0x60  }
0xb0: {  	[dreg:$0x2] =	wrdreg s2  }
0xb1: {  	[dreg:$0x3] =	wrdreg s18  }
0xb2: {  	[dreg:$0x4] =	wrdreg s24  }
0xb3: {  	[dreg:$0x5] =	wrdreg s4  }
0xb4: {  	[dreg:$0x6] =	wrdreg $0x9  }
0xb5: {  	_ =	task.clear_ibuf [dreg:s9], $0x7FFFF;
	_ =	strace $0x90000046  }
0xb6: {  	s29 =	simm.s32 $0x9;
	_ =	strace $0x80000048  }
0xb7: {  	_ =	swait.ge [sflag:s29], $0x1  }
0xb8: {  	[sflag:s29] =	ssyncadd.s32 $0xFFFFFFFF  }
0xb9: {  	_ =	strace $0x90000048  }
0xba: {  	_ =	sfence  }
0xbb: {  	s30 =	sld [smem:$0x0];
	_ =	sdelay $0x2  }
0xbc: {  	s31 =	sshll.u32 s1, $0xD;
	s1 =	sshrl.u32 s1, $0x2  }
0xbd: {  	s3 =	sand.u32 $0x4000, s31;
	s1 =	sadd.s32 s1, s30  }
0xbe: {  	s0 =	sor.u32 s3, s0;
	s1 =	sshll.u32 s1, $0x11  }
0xbf: {  	s0 =	sor.u32 s1, s0  }
0xc0: {  	s0 =	sadd.s32 $0x8F2B, s0  }
0xc1: {  	[sflag:s0] =	ssyncadd.remote.s32 $0x1  }
0xc2: {  	_ =	sfence.sel $0xFFFF  }
0xc3: {  	[dreg:$0x0] =	wrdreg $0xFFFFFFFF;
	(pc) =	sbr.abs _section_cstart, $3  }
0xc4: {  	[dreg:$0x1] =	wrdreg $0xFFFFFFFF  }
0xc5: {  	_ =	task.clear_ibuf [dreg:s9], $0x2FFFF;
	_ =	strace $0x9FFFFFFF  }
0xc6: {  	(tm) =	ssettm $0x7FFFFFFF  }
0xc7: {  	_ =	shalt  }
tec
execute0_lowered:
.L_overlay_start_1:
0x0: {  	(tag) =	ssettag $0x1  }
0x1: {  	s0 =	rddreg [dreg:$0x0]  }
0x2: {  	s3 =	rddreg [dreg:$0x1]  }
0x3: {  	s1 =	rddreg [dreg:$0x2]  }
0x4: {  	s15 =	rddreg [dreg:$0x3]  }
0x5: {  	s2 =	simm.s32 $0x0;
	s5 =	srdreg.scid;
	s9 =	stileid.u32  }
0x6: {  	s18 =	simm.s32 $0x80;
	s23 =	simm.s32 $0x380;
	s24 =	simm.s32 $0x1  }
0x7: {  	s25 =	simm.s32 $0x800;
	s26 =	simm.s32 $0x8800;
	s29 =	simm.s32 $0x10800  }
0x8: {  	s31 =	simm.s32 $0x12800;
	s28 =	simm.s32 $0x14800;
	s30 =	simm.s32 $0x2  }
0x9: {  	[smem:$0x7FF] =	sst s2;
	s4 =	sadd.s32 $0xF42400, s1;
	s6 =	sand.u32 $0x1, s5  }
0xa: {  	s5 =	sadd.s32 $0x186A00, s1;
	s9 =	sshll.u32 s9, $0x7;
	s7 =	ssub.s32 $0x2, s6  }
0xb: {  	_ =	strace $0x80000047;
	s10 =	sshll.u32 s6, $0x6;
	s8 =	sshrl.u32 s7, $0x1  }
0xc: {  	s6 =	sadd.s32 $0x1EA00, s1;
	s17 =	sor.u32 s10, s9;
	s16 =	ssub.s32 s7, s8  }
0xd: {  	s7 =	sadd.s32 s0, s17;
	s8 =	sadd.s32 s3, s17;
	s10 =	sor.u32 $0x10, s17  }
0xe: {  	s12 =	sor.u32 $0x20, s17;
	s14 =	sor.u32 $0x30, s17;
	s15 =	sadd.s32 s15, s17  }
0xf: {  	s17 =	simm.s32 $0x200;
	s9 =	sadd.s32 s0, s10;
	s10 =	sadd.s32 s3, s10  }
0x10: {  	v0 =	vlaneseq.u32;
	s11 =	sadd.s32 s0, s12;
	s12 =	sadd.s32 s3, s12;
	s13 =	sadd.s32 s0, s14  }
0x11: {  	v1 =	vand.u32 $0x7, v0;
	s14 =	sadd.s32 s3, s14;
	s16 =	smax.u32 s16, $0x1;
	s0 =	simm.s32 $0x0  }
.LBB2_1:
0x12: {  	[tilespmem:s2], [sflag:$0x1] =	stream.linear.gather [hbm4b:s7+s2], $0x80, $0x38;
	[tilespmem:$0x14A00] =	vst v63  }
0x13: {  	_ = 	snop  }
0x14: {  	[tilespmem:s17], [sflag:$0x1] =	stream.linear.gather [hbm4b:s8+s2], $0x80, $0x38;
	[tilespmem:$0x14A00] =	vst v63  }
0x15: {  	_ = 	snop  }
0x16: {  	[tilespmem:s18], [sflag:$0x1] =	stream.linear.gather [hbm4b:s9+s2], $0x80, $0x38;
	[tilespmem:$0x14A00] =	vst v63  }
0x17: {  	s3 =	simm.s32 $0x280  }
0x18: {  	[tilespmem:s3], [sflag:$0x1] =	stream.linear.gather [hbm4b:s10+s2], $0x80, $0x38;
	[tilespmem:$0x14A00] =	vst v63  }
0x19: {  	s19 =	simm.s32 $0x100  }
0x1a: {  	[tilespmem:s19], [sflag:$0x1] =	stream.linear.gather [hbm4b:s11+s2], $0x80, $0x38;
	[tilespmem:$0x14A00] =	vst v63  }
0x1b: {  	s20 =	simm.s32 $0x300  }
0x1c: {  	[tilespmem:s20], [sflag:$0x1] =	stream.linear.gather [hbm4b:s12+s2], $0x80, $0x38;
	[tilespmem:$0x14A00] =	vst v63  }
0x1d: {  	s21 =	simm.s32 $0x180  }
0x1e: {  	[tilespmem:s21], [sflag:$0x1] =	stream.linear.gather [hbm4b:s13+s2], $0x80, $0x38;
	[tilespmem:$0x14A00] =	vst v63  }
0x1f: {  	_ = 	snop  }
0x20: {  	[tilespmem:s23], [sflag:$0x1] =	stream.linear.gather [hbm4b:s14+s2], $0x80, $0x38;
	[tilespmem:$0x14A00] =	vst v63  }
0x21: {  	_ =	swait.ge [sflag:s24], $0x80  }
0x22: {  	[sflag:s24] =	ssyncset.done $0x0  }
0x23: {  	[sflag:s24] =	ssyncadd.s32 $0xFFFFFF80  }
0x24: {  	_ =	swait.ge [sflag:s24], $0x80  }
0x25: {  	[sflag:s24] =	ssyncset.done $0x0  }
0x26: {  	[sflag:s24] =	ssyncadd.s32 $0xFFFFFF80  }
0x27: {  	_ =	swait.ge [sflag:s24], $0x80  }
0x28: {  	[sflag:s24] =	ssyncset.done $0x0  }
0x29: {  	[sflag:s24] =	ssyncadd.s32 $0xFFFFFF80  }
0x2a: {  	_ =	swait.ge [sflag:s24], $0x80  }
0x2b: {  	[sflag:s24] =	ssyncset.done $0x0  }
0x2c: {  	[sflag:s24] =	ssyncadd.s32 $0xFFFFFF80  }
0x2d: {  	_ =	swait.ge [sflag:s24], $0x80  }
0x2e: {  	[sflag:s24] =	ssyncset.done $0x0  }
0x2f: {  	[sflag:s24] =	ssyncadd.s32 $0xFFFFFF80  }
0x30: {  	_ =	swait.ge [sflag:s24], $0x80  }
0x31: {  	[sflag:s24] =	ssyncset.done $0x0  }
0x32: {  	[sflag:s24] =	ssyncadd.s32 $0xFFFFFF80  }
0x33: {  	_ =	swait.ge [sflag:s24], $0x80  }
0x34: {  	[sflag:s24] =	ssyncset.done $0x0  }
0x35: {  	[sflag:s24] =	ssyncadd.s32 $0xFFFFFF80  }
0x36: {  	_ =	swait.ge [sflag:s24], $0x80  }
0x37: {  	[sflag:s24] =	ssyncset.done $0x0  }
0x38: {  	[sflag:s24] =	ssyncadd.s32 $0xFFFFFF80  }
0x39: {  	v2 =	vld [tilespmem:$0x0]  }
0x3a: {  	v3 =	vld [tilespmem:$0x200]  }
0x3b: {  	v4 =	vld [tilespmem:$0x10]  }
0x3c: {  	v5 =	vld [tilespmem:$0x210]  }
0x3d: {  	v6 =	vld [tilespmem:$0x20]  }
0x3e: {  	v7 =	vld [tilespmem:$0x220];
	v2 =	vshra.s32 v2, $0x4  }
0x3f: {  	[tilespmem:$0x400] =	vst v2;
	v2 =	vshra.s32 v3, $0x4;
	v3 =	vld [tilespmem:$0x30]  }
0x40: {  	[tilespmem:$0x600] =	vst v2;
	v2 =	vshra.s32 v4, $0x4;
	v4 =	vld [tilespmem:$0x230]  }
0x41: {  	[tilespmem:$0x410] =	vst v2;
	v2 =	vshra.s32 v5, $0x4;
	v5 =	vld [tilespmem:$0x40]  }
0x42: {  	[tilespmem:$0x610] =	vst v2;
	v2 =	vshra.s32 v6, $0x4;
	v6 =	vld [tilespmem:$0x240]  }
0x43: {  	[tilespmem:$0x420] =	vst v2;
	v2 =	vshra.s32 v7, $0x4;
	v7 =	vld [tilespmem:$0x50]  }
0x44: {  	[tilespmem:$0x620] =	vst v2;
	v2 =	vshra.s32 v3, $0x4;
	v3 =	vld [tilespmem:$0x250]  }
0x45: {  	[tilespmem:$0x430] =	vst v2;
	v2 =	vshra.s32 v4, $0x4;
	v4 =	vld [tilespmem:$0x60]  }
0x46: {  	[tilespmem:$0x630] =	vst v2;
	v2 =	vshra.s32 v5, $0x4;
	v5 =	vld [tilespmem:$0x260]  }
0x47: {  	[tilespmem:$0x440] =	vst v2;
	v2 =	vshra.s32 v6, $0x4;
	v6 =	vld [tilespmem:$0x70]  }
0x48: {  	[tilespmem:$0x640] =	vst v2;
	v2 =	vshra.s32 v7, $0x4;
	v7 =	vld [tilespmem:$0x270]  }
0x49: {  	[tilespmem:$0x450] =	vst v2;
	v2 =	vshra.s32 v3, $0x4;
	v3 =	vld [tilespmem:$0x80]  }
0x4a: {  	[tilespmem:$0x650] =	vst v2;
	v2 =	vshra.s32 v4, $0x4;
	v4 =	vld [tilespmem:$0x280]  }
0x4b: {  	[tilespmem:$0x460] =	vst v2;
	v2 =	vshra.s32 v5, $0x4;
	v5 =	vld [tilespmem:$0x90]  }
0x4c: {  	[tilespmem:$0x660] =	vst v2;
	v2 =	vshra.s32 v6, $0x4;
	v6 =	vld [tilespmem:$0x290]  }
0x4d: {  	[tilespmem:$0x470] =	vst v2;
	v2 =	vshra.s32 v7, $0x4;
	v7 =	vld [tilespmem:$0xA0]  }
0x4e: {  	[tilespmem:$0x670] =	vst v2;
	v2 =	vshra.s32 v3, $0x4;
	v3 =	vld [tilespmem:$0x2A0]  }
0x4f: {  	[tilespmem:$0x480] =	vst v2;
	v2 =	vshra.s32 v4, $0x4;
	v4 =	vld [tilespmem:$0xB0]  }
0x50: {  	[tilespmem:$0x680] =	vst v2;
	v2 =	vshra.s32 v5, $0x4;
	v5 =	vld [tilespmem:$0x2B0]  }
0x51: {  	[tilespmem:$0x490] =	vst v2;
	v2 =	vshra.s32 v6, $0x4;
	v6 =	vld [tilespmem:$0xC0]  }
0x52: {  	[tilespmem:$0x690] =	vst v2;
	v2 =	vshra.s32 v7, $0x4;
	v7 =	vld [tilespmem:$0x2C0]  }
0x53: {  	[tilespmem:$0x4A0] =	vst v2;
	v2 =	vshra.s32 v3, $0x4;
	v3 =	vld [tilespmem:$0xD0]  }
0x54: {  	[tilespmem:$0x6A0] =	vst v2;
	v2 =	vshra.s32 v4, $0x4;
	v4 =	vld [tilespmem:$0x2D0]  }
0x55: {  	[tilespmem:$0x4B0] =	vst v2;
	v2 =	vshra.s32 v5, $0x4;
	v5 =	vld [tilespmem:$0xE0]  }
0x56: {  	[tilespmem:$0x6B0] =	vst v2;
	v2 =	vshra.s32 v6, $0x4;
	v6 =	vld [tilespmem:$0x2E0]  }
0x57: {  	[tilespmem:$0x4C0] =	vst v2;
	v2 =	vshra.s32 v7, $0x4;
	v7 =	vld [tilespmem:$0xF0]  }
0x58: {  	[tilespmem:$0x6C0] =	vst v2;
	v2 =	vshra.s32 v3, $0x4;
	v3 =	vld [tilespmem:$0x2F0]  }
0x59: {  	[tilespmem:$0x4D0] =	vst v2;
	v2 =	vshra.s32 v4, $0x4;
	v4 =	vld [tilespmem:$0x100]  }
0x5a: {  	[tilespmem:$0x6D0] =	vst v2;
	v2 =	vshra.s32 v5, $0x4;
	v5 =	vld [tilespmem:$0x300]  }
0x5b: {  	[tilespmem:$0x4E0] =	vst v2;
	v2 =	vshra.s32 v6, $0x4;
	v6 =	vld [tilespmem:$0x110]  }
0x5c: {  	[tilespmem:$0x6E0] =	vst v2;
	v2 =	vshra.s32 v7, $0x4;
	v7 =	vld [tilespmem:$0x310]  }
0x5d: {  	[tilespmem:$0x4F0] =	vst v2;
	v2 =	vshra.s32 v3, $0x4;
	v3 =	vld [tilespmem:$0x120]  }
0x5e: {  	[tilespmem:$0x6F0] =	vst v2;
	v2 =	vshra.s32 v4, $0x4;
	v4 =	vld [tilespmem:$0x320]  }
0x5f: {  	[tilespmem:$0x500] =	vst v2;
	v2 =	vshra.s32 v5, $0x4;
	v5 =	vld [tilespmem:$0x130]  }
0x60: {  	[tilespmem:$0x700] =	vst v2;
	v2 =	vshra.s32 v6, $0x4;
	v6 =	vld [tilespmem:$0x330]  }
0x61: {  	[tilespmem:$0x510] =	vst v2;
	v2 =	vshra.s32 v7, $0x4;
	v7 =	vld [tilespmem:$0x140]  }
0x62: {  	[tilespmem:$0x710] =	vst v2;
	v2 =	vshra.s32 v3, $0x4;
	v3 =	vld [tilespmem:$0x340]  }
0x63: {  	[tilespmem:$0x520] =	vst v2;
	v2 =	vshra.s32 v4, $0x4;
	v4 =	vld [tilespmem:$0x150]  }
0x64: {  	[tilespmem:$0x720] =	vst v2;
	v2 =	vshra.s32 v5, $0x4;
	v5 =	vld [tilespmem:$0x350]  }
0x65: {  	[tilespmem:$0x530] =	vst v2;
	v2 =	vshra.s32 v6, $0x4;
	v6 =	vld [tilespmem:$0x160]  }
0x66: {  	[tilespmem:$0x730] =	vst v2;
	v2 =	vshra.s32 v7, $0x4;
	v7 =	vld [tilespmem:$0x360]  }
0x67: {  	[tilespmem:$0x540] =	vst v2;
	v2 =	vshra.s32 v3, $0x4;
	v3 =	vld [tilespmem:$0x170]  }
0x68: {  	[tilespmem:$0x740] =	vst v2;
	v2 =	vshra.s32 v4, $0x4;
	v4 =	vld [tilespmem:$0x370]  }
0x69: {  	[tilespmem:$0x550] =	vst v2;
	v2 =	vshra.s32 v5, $0x4;
	v5 =	vld [tilespmem:$0x180]  }
0x6a: {  	[tilespmem:$0x750] =	vst v2;
	v2 =	vshra.s32 v6, $0x4;
	v6 =	vld [tilespmem:$0x380]  }
0x6b: {  	[tilespmem:$0x560] =	vst v2;
	v2 =	vshra.s32 v7, $0x4;
	v7 =	vld [tilespmem:$0x190]  }
0x6c: {  	[tilespmem:$0x760] =	vst v2;
	v2 =	vshra.s32 v3, $0x4;
	v3 =	vld [tilespmem:$0x390]  }
0x6d: {  	[tilespmem:$0x570] =	vst v2;
	v2 =	vshra.s32 v4, $0x4;
	v4 =	vld [tilespmem:$0x1A0]  }
0x6e: {  	[tilespmem:$0x770] =	vst v2;
	v2 =	vshra.s32 v5, $0x4;
	v5 =	vld [tilespmem:$0x3A0]  }
0x6f: {  	[tilespmem:$0x580] =	vst v2;
	v2 =	vshra.s32 v6, $0x4;
	v6 =	vld [tilespmem:$0x1B0]  }
0x70: {  	[tilespmem:$0x780] =	vst v2;
	v2 =	vshra.s32 v7, $0x4;
	v7 =	vld [tilespmem:$0x3B0]  }
0x71: {  	[tilespmem:$0x590] =	vst v2;
	v2 =	vshra.s32 v3, $0x4;
	v3 =	vld [tilespmem:$0x1C0]  }
0x72: {  	[tilespmem:$0x790] =	vst v2;
	v2 =	vshra.s32 v4, $0x4;
	v4 =	vld [tilespmem:$0x3C0]  }
0x73: {  	[tilespmem:$0x5A0] =	vst v2;
	v2 =	vshra.s32 v5, $0x4;
	v5 =	vld [tilespmem:$0x1D0]  }
0x74: {  	[tilespmem:$0x7A0] =	vst v2;
	v2 =	vshra.s32 v6, $0x4;
	v6 =	vld [tilespmem:$0x3D0]  }
0x75: {  	[tilespmem:$0x5B0] =	vst v2;
	v2 =	vshra.s32 v7, $0x4;
	v7 =	vld [tilespmem:$0x1E0]  }
0x76: {  	[tilespmem:$0x7B0] =	vst v2;
	v2 =	vshra.s32 v3, $0x4;
	v3 =	vld [tilespmem:$0x3E0]  }
0x77: {  	[tilespmem:$0x5C0] =	vst v2;
	v2 =	vshra.s32 v4, $0x4;
	v4 =	vld [tilespmem:$0x1F0]  }
0x78: {  	[tilespmem:$0x7C0] =	vst v2;
	v2 =	vshra.s32 v5, $0x4;
	v5 =	vld [tilespmem:$0x3F0]  }
0x79: {  	[tilespmem:$0x5D0] =	vst v2;
	v2 =	vshra.s32 v6, $0x4  }
0x7a: {  	[tilespmem:$0x7D0] =	vst v2;
	v2 =	vshra.s32 v7, $0x4  }
0x7b: {  	[tilespmem:$0x5E0] =	vst v2;
	v2 =	vshra.s32 v3, $0x4  }
0x7c: {  	[tilespmem:$0x7E0] =	vst v2;
	v2 =	vshra.s32 v4, $0x4  }
0x7d: {  	[tilespmem:$0x5F0] =	vst v2;
	v2 =	vshra.s32 v5, $0x4  }
0x7e: {  	[tilespmem:$0x7F0] =	vst v2  }
0x7f: {  	[tilespmem:s25], [sflag:$0x1] =	stream.indirect.gather [hbm4b:s4+s18], $0x40, s2, s18, $0xb8;
	[tilespmem:$0x14A00] =	vst v63  }
0x80: {  	_ = 	snop  }
0x81: {  	[tilespmem:s26], [sflag:$0x1] =	stream.indirect.gather [hbm4b:s5+s18], $0x40, s17, s18, $0xb8;
	[tilespmem:$0x14A00] =	vst v63  }
0x82: {  	s22 =	simm.s32 $0x400  }
0x83: {  	[tilespmem:s29], [sflag:$0x1] =	stream.indirect.gather [hbm4b:s1+s18], $0x10, s22, s18, $0xb8;
	[tilespmem:$0x14A00] =	vst v63  }
0x84: {  	s22 =	simm.s32 $0x600  }
0x85: {  	[tilespmem:s31], [sflag:$0x1] =	stream.indirect.gather [hbm4b:s6+s18], $0x10, s22, s18, $0xb8;
	[tilespmem:$0x14A00] =	vst v63  }
0x86: {  	s22 =	simm.s32 $0x2800  }
0x87: {  	[tilespmem:s22], [sflag:$0x1] =	stream.indirect.gather [hbm4b:s4+s18], $0x40, s18, s18, $0xb8;
	[tilespmem:$0x14A00] =	vst v63  }
0x88: {  	s22 =	simm.s32 $0xA800  }
0x89: {  	[tilespmem:s22], [sflag:$0x1] =	stream.indirect.gather [hbm4b:s5+s18], $0x40, s3, s18, $0xb8;
	[tilespmem:$0x14A00] =	vst v63  }
0x8a: {  	s3 =	simm.s32 $0x480;
	s22 =	simm.s32 $0x11000  }
0x8b: {  	[tilespmem:s22], [sflag:$0x1] =	stream.indirect.gather [hbm4b:s1+s18], $0x10, s3, s18, $0xb8;
	[tilespmem:$0x14A00] =	vst v63  }
0x8c: {  	s3 =	simm.s32 $0x680;
	s22 =	simm.s32 $0x13000  }
0x8d: {  	[tilespmem:s22], [sflag:$0x1] =	stream.indirect.gather [hbm4b:s6+s18], $0x10, s3, s18, $0xb8;
	[tilespmem:$0x14A00] =	vst v63  }
0x8e: {  	s22 =	simm.s32 $0x4800  }
0x8f: {  	[tilespmem:s22], [sflag:$0x1] =	stream.indirect.gather [hbm4b:s4+s18], $0x40, s19, s18, $0xb8;
	[tilespmem:$0x14A00] =	vst v63  }
0x90: {  	s19 =	simm.s32 $0xC800  }
0x91: {  	[tilespmem:s19], [sflag:$0x1] =	stream.indirect.gather [hbm4b:s5+s18], $0x40, s20, s18, $0xb8;
	[tilespmem:$0x14A00] =	vst v63  }
0x92: {  	s22 =	simm.s32 $0x11800;
	s20 =	simm.s32 $0x500  }
0x93: {  	[tilespmem:s22], [sflag:$0x1] =	stream.indirect.gather [hbm4b:s1+s18], $0x10, s20, s18, $0xb8;
	[tilespmem:$0x14A00] =	vst v63  }
0x94: {  	s20 =	simm.s32 $0x700;
	s22 =	simm.s32 $0x13800  }
0x95: {  	[tilespmem:s22], [sflag:$0x1] =	stream.indirect.gather [hbm4b:s6+s18], $0x10, s20, s18, $0xb8;
	[tilespmem:$0x14A00] =	vst v63  }
0x96: {  	s20 =	simm.s32 $0x6800  }
0x97: {  	[tilespmem:s20], [sflag:$0x1] =	stream.indirect.gather [hbm4b:s4+s18], $0x40, s21, s18, $0xb8;
	[tilespmem:$0x14A00] =	vst v63  }
0x98: {  	s22 =	simm.s32 $0xE800  }
0x99: {  	[tilespmem:s22], [sflag:$0x1] =	stream.indirect.gather [hbm4b:s5+s18], $0x40, s23, s18, $0xb8;
	[tilespmem:$0x14A00] =	vst v63  }
0x9a: {  	s19 =	simm.s32 $0x580;
	s20 =	simm.s32 $0x12000  }
0x9b: {  	[tilespmem:s20], [sflag:$0x1] =	stream.indirect.gather [hbm4b:s1+s18], $0x10, s19, s18, $0xb8;
	[tilespmem:$0x14A00] =	vst v63  }
0x9c: {  	s21 =	simm.s32 $0x780;
	s22 =	simm.s32 $0x14000  }
0x9d: {  	[tilespmem:s22], [sflag:$0x1] =	stream.indirect.gather [hbm4b:s6+s18], $0x10, s21, s18, $0xb8;
	[tilespmem:$0x14A00] =	vst v63  }
0x9e: {  	_ =	swait.ge [sflag:s24], $0x2000  }
0x9f: {  	[sflag:s24] =	ssyncset.done $0x0  }
0xa0: {  	[sflag:s24] =	ssyncadd.s32 $0xFFFFE000  }
0xa1: {  	_ =	swait.ge [sflag:s24], $0x2000  }
0xa2: {  	[sflag:s24] =	ssyncset.done $0x0  }
0xa3: {  	[sflag:s24] =	ssyncadd.s32 $0xFFFFE000  }
0xa4: {  	_ =	swait.ge [sflag:s24], $0x800  }
0xa5: {  	[sflag:s24] =	ssyncset.done $0x0  }
0xa6: {  	[sflag:s24] =	ssyncadd.s32 $0xFFFFF800  }
0xa7: {  	_ =	swait.ge [sflag:s24], $0x800  }
0xa8: {  	[sflag:s24] =	ssyncset.done $0x0  }
0xa9: {  	[sflag:s24] =	ssyncadd.s32 $0xFFFFF800  }
0xaa: {  	_ =	swait.ge [sflag:s24], $0x2000  }
0xab: {  	[sflag:s24] =	ssyncset.done $0x0  }
0xac: {  	[sflag:s24] =	ssyncadd.s32 $0xFFFFE000  }
0xad: {  	_ =	swait.ge [sflag:s24], $0x2000  }
0xae: {  	[sflag:s24] =	ssyncset.done $0x0  }
0xaf: {  	[sflag:s24] =	ssyncadd.s32 $0xFFFFE000  }
0xb0: {  	_ =	swait.ge [sflag:s24], $0x800  }
0xb1: {  	[sflag:s24] =	ssyncset.done $0x0  }
0xb2: {  	[sflag:s24] =	ssyncadd.s32 $0xFFFFF800  }
0xb3: {  	_ =	swait.ge [sflag:s24], $0x800  }
0xb4: {  	[sflag:s24] =	ssyncset.done $0x0  }
0xb5: {  	[sflag:s24] =	ssyncadd.s32 $0xFFFFF800  }
0xb6: {  	_ =	swait.ge [sflag:s24], $0x2000  }
0xb7: {  	[sflag:s24] =	ssyncset.done $0x0  }
0xb8: {  	[sflag:s24] =	ssyncadd.s32 $0xFFFFE000  }
0xb9: {  	_ =	swait.ge [sflag:s24], $0x2000  }
0xba: {  	[sflag:s24] =	ssyncset.done $0x0  }
0xbb: {  	[sflag:s24] =	ssyncadd.s32 $0xFFFFE000  }
0xbc: {  	_ =	swait.ge [sflag:s24], $0x800  }
0xbd: {  	[sflag:s24] =	ssyncset.done $0x0  }
0xbe: {  	[sflag:s24] =	ssyncadd.s32 $0xFFFFF800  }
0xbf: {  	_ =	swait.ge [sflag:s24], $0x800  }
0xc0: {  	[sflag:s24] =	ssyncset.done $0x0  }
0xc1: {  	[sflag:s24] =	ssyncadd.s32 $0xFFFFF800  }
0xc2: {  	_ =	swait.ge [sflag:s24], $0x2000  }
0xc3: {  	[sflag:s24] =	ssyncset.done $0x0  }
0xc4: {  	[sflag:s24] =	ssyncadd.s32 $0xFFFFE000  }
0xc5: {  	s19 =	simm.s32 $0x0;
	s20 =	sand.u32 $0x70, s2;
	_ =	swait.ge [sflag:s24], $0x2000  }
0xc6: {  	v3 =	vmov s19;
	v2 =	vor.u32 s20, v0;
	[sflag:s24] =	ssyncset.done $0x0  }
0xc7: {  	v4 =	vand.u32 $0x78, v2;
	v5 =	vshll.u32 v3, $0x7;
	[sflag:s24] =	ssyncadd.s32 $0xFFFFE000  }
0xc8: {  	v4 =	vor.u32 v5, v4;
	_ =	swait.ge [sflag:s24], $0x800  }
0xc9: {  	v5 =	vor.u32 v1, v4;
	[sflag:s24] =	ssyncset.done $0x0  }
0xca: {  	v6 =	vshll.u32 v2, $0x6;
	v4 =	vshll.u32 v3, $0xD;
	[sflag:s24] =	ssyncadd.s32 $0xFFFFF800  }
0xcb: {  	v6 =	vor.u32 v4, v6;
	_ =	swait.ge [sflag:s24], $0x800  }
0xcc: {  	[sflag:s24] =	ssyncset.done $0x0  }
0xcd: {  	v7 =	vor.u32 $0x1, v6;
	[sflag:s24] =	ssyncadd.s32 $0xFFFFF800  }
0xce: {  	v4 =	vld.idx.msk [tilespmem:v5+s17+$0x0], $0xffff  }
0xcf: {  	v8 =	vor.u32 $0x2, v6;
	v5 =	vld.idx.msk [tilespmem:v5+s2+$0x0], $0xffff  }
0xd0: {  	v9 =	vld.idx.msk [tilespmem:v6+s26+$0x0], $0xffff  }
0xd1: {  	v11 =	vor.u32 $0x3, v6;
	v10 =	vld.idx.msk [tilespmem:v6+s25+$0x0], $0xffff  }
0xd2: {  	v12 =	vld.idx.msk [tilespmem:v7+s25+$0x0], $0xffff  }
0xd3: {  	v13 =	vor.u32 $0x4, v6;
	v7 =	vld.idx.msk [tilespmem:v7+s26+$0x0], $0xffff  }
0xd4: {  	v14 =	vld.idx.msk [tilespmem:v8+s25+$0x0], $0xffff  }
0xd5: {  	v15 =	vor.u32 $0x5, v6;
	v8 =	vld.idx.msk [tilespmem:v8+s26+$0x0], $0xffff  }
0xd6: {  	v16 =	vld.idx.msk [tilespmem:v11+s25+$0x0], $0xffff;
	v9 =	vmul.f32 v9, v10  }
0xd7: {  	v49 =	vor.u32 $0x6, v6;
	v48 =	vld.idx.msk [tilespmem:v11+s26+$0x0], $0xffff  }
0xd8: {  	v17 =	vld.idx.msk [tilespmem:v13+s25+$0x0], $0xffff;
	v7 =	vmul.f32 v7, v12;
	v9 =	vadd.f32 $0.0e+00, v9  }
0xd9: {  	v51 =	vor.u32 $0x7, v6;
	v50 =	vld.idx.msk [tilespmem:v13+s26+$0x0], $0xffff  }
0xda: {  	v18 =	vld.idx.msk [tilespmem:v15+s25+$0x0], $0xffff;
	v8 =	vmul.f32 v8, v14;
	v7 =	vadd.f32 v7, v9  }
0xdb: {  	v53 =	vor.u32 $0x8, v6;
	v52 =	vld.idx.msk [tilespmem:v15+s26+$0x0], $0xffff  }
0xdc: {  	v54 =	vld.idx.msk [tilespmem:v49+s25+$0x0], $0xffff;
	v55 =	vmul.f32 v48, v16;
	v7 =	vadd.f32 v8, v7  }
0xdd: {  	v57 =	vor.u32 $0x9, v6;
	v56 =	vld.idx.msk [tilespmem:v49+s26+$0x0], $0xffff  }
0xde: {  	v58 =	vld.idx.msk [tilespmem:v51+s25+$0x0], $0xffff;
	v59 =	vmul.f32 v50, v17;
	v7 =	vadd.f32 v55, v7  }
0xdf: {  	v61 =	vor.u32 $0xA, v6;
	v60 =	vld.idx.msk [tilespmem:v51+s26+$0x0], $0xffff  }
0xe0: {  	v62 =	vld.idx.msk [tilespmem:v53+s25+$0x0], $0xffff;
	v63 =	vmul.f32 v52, v18;
	v7 =	vadd.f32 v59, v7  }
0xe1: {  	v22 =	vor.u32 $0xB, v6;
	v21 =	vld.idx.msk [tilespmem:v53+s26+$0x0], $0xffff  }
0xe2: {  	v23 =	vld.idx.msk [tilespmem:v57+s25+$0x0], $0xffff;
	v24 =	vmul.f32 v56, v54;
	v7 =	vadd.f32 v63, v7  }
0xe3: {  	v26 =	vor.u32 $0xC, v6;
	v25 =	vld.idx.msk [tilespmem:v57+s26+$0x0], $0xffff  }
0xe4: {  	v27 =	vld.idx.msk [tilespmem:v61+s25+$0x0], $0xffff;
	v28 =	vmul.f32 v60, v58;
	v7 =	vadd.f32 v24, v7  }
0xe5: {  	v30 =	vor.u32 $0xD, v6;
	v29 =	vld.idx.msk [tilespmem:v61+s26+$0x0], $0xffff  }
0xe6: {  	v31 =	vld.idx.msk [tilespmem:v22+s25+$0x0], $0xffff;
	v32 =	vmul.f32 v21, v62;
	v7 =	vadd.f32 v28, v7  }
0xe7: {  	v34 =	vor.u32 $0xE, v6;
	v33 =	vld.idx.msk [tilespmem:v22+s26+$0x0], $0xffff  }
0xe8: {  	v35 =	vld.idx.msk [tilespmem:v26+s25+$0x0], $0xffff;
	v36 =	vmul.f32 v25, v23;
	v7 =	vadd.f32 v32, v7  }
0xe9: {  	v38 =	vor.u32 $0xF, v6;
	v37 =	vld.idx.msk [tilespmem:v26+s26+$0x0], $0xffff  }
0xea: {  	v39 =	vld.idx.msk [tilespmem:v30+s25+$0x0], $0xffff;
	v40 =	vmul.f32 v29, v27;
	v7 =	vadd.f32 v36, v7  }
0xeb: {  	v42 =	vor.u32 $0x10, v6;
	v41 =	vld.idx.msk [tilespmem:v30+s26+$0x0], $0xffff  }
0xec: {  	v43 =	vld.idx.msk [tilespmem:v34+s25+$0x0], $0xffff;
	v44 =	vmul.f32 v33, v31;
	v7 =	vadd.f32 v40, v7  }
0xed: {  	v46 =	vor.u32 $0x11, v6;
	v45 =	vld.idx.msk [tilespmem:v34+s26+$0x0], $0xffff  }
0xee: {  	v47 =	vld.idx.msk [tilespmem:v38+s25+$0x0], $0xffff;
	v48 =	vmul.f32 v37, v35;
	v7 =	vadd.f32 v44, v7  }
0xef: {  	v49 =	vld.idx.msk [tilespmem:v38+s26+$0x0], $0xffff;
	v50 =	vor.u32 $0x12, v6  }
0xf0: {  	v51 =	vld.idx.msk [tilespmem:v42+s25+$0x0], $0xffff;
	v52 =	vmul.f32 v41, v39;
	v7 =	vadd.f32 v48, v7  }
0xf1: {  	v53 =	vld.idx.msk [tilespmem:v42+s26+$0x0], $0xffff;
	v54 =	vor.u32 $0x13, v6  }
0xf2: {  	v57 =	vld.idx.msk [tilespmem:v46+s26+$0x0], $0xffff;
	v56 =	vmul.f32 v45, v43;
	v7 =	vadd.f32 v52, v7  }
0xf3: {  	v58 =	vor.u32 $0x14, v6;
	v55 =	vld.idx.msk [tilespmem:v46+s25+$0x0], $0xffff  }
0xf4: {  	v60 =	vmul.f32 v49, v47;
	v61 =	vld.idx.msk [tilespmem:v50+s26+$0x0], $0xffff;
	v7 =	vadd.f32 v56, v7  }
0xf5: {  	v62 =	vor.u32 $0x15, v6;
	v59 =	vld.idx.msk [tilespmem:v50+s25+$0x0], $0xffff  }
0xf6: {  	v20 =	vmul.f32 v53, v51;
	v21 =	vld.idx.msk [tilespmem:v54+s26+$0x0], $0xffff;
	v7 =	vadd.f32 v60, v7  }
0xf7: {  	v22 =	vor.u32 $0x16, v6;
	v63 =	vld.idx.msk [tilespmem:v54+s25+$0x0], $0xffff  }
0xf8: {  	v23 =	vld.idx.msk [tilespmem:v58+s25+$0x0], $0xffff;
	v24 =	vmul.f32 v57, v55;
	v7 =	vadd.f32 v20, v7  }
0xf9: {  	v26 =	vor.u32 $0x17, v6;
	v25 =	vld.idx.msk [tilespmem:v58+s26+$0x0], $0xffff  }
0xfa: {  	v27 =	vld.idx.msk [tilespmem:v62+s25+$0x0], $0xffff;
	v28 =	vmul.f32 v61, v59;
	v7 =	vadd.f32 v24, v7  }
0xfb: {  	v30 =	vor.u32 $0x18, v6;
	v29 =	vld.idx.msk [tilespmem:v62+s26+$0x0], $0xffff  }
0xfc: {  	v31 =	vld.idx.msk [tilespmem:v22+s25+$0x0], $0xffff;
	v32 =	vmul.f32 v21, v63;
	v7 =	vadd.f32 v28, v7  }
0xfd: {  	v34 =	vor.u32 $0x19, v6;
	v33 =	vld.idx.msk [tilespmem:v22+s26+$0x0], $0xffff  }
0xfe: {  	v35 =	vld.idx.msk [tilespmem:v26+s25+$0x0], $0xffff;
	v36 =	vmul.f32 v25, v23;
	v7 =	vadd.f32 v32, v7  }
0xff: {  	v38 =	vor.u32 $0x1A, v6;
	v37 =	vld.idx.msk [tilespmem:v26+s26+$0x0], $0xffff  }
0x100: {  	v39 =	vld.idx.msk [tilespmem:v30+s25+$0x0], $0xffff;
	v40 =	vmul.f32 v29, v27;
	v7 =	vadd.f32 v36, v7  }
0x101: {  	v42 =	vor.u32 $0x1B, v6;
	v41 =	vld.idx.msk [tilespmem:v30+s26+$0x0], $0xffff  }
0x102: {  	v43 =	vld.idx.msk [tilespmem:v34+s25+$0x0], $0xffff;
	v44 =	vmul.f32 v33, v31;
	v7 =	vadd.f32 v40, v7  }
0x103: {  	v45 =	vld.idx.msk [tilespmem:v34+s26+$0x0], $0xffff;
	v46 =	vor.u32 $0x1C, v6  }
0x104: {  	v47 =	vld.idx.msk [tilespmem:v38+s25+$0x0], $0xffff;
	v48 =	vmul.f32 v37, v35;
	v7 =	vadd.f32 v44, v7  }
0x105: {  	v49 =	vld.idx.msk [tilespmem:v38+s26+$0x0], $0xffff;
	v50 =	vor.u32 $0x1D, v6  }
0x106: {  	v51 =	vld.idx.msk [tilespmem:v42+s25+$0x0], $0xffff;
	v52 =	vmul.f32 v41, v39;
	v7 =	vadd.f32 v48, v7  }
0x107: {  	v53 =	vld.idx.msk [tilespmem:v42+s26+$0x0], $0xffff;
	v54 =	vor.u32 $0x1E, v6  }
0x108: {  	v55 =	vld.idx.msk [tilespmem:v46+s25+$0x0], $0xffff;
	v56 =	vmul.f32 v45, v43;
	v7 =	vadd.f32 v52, v7  }
0x109: {  	v58 =	vor.u32 $0x1F, v6;
	v57 =	vld.idx.msk [tilespmem:v46+s26+$0x0], $0xffff  }
0x10a: {  	v59 =	vld.idx.msk [tilespmem:v50+s25+$0x0], $0xffff;
	v60 =	vmul.f32 v49, v47;
	v7 =	vadd.f32 v56, v7  }
0x10b: {  	v62 =	vor.u32 $0x20, v6;
	v61 =	vld.idx.msk [tilespmem:v50+s26+$0x0], $0xffff  }
0x10c: {  	v22 =	vld.idx.msk [tilespmem:v54+s26+$0x0], $0xffff;
	v21 =	vmul.f32 v53, v51;
	v7 =	vadd.f32 v60, v7  }
0x10d: {  	v63 =	vld.idx.msk [tilespmem:v54+s25+$0x0], $0xffff;
	v23 =	vor.u32 $0x21, v6  }
0x10e: {  	v26 =	vld.idx.msk [tilespmem:v58+s26+$0x0], $0xffff;
	v25 =	vmul.f32 v57, v55;
	v7 =	vadd.f32 v21, v7  }
0x10f: {  	v27 =	vor.u32 $0x22, v6;
	v24 =	vld.idx.msk [tilespmem:v58+s25+$0x0], $0xffff  }
0x110: {  	v30 =	vld.idx.msk [tilespmem:v62+s26+$0x0], $0xffff;
	v29 =	vmul.f32 v61, v59;
	v7 =	vadd.f32 v25, v7  }
0x111: {  	v31 =	vor.u32 $0x23, v6;
	v28 =	vld.idx.msk [tilespmem:v62+s25+$0x0], $0xffff  }
0x112: {  	v33 =	vmul.f32 v22, v63;
	v34 =	vld.idx.msk [tilespmem:v23+s26+$0x0], $0xffff;
	v7 =	vadd.f32 v29, v7  }
0x113: {  	v35 =	vor.u32 $0x24, v6;
	v32 =	vld.idx.msk [tilespmem:v23+s25+$0x0], $0xffff  }
0x114: {  	v38 =	vld.idx.msk [tilespmem:v27+s26+$0x0], $0xffff;
	v37 =	vmul.f32 v26, v24;
	v7 =	vadd.f32 v33, v7  }
0x115: {  	v39 =	vor.u32 $0x25, v6;
	v36 =	vld.idx.msk [tilespmem:v27+s25+$0x0], $0xffff  }
0x116: {  	v42 =	vld.idx.msk [tilespmem:v31+s26+$0x0], $0xffff;
	v41 =	vmul.f32 v30, v28;
	v7 =	vadd.f32 v37, v7  }
0x117: {  	v43 =	vor.u32 $0x26, v6;
	v40 =	vld.idx.msk [tilespmem:v31+s25+$0x0], $0xffff  }
0x118: {  	v46 =	vld.idx.msk [tilespmem:v35+s26+$0x0], $0xffff;
	v45 =	vmul.f32 v34, v32;
	v7 =	vadd.f32 v41, v7  }
0x119: {  	v47 =	vor.u32 $0x27, v6;
	v44 =	vld.idx.msk [tilespmem:v35+s25+$0x0], $0xffff  }
0x11a: {  	v50 =	vld.idx.msk [tilespmem:v39+s26+$0x0], $0xffff;
	v49 =	vmul.f32 v38, v36;
	v7 =	vadd.f32 v45, v7  }
0x11b: {  	v51 =	vor.u32 $0x28, v6;
	v48 =	vld.idx.msk [tilespmem:v39+s25+$0x0], $0xffff  }
0x11c: {  	v54 =	vld.idx.msk [tilespmem:v43+s26+$0x0], $0xffff;
	v53 =	vmul.f32 v42, v40;
	v7 =	vadd.f32 v49, v7  }
0x11d: {  	v55 =	vor.u32 $0x29, v6;
	v52 =	vld.idx.msk [tilespmem:v43+s25+$0x0], $0xffff  }
0x11e: {  	v58 =	vld.idx.msk [tilespmem:v47+s26+$0x0], $0xffff;
	v57 =	vmul.f32 v46, v44;
	v7 =	vadd.f32 v53, v7  }
0x11f: {  	v59 =	vor.u32 $0x2A, v6;
	v56 =	vld.idx.msk [tilespmem:v47+s25+$0x0], $0xffff  }
0x120: {  	v62 =	vld.idx.msk [tilespmem:v51+s26+$0x0], $0xffff;
	v61 =	vmul.f32 v50, v48;
	v7 =	vadd.f32 v57, v7  }
0x121: {  	v63 =	vor.u32 $0x2B, v6;
	v60 =	vld.idx.msk [tilespmem:v51+s25+$0x0], $0xffff  }
0x122: {  	v23 =	vld.idx.msk [tilespmem:v55+s26+$0x0], $0xffff;
	v22 =	vmul.f32 v54, v52;
	v7 =	vadd.f32 v61, v7  }
0x123: {  	v24 =	vor.u32 $0x2C, v6;
	v21 =	vld.idx.msk [tilespmem:v55+s25+$0x0], $0xffff  }
0x124: {  	v27 =	vld.idx.msk [tilespmem:v59+s26+$0x0], $0xffff;
	v26 =	vmul.f32 v58, v56;
	v7 =	vadd.f32 v22, v7  }
0x125: {  	v28 =	vor.u32 $0x2D, v6;
	v25 =	vld.idx.msk [tilespmem:v59+s25+$0x0], $0xffff  }
0x126: {  	v31 =	vld.idx.msk [tilespmem:v63+s26+$0x0], $0xffff;
	v30 =	vmul.f32 v62, v60;
	v7 =	vadd.f32 v26, v7  }
0x127: {  	v32 =	vor.u32 $0x2E, v6;
	v29 =	vld.idx.msk [tilespmem:v63+s25+$0x0], $0xffff  }
0x128: {  	v35 =	vld.idx.msk [tilespmem:v24+s26+$0x0], $0xffff;
	v34 =	vmul.f32 v23, v21;
	v7 =	vadd.f32 v30, v7  }
0x129: {  	v36 =	vor.u32 $0x2F, v6;
	v33 =	vld.idx.msk [tilespmem:v24+s25+$0x0], $0xffff  }
0x12a: {  	v39 =	vld.idx.msk [tilespmem:v28+s26+$0x0], $0xffff;
	v38 =	vmul.f32 v27, v25;
	v7 =	vadd.f32 v34, v7  }
0x12b: {  	v40 =	vor.u32 $0x30, v6;
	v37 =	vld.idx.msk [tilespmem:v28+s25+$0x0], $0xffff  }
0x12c: {  	v43 =	vld.idx.msk [tilespmem:v32+s26+$0x0], $0xffff;
	v42 =	vmul.f32 v31, v29;
	v7 =	vadd.f32 v38, v7  }
0x12d: {  	v44 =	vor.u32 $0x31, v6;
	v41 =	vld.idx.msk [tilespmem:v32+s25+$0x0], $0xffff  }
0x12e: {  	v47 =	vld.idx.msk [tilespmem:v36+s26+$0x0], $0xffff;
	v46 =	vmul.f32 v35, v33;
	v7 =	vadd.f32 v42, v7  }
0x12f: {  	v48 =	vor.u32 $0x32, v6;
	v45 =	vld.idx.msk [tilespmem:v36+s25+$0x0], $0xffff  }
0x130: {  	v51 =	vld.idx.msk [tilespmem:v40+s26+$0x0], $0xffff;
	v50 =	vmul.f32 v39, v37;
	v7 =	vadd.f32 v46, v7  }
0x131: {  	v52 =	vor.u32 $0x33, v6;
	v49 =	vld.idx.msk [tilespmem:v40+s25+$0x0], $0xffff  }
0x132: {  	v55 =	vld.idx.msk [tilespmem:v44+s26+$0x0], $0xffff;
	v54 =	vmul.f32 v43, v41;
	v7 =	vadd.f32 v50, v7  }
0x133: {  	v56 =	vor.u32 $0x34, v6;
	v53 =	vld.idx.msk [tilespmem:v44+s25+$0x0], $0xffff  }
0x134: {  	v59 =	vld.idx.msk [tilespmem:v48+s26+$0x0], $0xffff;
	v58 =	vmul.f32 v47, v45;
	v7 =	vadd.f32 v54, v7  }
0x135: {  	v60 =	vor.u32 $0x35, v6;
	v57 =	vld.idx.msk [tilespmem:v48+s25+$0x0], $0xffff  }
0x136: {  	v63 =	vld.idx.msk [tilespmem:v52+s26+$0x0], $0xffff;
	v62 =	vmul.f32 v51, v49;
	v7 =	vadd.f32 v58, v7  }
0x137: {  	v21 =	vor.u32 $0x36, v6;
	v61 =	vld.idx.msk [tilespmem:v52+s25+$0x0], $0xffff  }
0x138: {  	v24 =	vld.idx.msk [tilespmem:v56+s26+$0x0], $0xffff;
	v23 =	vmul.f32 v55, v53;
	v7 =	vadd.f32 v62, v7  }
0x139: {  	v25 =	vor.u32 $0x37, v6;
	v22 =	vld.idx.msk [tilespmem:v56+s25+$0x0], $0xffff  }
0x13a: {  	v28 =	vld.idx.msk [tilespmem:v60+s26+$0x0], $0xffff;
	v27 =	vmul.f32 v59, v57;
	v7 =	vadd.f32 v23, v7  }
0x13b: {  	v29 =	vor.u32 $0x38, v6;
	v26 =	vld.idx.msk [tilespmem:v60+s25+$0x0], $0xffff  }
0x13c: {  	v32 =	vld.idx.msk [tilespmem:v21+s26+$0x0], $0xffff;
	v31 =	vmul.f32 v63, v61;
	v7 =	vadd.f32 v27, v7  }
0x13d: {  	v33 =	vor.u32 $0x39, v6;
	v30 =	vld.idx.msk [tilespmem:v21+s25+$0x0], $0xffff  }
0x13e: {  	v36 =	vld.idx.msk [tilespmem:v25+s26+$0x0], $0xffff;
	v35 =	vmul.f32 v24, v22;
	v7 =	vadd.f32 v31, v7  }
0x13f: {  	v37 =	vor.u32 $0x3A, v6;
	v34 =	vld.idx.msk [tilespmem:v25+s25+$0x0], $0xffff  }
0x140: {  	v40 =	vld.idx.msk [tilespmem:v29+s26+$0x0], $0xffff;
	v39 =	vmul.f32 v28, v26;
	v7 =	vadd.f32 v35, v7  }
0x141: {  	v41 =	vor.u32 $0x3B, v6;
	v38 =	vld.idx.msk [tilespmem:v29+s25+$0x0], $0xffff  }
0x142: {  	v44 =	vld.idx.msk [tilespmem:v33+s26+$0x0], $0xffff;
	v43 =	vmul.f32 v32, v30;
	v7 =	vadd.f32 v39, v7  }
0x143: {  	v45 =	vor.u32 $0x3C, v6;
	v42 =	vld.idx.msk [tilespmem:v33+s25+$0x0], $0xffff  }
0x144: {  	v48 =	vld.idx.msk [tilespmem:v37+s26+$0x0], $0xffff;
	v47 =	vmul.f32 v36, v34;
	v7 =	vadd.f32 v43, v7  }
0x145: {  	v49 =	vor.u32 $0x3D, v6;
	v46 =	vld.idx.msk [tilespmem:v37+s25+$0x0], $0xffff  }
0x146: {  	v52 =	vld.idx.msk [tilespmem:v41+s26+$0x0], $0xffff;
	v51 =	vmul.f32 v40, v38;
	v7 =	vadd.f32 v47, v7  }
0x147: {  	v53 =	vor.u32 $0x3E, v6;
	v50 =	vld.idx.msk [tilespmem:v41+s25+$0x0], $0xffff  }
0x148: {  	v56 =	vld.idx.msk [tilespmem:v45+s26+$0x0], $0xffff;
	v55 =	vmul.f32 v44, v42;
	v7 =	vadd.f32 v51, v7  }
0x149: {  	v6 =	vor.u32 $0x3F, v6;
	v54 =	vld.idx.msk [tilespmem:v45+s25+$0x0], $0xffff  }
0x14a: {  	v57 =	vld.idx.msk [tilespmem:v49+s25+$0x0], $0xffff;
	v58 =	vmul.f32 v48, v46;
	v7 =	vadd.f32 v55, v7  }
0x14b: {  	v2 =	vshll.u32 v2, $0x4;
	v59 =	vld.idx.msk [tilespmem:v49+s26+$0x0], $0xffff  }
0x14c: {  	v3 =	vshll.u32 v3, $0xB;
	v60 =	vld.idx.msk [tilespmem:v53+s25+$0x0], $0xffff;
	v61 =	vmul.f32 v52, v50;
	v7 =	vadd.f32 v58, v7  }
0x14d: {  	v2 =	vor.u32 v3, v2;
	v5 =	vand.u32 $0xF, v5;
	v3 =	vld.idx.msk [tilespmem:v53+s26+$0x0], $0xffff  }
0x14e: {  	v5 =	vor.u32 v2, v5;
	v62 =	vld.idx.msk [tilespmem:v6+s25+$0x0], $0xffff;
	v63 =	vmul.f32 v56, v54;
	v7 =	vadd.f32 v61, v7  }
0x14f: {  	v4 =	vand.u32 $0xF, v4;
	v6 =	vld.idx.msk [tilespmem:v6+s26+$0x0], $0xffff  }
0x150: {  	v2 =	vor.u32 v2, v4;
	v4 =	vadd.f32 v63, v7;
	v7 =	vmul.f32 v59, v57;
	_ =	sdelay $0x1  }
0x151: {  	v3 =	vmul.f32 v3, v60;
	v4 =	vadd.f32 v7, v4  }
0x152: {  	v5 =	vld.idx.msk [tilespmem:v5+s29+$0x0], $0xffff  }
0x153: {  	v3 =	vadd.f32 v3, v4;
	v4 =	vmul.f32 v6, v62  }
0x154: {  	v2 =	vld.idx.msk [tilespmem:v2+s31+$0x0], $0xffff  }
0x155: {  	v3 =	vadd.f32 v4, v3;
	_ =	sdelay $0x1  }
0x156: {  	v3 =	vadd.f32 v5, v3;
	_ =	sdelay $0x1  }
0x157: {  	v2 =	vadd.f32 v2, v3;
	_ =	sdelay $0x1  }
0x158: {  	v2 =	vsub.f32 $0.0e+00, v2;
	_ =	sdelay $0x1  }
0x159: {  	v2 =	vmul.f32 $1.442695020e+00, v2;
	_ =	sdelay $0x1  }
0x15a: {  	(erf) = vpow2.f32 v2;
	_ =	sdelay $0x8  }
0x15b: {  	v4 =	vpop (erf)  }
0x15c: {  	v4 =	vadd.f32 $1.000000000e+00, v4;
	_ =	sdelay $0x1  }
0x15d: {  	(erf) = vrcp.f32 v4  }
0x15e: {  	s19 =	simm.s32 $0x10  }
0x15f: {  	s21 =	simm.s32 $0x0;
	s22 =	sand.u32 $0x70, s19  }
0x160: {  	v3 =	vmov s21;
	v2 =	vor.u32 s22, v0  }
0x161: {  	v6 =	vshll.u32 v3, $0x7;
	v5 =	vand.u32 $0x78, v2  }
0x162: {  	v5 =	vor.u32 v6, v5;
	v4 =	vor.u32 s2, v0  }
0x163: {  	s3 =	simm.s32 $0x10;
	s20 =	simm.s32 $0x2;
	v5 =	vor.u32 v1, v5  }
.LBB2_2:
0x164: {  	p0 =	sne.s32 s20, $0x1F;
	v6 =	vshll.u32 v3, $0xD;
	v8 =	vshll.u32 v2, $0x6  }
0x165: {  	v6 =	vor.u32 v6, v8  }
0x166: {  	v7 =	vpop (erf)  }
0x167: {  	v8 =	vor.u32 $0x1, v6;
	[tilespmem:v4+s28+$0x0] =	vst.idx.msk $0xffff, v7  }
0x168: {  	v4 =	vld.idx.msk [tilespmem:v5+s17+$0x0], $0xffff  }
0x169: {  	v7 =	vor.u32 $0x2, v6;
	v5 =	vld.idx.msk [tilespmem:v5+s2+$0x0], $0xffff  }
0x16a: {  	v9 =	vld.idx.msk [tilespmem:v6+s26+$0x0], $0xffff  }
0x16b: {  	v11 =	vor.u32 $0x3, v6;
	v10 =	vld.idx.msk [tilespmem:v6+s25+$0x0], $0xffff  }
0x16c: {  	v12 =	vld.idx.msk [tilespmem:v8+s25+$0x0], $0xffff  }
0x16d: {  	v13 =	vor.u32 $0x4, v6;
	v8 =	vld.idx.msk [tilespmem:v8+s26+$0x0], $0xffff  }
0x16e: {  	v14 =	vld.idx.msk [tilespmem:v7+s25+$0x0], $0xffff  }
0x16f: {  	v15 =	vor.u32 $0x5, v6;
	v7 =	vld.idx.msk [tilespmem:v7+s26+$0x0], $0xffff  }
0x170: {  	v16 =	vld.idx.msk [tilespmem:v11+s25+$0x0], $0xffff  }
0x171: {  	v9 =	vmul.f32 v9, v10;
	v10 =	vld.idx.msk [tilespmem:v11+s26+$0x0], $0xffff;
	v11 =	vor.u32 $0x6, v6  }
0x172: {  	v17 =	vld.idx.msk [tilespmem:v13+s25+$0x0], $0xffff  }
0x173: {  	v9 =	vadd.f32 $0.0e+00, v9;
	v8 =	vmul.f32 v8, v12;
	v12 =	vld.idx.msk [tilespmem:v13+s26+$0x0], $0xffff;
	v13 =	vor.u32 $0x7, v6  }
0x174: {  	v18 =	vld.idx.msk [tilespmem:v15+s25+$0x0], $0xffff  }
0x175: {  	v8 =	vadd.f32 v8, v9;
	v7 =	vmul.f32 v7, v14;
	v14 =	vor.u32 $0x8, v6;
	v9 =	vld.idx.msk [tilespmem:v15+s26+$0x0], $0xffff  }
0x176: {  	v15 =	vld.idx.msk [tilespmem:v11+s25+$0x0], $0xffff  }
0x177: {  	v7 =	vadd.f32 v7, v8;
	v8 =	vmul.f32 v10, v16;
	v10 =	vld.idx.msk [tilespmem:v11+s26+$0x0], $0xffff;
	v11 =	vor.u32 $0x9, v6  }
0x178: {  	v16 =	vld.idx.msk [tilespmem:v13+s25+$0x0], $0xffff  }
0x179: {  	v7 =	vadd.f32 v8, v7;
	v8 =	vmul.f32 v12, v17;
	v12 =	vld.idx.msk [tilespmem:v13+s26+$0x0], $0xffff;
	v13 =	vor.u32 $0xA, v6  }
0x17a: {  	v17 =	vld.idx.msk [tilespmem:v14+s25+$0x0], $0xffff  }
0x17b: {  	v7 =	vadd.f32 v8, v7;
	v8 =	vmul.f32 v9, v18;
	v9 =	vld.idx.msk [tilespmem:v14+s26+$0x0], $0xffff;
	v14 =	vor.u32 $0xB, v6  }
0x17c: {  	v18 =	vld.idx.msk [tilespmem:v11+s25+$0x0], $0xffff  }
0x17d: {  	v7 =	vadd.f32 v8, v7;
	v8 =	vmul.f32 v10, v15;
	v10 =	vld.idx.msk [tilespmem:v11+s26+$0x0], $0xffff;
	v11 =	vor.u32 $0xC, v6  }
0x17e: {  	v15 =	vld.idx.msk [tilespmem:v13+s25+$0x0], $0xffff  }
0x17f: {  	v7 =	vadd.f32 v8, v7;
	v8 =	vmul.f32 v12, v16;
	v12 =	vld.idx.msk [tilespmem:v13+s26+$0x0], $0xffff;
	v13 =	vor.u32 $0xD, v6  }
0x180: {  	v16 =	vld.idx.msk [tilespmem:v14+s25+$0x0], $0xffff  }
0x181: {  	v7 =	vadd.f32 v8, v7;
	v8 =	vmul.f32 v9, v17;
	v9 =	vld.idx.msk [tilespmem:v14+s26+$0x0], $0xffff;
	v14 =	vor.u32 $0xE, v6  }
0x182: {  	v17 =	vld.idx.msk [tilespmem:v11+s25+$0x0], $0xffff  }
0x183: {  	v7 =	vadd.f32 v8, v7;
	v8 =	vmul.f32 v10, v18;
	v10 =	vld.idx.msk [tilespmem:v11+s26+$0x0], $0xffff;
	v11 =	vor.u32 $0xF, v6  }
0x184: {  	v18 =	vld.idx.msk [tilespmem:v13+s25+$0x0], $0xffff  }
0x185: {  	v7 =	vadd.f32 v8, v7;
	v8 =	vmul.f32 v12, v15;
	v12 =	vld.idx.msk [tilespmem:v13+s26+$0x0], $0xffff;
	v13 =	vor.u32 $0x10, v6  }
0x186: {  	v15 =	vld.idx.msk [tilespmem:v14+s25+$0x0], $0xffff  }
0x187: {  	v7 =	vadd.f32 v8, v7;
	v8 =	vmul.f32 v9, v16;
	v9 =	vld.idx.msk [tilespmem:v14+s26+$0x0], $0xffff;
	v14 =	vor.u32 $0x11, v6  }
0x188: {  	v16 =	vld.idx.msk [tilespmem:v11+s25+$0x0], $0xffff  }
0x189: {  	v7 =	vadd.f32 v8, v7;
	v8 =	vmul.f32 v10, v17;
	v10 =	vld.idx.msk [tilespmem:v11+s26+$0x0], $0xffff;
	v11 =	vor.u32 $0x12, v6  }
0x18a: {  	v17 =	vld.idx.msk [tilespmem:v13+s25+$0x0], $0xffff  }
0x18b: {  	v7 =	vadd.f32 v8, v7;
	v8 =	vmul.f32 v12, v18;
	v12 =	vld.idx.msk [tilespmem:v13+s26+$0x0], $0xffff;
	v13 =	vor.u32 $0x13, v6  }
0x18c: {  	v18 =	vld.idx.msk [tilespmem:v14+s25+$0x0], $0xffff  }
0x18d: {  	v7 =	vadd.f32 v8, v7;
	v8 =	vmul.f32 v9, v15;
	v9 =	vld.idx.msk [tilespmem:v14+s26+$0x0], $0xffff;
	v14 =	vor.u32 $0x14, v6  }
0x18e: {  	v15 =	vld.idx.msk [tilespmem:v11+s25+$0x0], $0xffff  }
0x18f: {  	v7 =	vadd.f32 v8, v7;
	v8 =	vmul.f32 v10, v16;
	v10 =	vld.idx.msk [tilespmem:v11+s26+$0x0], $0xffff;
	v11 =	vor.u32 $0x15, v6  }
0x190: {  	v16 =	vld.idx.msk [tilespmem:v13+s25+$0x0], $0xffff  }
0x191: {  	v7 =	vadd.f32 v8, v7;
	v8 =	vmul.f32 v12, v17;
	v12 =	vld.idx.msk [tilespmem:v13+s26+$0x0], $0xffff;
	v13 =	vor.u32 $0x16, v6  }
0x192: {  	v17 =	vld.idx.msk [tilespmem:v14+s25+$0x0], $0xffff  }
0x193: {  	v7 =	vadd.f32 v8, v7;
	v8 =	vmul.f32 v9, v18;
	v9 =	vld.idx.msk [tilespmem:v14+s26+$0x0], $0xffff;
	v14 =	vor.u32 $0x17, v6  }
0x194: {  	v18 =	vld.idx.msk [tilespmem:v11+s25+$0x0], $0xffff  }
0x195: {  	v7 =	vadd.f32 v8, v7;
	v8 =	vmul.f32 v10, v15;
	v10 =	vld.idx.msk [tilespmem:v11+s26+$0x0], $0xffff;
	v11 =	vor.u32 $0x18, v6  }
0x196: {  	v15 =	vld.idx.msk [tilespmem:v13+s25+$0x0], $0xffff  }
0x197: {  	v7 =	vadd.f32 v8, v7;
	v8 =	vmul.f32 v12, v16;
	v12 =	vld.idx.msk [tilespmem:v13+s26+$0x0], $0xffff;
	v13 =	vor.u32 $0x19, v6  }
0x198: {  	v16 =	vld.idx.msk [tilespmem:v14+s25+$0x0], $0xffff  }
0x199: {  	v7 =	vadd.f32 v8, v7;
	v8 =	vmul.f32 v9, v17;
	v9 =	vld.idx.msk [tilespmem:v14+s26+$0x0], $0xffff;
	v14 =	vor.u32 $0x1A, v6  }
0x19a: {  	v17 =	vld.idx.msk [tilespmem:v11+s25+$0x0], $0xffff  }
0x19b: {  	v7 =	vadd.f32 v8, v7;
	v8 =	vmul.f32 v10, v18;
	v10 =	vld.idx.msk [tilespmem:v11+s26+$0x0], $0xffff;
	v11 =	vor.u32 $0x1B, v6  }
0x19c: {  	v18 =	vld.idx.msk [tilespmem:v13+s25+$0x0], $0xffff  }
0x19d: {  	v7 =	vadd.f32 v8, v7;
	v8 =	vmul.f32 v12, v15;
	v12 =	vld.idx.msk [tilespmem:v13+s26+$0x0], $0xffff;
	v13 =	vor.u32 $0x1C, v6  }
0x19e: {  	v15 =	vld.idx.msk [tilespmem:v14+s25+$0x0], $0xffff  }
0x19f: {  	v7 =	vadd.f32 v8, v7;
	v8 =	vmul.f32 v9, v16;
	v9 =	vld.idx.msk [tilespmem:v14+s26+$0x0], $0xffff;
	v14 =	vor.u32 $0x1D, v6  }
0x1a0: {  	v16 =	vld.idx.msk [tilespmem:v11+s25+$0x0], $0xffff  }
0x1a1: {  	v7 =	vadd.f32 v8, v7;
	v8 =	vmul.f32 v10, v17;
	v10 =	vld.idx.msk [tilespmem:v11+s26+$0x0], $0xffff;
	v11 =	vor.u32 $0x1E, v6  }
0x1a2: {  	v17 =	vld.idx.msk [tilespmem:v13+s25+$0x0], $0xffff  }
0x1a3: {  	v7 =	vadd.f32 v8, v7;
	v8 =	vmul.f32 v12, v18;
	v12 =	vld.idx.msk [tilespmem:v13+s26+$0x0], $0xffff;
	v13 =	vor.u32 $0x1F, v6  }
0x1a4: {  	v18 =	vld.idx.msk [tilespmem:v14+s25+$0x0], $0xffff  }
0x1a5: {  	v7 =	vadd.f32 v8, v7;
	v8 =	vmul.f32 v9, v15;
	v9 =	vld.idx.msk [tilespmem:v14+s26+$0x0], $0xffff;
	v14 =	vor.u32 $0x20, v6  }
0x1a6: {  	v15 =	vld.idx.msk [tilespmem:v11+s25+$0x0], $0xffff  }
0x1a7: {  	v7 =	vadd.f32 v8, v7;
	v8 =	vmul.f32 v10, v16;
	v10 =	vld.idx.msk [tilespmem:v11+s26+$0x0], $0xffff;
	v11 =	vor.u32 $0x21, v6  }
0x1a8: {  	v16 =	vld.idx.msk [tilespmem:v13+s25+$0x0], $0xffff  }
0x1a9: {  	v7 =	vadd.f32 v8, v7;
	v8 =	vmul.f32 v12, v17;
	v12 =	vld.idx.msk [tilespmem:v13+s26+$0x0], $0xffff;
	v13 =	vor.u32 $0x22, v6  }
0x1aa: {  	v17 =	vld.idx.msk [tilespmem:v14+s25+$0x0], $0xffff  }
0x1ab: {  	v7 =	vadd.f32 v8, v7;
	v8 =	vmul.f32 v9, v18;
	v9 =	vld.idx.msk [tilespmem:v14+s26+$0x0], $0xffff;
	v14 =	vor.u32 $0x23, v6  }
0x1ac: {  	v18 =	vld.idx.msk [tilespmem:v11+s25+$0x0], $0xffff  }
0x1ad: {  	v7 =	vadd.f32 v8, v7;
	v8 =	vmul.f32 v10, v15;
	v10 =	vld.idx.msk [tilespmem:v11+s26+$0x0], $0xffff;
	v11 =	vor.u32 $0x24, v6  }
0x1ae: {  	v15 =	vld.idx.msk [tilespmem:v13+s25+$0x0], $0xffff  }
0x1af: {  	v7 =	vadd.f32 v8, v7;
	v8 =	vmul.f32 v12, v16;
	v12 =	vld.idx.msk [tilespmem:v13+s26+$0x0], $0xffff;
	v13 =	vor.u32 $0x25, v6  }
0x1b0: {  	v16 =	vld.idx.msk [tilespmem:v14+s25+$0x0], $0xffff  }
0x1b1: {  	v7 =	vadd.f32 v8, v7;
	v8 =	vmul.f32 v9, v17;
	v9 =	vld.idx.msk [tilespmem:v14+s26+$0x0], $0xffff;
	v14 =	vor.u32 $0x26, v6  }
0x1b2: {  	v17 =	vld.idx.msk [tilespmem:v11+s25+$0x0], $0xffff  }
0x1b3: {  	v7 =	vadd.f32 v8, v7;
	v8 =	vmul.f32 v10, v18;
	v10 =	vld.idx.msk [tilespmem:v11+s26+$0x0], $0xffff;
	v11 =	vor.u32 $0x27, v6  }
0x1b4: {  	v18 =	vld.idx.msk [tilespmem:v13+s25+$0x0], $0xffff  }
0x1b5: {  	v7 =	vadd.f32 v8, v7;
	v8 =	vmul.f32 v12, v15;
	v12 =	vld.idx.msk [tilespmem:v13+s26+$0x0], $0xffff;
	v13 =	vor.u32 $0x28, v6  }
0x1b6: {  	v15 =	vld.idx.msk [tilespmem:v14+s25+$0x0], $0xffff  }
0x1b7: {  	v7 =	vadd.f32 v8, v7;
	v8 =	vmul.f32 v9, v16;
	v9 =	vld.idx.msk [tilespmem:v14+s26+$0x0], $0xffff;
	v14 =	vor.u32 $0x29, v6  }
0x1b8: {  	v16 =	vld.idx.msk [tilespmem:v11+s25+$0x0], $0xffff  }
0x1b9: {  	v7 =	vadd.f32 v8, v7;
	v8 =	vmul.f32 v10, v17;
	v10 =	vld.idx.msk [tilespmem:v11+s26+$0x0], $0xffff;
	v11 =	vor.u32 $0x2A, v6  }
0x1ba: {  	v17 =	vld.idx.msk [tilespmem:v13+s25+$0x0], $0xffff  }
0x1bb: {  	v7 =	vadd.f32 v8, v7;
	v8 =	vmul.f32 v12, v18;
	v12 =	vld.idx.msk [tilespmem:v13+s26+$0x0], $0xffff;
	v13 =	vor.u32 $0x2B, v6  }
0x1bc: {  	v18 =	vld.idx.msk [tilespmem:v14+s25+$0x0], $0xffff  }
0x1bd: {  	v7 =	vadd.f32 v8, v7;
	v8 =	vmul.f32 v9, v15;
	v9 =	vld.idx.msk [tilespmem:v14+s26+$0x0], $0xffff;
	v14 =	vor.u32 $0x2C, v6  }
0x1be: {  	v15 =	vld.idx.msk [tilespmem:v11+s25+$0x0], $0xffff  }
0x1bf: {  	v7 =	vadd.f32 v8, v7;
	v8 =	vmul.f32 v10, v16;
	v10 =	vld.idx.msk [tilespmem:v11+s26+$0x0], $0xffff;
	v11 =	vor.u32 $0x2D, v6  }
0x1c0: {  	v16 =	vld.idx.msk [tilespmem:v13+s25+$0x0], $0xffff  }
0x1c1: {  	v7 =	vadd.f32 v8, v7;
	v8 =	vmul.f32 v12, v17;
	v12 =	vld.idx.msk [tilespmem:v13+s26+$0x0], $0xffff;
	v13 =	vor.u32 $0x2E, v6  }
0x1c2: {  	v17 =	vld.idx.msk [tilespmem:v14+s25+$0x0], $0xffff  }
0x1c3: {  	v7 =	vadd.f32 v8, v7;
	v8 =	vmul.f32 v9, v18;
	v9 =	vld.idx.msk [tilespmem:v14+s26+$0x0], $0xffff;
	v14 =	vor.u32 $0x2F, v6  }
0x1c4: {  	v18 =	vld.idx.msk [tilespmem:v11+s25+$0x0], $0xffff  }
0x1c5: {  	v7 =	vadd.f32 v8, v7;
	v8 =	vmul.f32 v10, v15;
	v10 =	vld.idx.msk [tilespmem:v11+s26+$0x0], $0xffff;
	v11 =	vor.u32 $0x30, v6  }
0x1c6: {  	v15 =	vld.idx.msk [tilespmem:v13+s25+$0x0], $0xffff  }
0x1c7: {  	v7 =	vadd.f32 v8, v7;
	v8 =	vmul.f32 v12, v16;
	v12 =	vld.idx.msk [tilespmem:v13+s26+$0x0], $0xffff;
	v13 =	vor.u32 $0x31, v6  }
0x1c8: {  	v16 =	vld.idx.msk [tilespmem:v14+s25+$0x0], $0xffff  }
0x1c9: {  	v7 =	vadd.f32 v8, v7;
	v8 =	vmul.f32 v9, v17;
	v9 =	vld.idx.msk [tilespmem:v14+s26+$0x0], $0xffff;
	v14 =	vor.u32 $0x32, v6  }
0x1ca: {  	v17 =	vld.idx.msk [tilespmem:v11+s25+$0x0], $0xffff  }
0x1cb: {  	v7 =	vadd.f32 v8, v7;
	v8 =	vmul.f32 v10, v18;
	v10 =	vld.idx.msk [tilespmem:v11+s26+$0x0], $0xffff;
	v11 =	vor.u32 $0x33, v6  }
0x1cc: {  	v18 =	vld.idx.msk [tilespmem:v13+s25+$0x0], $0xffff  }
0x1cd: {  	v7 =	vadd.f32 v8, v7;
	v8 =	vmul.f32 v12, v15;
	v12 =	vld.idx.msk [tilespmem:v13+s26+$0x0], $0xffff;
	v13 =	vor.u32 $0x34, v6  }
0x1ce: {  	v15 =	vld.idx.msk [tilespmem:v14+s25+$0x0], $0xffff  }
0x1cf: {  	v7 =	vadd.f32 v8, v7;
	v8 =	vmul.f32 v9, v16;
	v9 =	vld.idx.msk [tilespmem:v14+s26+$0x0], $0xffff;
	v14 =	vor.u32 $0x35, v6  }
0x1d0: {  	v16 =	vld.idx.msk [tilespmem:v11+s25+$0x0], $0xffff  }
0x1d1: {  	v7 =	vadd.f32 v8, v7;
	v8 =	vmul.f32 v10, v17;
	v10 =	vld.idx.msk [tilespmem:v11+s26+$0x0], $0xffff;
	v11 =	vor.u32 $0x36, v6  }
0x1d2: {  	v17 =	vld.idx.msk [tilespmem:v13+s25+$0x0], $0xffff  }
0x1d3: {  	v7 =	vadd.f32 v8, v7;
	v8 =	vmul.f32 v12, v18;
	v12 =	vld.idx.msk [tilespmem:v13+s26+$0x0], $0xffff;
	v13 =	vor.u32 $0x37, v6  }
0x1d4: {  	v18 =	vld.idx.msk [tilespmem:v14+s25+$0x0], $0xffff  }
0x1d5: {  	v7 =	vadd.f32 v8, v7;
	v8 =	vmul.f32 v9, v15;
	v9 =	vld.idx.msk [tilespmem:v14+s26+$0x0], $0xffff;
	v14 =	vor.u32 $0x38, v6  }
0x1d6: {  	v15 =	vld.idx.msk [tilespmem:v11+s25+$0x0], $0xffff  }
0x1d7: {  	v7 =	vadd.f32 v8, v7;
	v8 =	vmul.f32 v10, v16;
	v10 =	vld.idx.msk [tilespmem:v11+s26+$0x0], $0xffff;
	v11 =	vor.u32 $0x39, v6  }
0x1d8: {  	v16 =	vld.idx.msk [tilespmem:v13+s25+$0x0], $0xffff  }
0x1d9: {  	v7 =	vadd.f32 v8, v7;
	v8 =	vmul.f32 v12, v17;
	v12 =	vld.idx.msk [tilespmem:v13+s26+$0x0], $0xffff;
	v13 =	vor.u32 $0x3A, v6  }
0x1da: {  	v17 =	vld.idx.msk [tilespmem:v14+s25+$0x0], $0xffff  }
0x1db: {  	v7 =	vadd.f32 v8, v7;
	v8 =	vmul.f32 v9, v18;
	v9 =	vld.idx.msk [tilespmem:v14+s26+$0x0], $0xffff;
	v14 =	vor.u32 $0x3B, v6  }
0x1dc: {  	v18 =	vld.idx.msk [tilespmem:v11+s25+$0x0], $0xffff  }
0x1dd: {  	v7 =	vadd.f32 v8, v7;
	v8 =	vmul.f32 v10, v15;
	v10 =	vld.idx.msk [tilespmem:v11+s26+$0x0], $0xffff;
	v11 =	vor.u32 $0x3C, v6  }
0x1de: {  	v15 =	vld.idx.msk [tilespmem:v13+s25+$0x0], $0xffff  }
0x1df: {  	v7 =	vadd.f32 v8, v7;
	v8 =	vmul.f32 v12, v16;
	v12 =	vld.idx.msk [tilespmem:v13+s26+$0x0], $0xffff;
	v13 =	vor.u32 $0x3D, v6  }
0x1e0: {  	v16 =	vld.idx.msk [tilespmem:v14+s25+$0x0], $0xffff  }
0x1e1: {  	v7 =	vadd.f32 v8, v7;
	v8 =	vmul.f32 v9, v17;
	v9 =	vld.idx.msk [tilespmem:v14+s26+$0x0], $0xffff;
	v14 =	vor.u32 $0x3E, v6  }
0x1e2: {  	v17 =	vld.idx.msk [tilespmem:v11+s25+$0x0], $0xffff  }
0x1e3: {  	v6 =	vor.u32 $0x3F, v6;
	v7 =	vadd.f32 v8, v7;
	v8 =	vmul.f32 v10, v18;
	v10 =	vld.idx.msk [tilespmem:v11+s26+$0x0], $0xffff  }
0x1e4: {  	v3 =	vshll.u32 v3, $0xB;
	v11 =	vld.idx.msk [tilespmem:v13+s25+$0x0], $0xffff  }
0x1e5: {  	v2 =	vshll.u32 v2, $0x4;
	v7 =	vadd.f32 v8, v7;
	v8 =	vmul.f32 v12, v15;
	v12 =	vld.idx.msk [tilespmem:v13+s26+$0x0], $0xffff  }
0x1e6: {  	v2 =	vor.u32 v3, v2;
	v13 =	vld.idx.msk [tilespmem:v14+s25+$0x0], $0xffff  }
0x1e7: {  	v5 =	vand.u32 $0xF, v5;
	v3 =	vadd.f32 v8, v7;
	v7 =	vmul.f32 v9, v16;
	v8 =	vld.idx.msk [tilespmem:v14+s26+$0x0], $0xffff  }
0x1e8: {  	v5 =	vor.u32 v2, v5;
	v9 =	vld.idx.msk [tilespmem:v6+s25+$0x0], $0xffff  }
0x1e9: {  	v4 =	vand.u32 $0xF, v4;
	v3 =	vadd.f32 v7, v3;
	v7 =	vmul.f32 v10, v17;
	v6 =	vld.idx.msk [tilespmem:v6+s26+$0x0], $0xffff  }
0x1ea: {  	v2 =	vor.u32 v2, v4  }
0x1eb: {  	v3 =	vadd.f32 v7, v3;
	v4 =	vmul.f32 v12, v11;
	_ =	sdelay $0x1  }
0x1ec: {  	v3 =	vadd.f32 v4, v3;
	v4 =	vmul.f32 v8, v13;
	v5 =	vld.idx.msk [tilespmem:v5+s29+$0x0], $0xffff;
	_ =	sdelay $0x1  }
0x1ed: {  	v3 =	vadd.f32 v4, v3;
	v4 =	vmul.f32 v6, v9;
	v2 =	vld.idx.msk [tilespmem:v2+s31+$0x0], $0xffff;
	_ =	sdelay $0x1  }
0x1ee: {  	v3 =	vadd.f32 v4, v3;
	_ =	sdelay $0x1  }
0x1ef: {  	v3 =	vadd.f32 v5, v3;
	_ =	sdelay $0x1  }
0x1f0: {  	v2 =	vadd.f32 v2, v3;
	_ =	sdelay $0x1  }
0x1f1: {  	v2 =	vsub.f32 $0.0e+00, v2;
	_ =	sdelay $0x1  }
0x1f2: {  	v2 =	vmul.f32 $1.442695020e+00, v2;
	_ =	sdelay $0x1  }
0x1f3: {  	(erf) = vpow2.f32 v2;
	_ =	sdelay $0x8  }
0x1f4: {  	v2 =	vpop (erf)  }
0x1f5: {  	v2 =	vadd.f32 $1.000000000e+00, v2;
	_ =	sdelay $0x1  }
0x1f6: {  	(erf) = vrcp.f32 v2  }
0x1f7: {  	s19 =	sadd.s32 $0x10, s19  }
.Ltmp0:
0x1f8: {  	s21 =	sshrl.u32 s20, $0x3;
	s22 =	sand.u32 $0x70, s19;
	(pc) =	sbr.rel @p0 .LBB2_2-.Ltmp0, $4  }
0x1f9: {  	v3 =	vmov s21;
	v2 =	vor.u32 s22, v0  }
0x1fa: {  	v5 =	vshll.u32 v3, $0x7;
	v4 =	vand.u32 $0x78, v2  }
0x1fb: {  	v5 =	vor.u32 v5, v4;
	v4 =	vor.u32 s3, v0;
	s3 =	smov.u32 s19  }
0x1fc: {  	s20 =	sadd.s32 $0x1, s20;
	v5 =	vor.u32 v1, v5  }
0x1fd: {  	_ = 	snop  }
0x1fe: {  	v6 =	vshll.u32 v3, $0xD;
	v7 =	vshll.u32 v2, $0x6  }
0x1ff: {  	v6 =	vor.u32 v6, v7  }
0x200: {  	v46 =	vpop (erf)  }
0x201: {  	v8 =	vor.u32 $0x1, v6;
	[tilespmem:v4+s28+$0x0] =	vst.idx.msk $0xffff, v46  }
0x202: {  	v4 =	vld.idx.msk [tilespmem:v5+s17+$0x0], $0xffff  }
0x203: {  	v47 =	vor.u32 $0x2, v6;
	v5 =	vld.idx.msk [tilespmem:v5+s2+$0x0], $0xffff  }
0x204: {  	v9 =	vld.idx.msk [tilespmem:v6+s26+$0x0], $0xffff  }
0x205: {  	v11 =	vor.u32 $0x3, v6;
	v10 =	vld.idx.msk [tilespmem:v6+s25+$0x0], $0xffff  }
0x206: {  	v12 =	vld.idx.msk [tilespmem:v8+s25+$0x0], $0xffff  }
0x207: {  	v13 =	vor.u32 $0x4, v6;
	v8 =	vld.idx.msk [tilespmem:v8+s26+$0x0], $0xffff  }
0x208: {  	v14 =	vld.idx.msk [tilespmem:v47+s25+$0x0], $0xffff  }
0x209: {  	v15 =	vor.u32 $0x5, v6;
	v7 =	vld.idx.msk [tilespmem:v47+s26+$0x0], $0xffff  }
0x20a: {  	v16 =	vld.idx.msk [tilespmem:v11+s25+$0x0], $0xffff;
	v9 =	vmul.f32 v9, v10  }
0x20b: {  	v49 =	vor.u32 $0x6, v6;
	v48 =	vld.idx.msk [tilespmem:v11+s26+$0x0], $0xffff  }
0x20c: {  	v17 =	vld.idx.msk [tilespmem:v13+s25+$0x0], $0xffff;
	v8 =	vmul.f32 v8, v12;
	v9 =	vadd.f32 $0.0e+00, v9  }
0x20d: {  	v51 =	vor.u32 $0x7, v6;
	v50 =	vld.idx.msk [tilespmem:v13+s26+$0x0], $0xffff  }
0x20e: {  	v18 =	vld.idx.msk [tilespmem:v15+s25+$0x0], $0xffff;
	v7 =	vmul.f32 v7, v14;
	v8 =	vadd.f32 v8, v9  }
0x20f: {  	v53 =	vor.u32 $0x8, v6;
	v52 =	vld.idx.msk [tilespmem:v15+s26+$0x0], $0xffff  }
0x210: {  	v54 =	vld.idx.msk [tilespmem:v49+s25+$0x0], $0xffff;
	v55 =	vmul.f32 v48, v16;
	v7 =	vadd.f32 v7, v8  }
0x211: {  	v57 =	vor.u32 $0x9, v6;
	v56 =	vld.idx.msk [tilespmem:v49+s26+$0x0], $0xffff  }
0x212: {  	v58 =	vld.idx.msk [tilespmem:v51+s25+$0x0], $0xffff;
	v59 =	vmul.f32 v50, v17;
	v7 =	vadd.f32 v55, v7  }
0x213: {  	v61 =	vor.u32 $0xA, v6;
	v60 =	vld.idx.msk [tilespmem:v51+s26+$0x0], $0xffff  }
0x214: {  	v62 =	vld.idx.msk [tilespmem:v53+s25+$0x0], $0xffff;
	v63 =	vmul.f32 v52, v18;
	v7 =	vadd.f32 v59, v7  }
0x215: {  	v22 =	vor.u32 $0xB, v6;
	v21 =	vld.idx.msk [tilespmem:v53+s26+$0x0], $0xffff  }
0x216: {  	v23 =	vld.idx.msk [tilespmem:v57+s25+$0x0], $0xffff;
	v24 =	vmul.f32 v56, v54;
	v7 =	vadd.f32 v63, v7  }
0x217: {  	v26 =	vor.u32 $0xC, v6;
	v25 =	vld.idx.msk [tilespmem:v57+s26+$0x0], $0xffff  }
0x218: {  	v27 =	vld.idx.msk [tilespmem:v61+s25+$0x0], $0xffff;
	v28 =	vmul.f32 v60, v58;
	v7 =	vadd.f32 v24, v7  }
0x219: {  	v30 =	vor.u32 $0xD, v6;
	v29 =	vld.idx.msk [tilespmem:v61+s26+$0x0], $0xffff  }
0x21a: {  	v31 =	vld.idx.msk [tilespmem:v22+s25+$0x0], $0xffff;
	v32 =	vmul.f32 v21, v62;
	v7 =	vadd.f32 v28, v7  }
0x21b: {  	v34 =	vor.u32 $0xE, v6;
	v33 =	vld.idx.msk [tilespmem:v22+s26+$0x0], $0xffff  }
0x21c: {  	v35 =	vld.idx.msk [tilespmem:v26+s25+$0x0], $0xffff;
	v36 =	vmul.f32 v25, v23;
	v7 =	vadd.f32 v32, v7  }
0x21d: {  	v38 =	vor.u32 $0xF, v6;
	v37 =	vld.idx.msk [tilespmem:v26+s26+$0x0], $0xffff  }
0x21e: {  	v39 =	vld.idx.msk [tilespmem:v30+s25+$0x0], $0xffff;
	v40 =	vmul.f32 v29, v27;
	v7 =	vadd.f32 v36, v7  }
0x21f: {  	v42 =	vor.u32 $0x10, v6;
	v41 =	vld.idx.msk [tilespmem:v30+s26+$0x0], $0xffff  }
0x220: {  	v43 =	vld.idx.msk [tilespmem:v34+s25+$0x0], $0xffff;
	v44 =	vmul.f32 v33, v31;
	v7 =	vadd.f32 v40, v7  }
0x221: {  	v46 =	vor.u32 $0x11, v6;
	v45 =	vld.idx.msk [tilespmem:v34+s26+$0x0], $0xffff  }
0x222: {  	v47 =	vld.idx.msk [tilespmem:v38+s25+$0x0], $0xffff;
	v48 =	vmul.f32 v37, v35;
	v7 =	vadd.f32 v44, v7  }
0x223: {  	v49 =	vld.idx.msk [tilespmem:v38+s26+$0x0], $0xffff;
	v50 =	vor.u32 $0x12, v6  }
0x224: {  	v51 =	vld.idx.msk [tilespmem:v42+s25+$0x0], $0xffff;
	v52 =	vmul.f32 v41, v39;
	v7 =	vadd.f32 v48, v7  }
0x225: {  	v53 =	vld.idx.msk [tilespmem:v42+s26+$0x0], $0xffff;
	v54 =	vor.u32 $0x13, v6  }
0x226: {  	v57 =	vld.idx.msk [tilespmem:v46+s26+$0x0], $0xffff;
	v56 =	vmul.f32 v45, v43;
	v7 =	vadd.f32 v52, v7  }
0x227: {  	v58 =	vor.u32 $0x14, v6;
	v55 =	vld.idx.msk [tilespmem:v46+s25+$0x0], $0xffff  }
0x228: {  	v60 =	vmul.f32 v49, v47;
	v61 =	vld.idx.msk [tilespmem:v50+s26+$0x0], $0xffff;
	v7 =	vadd.f32 v56, v7  }
0x229: {  	v62 =	vor.u32 $0x15, v6;
	v59 =	vld.idx.msk [tilespmem:v50+s25+$0x0], $0xffff  }
0x22a: {  	v20 =	vmul.f32 v53, v51;
	v21 =	vld.idx.msk [tilespmem:v54+s26+$0x0], $0xffff;
	v7 =	vadd.f32 v60, v7  }
0x22b: {  	v22 =	vor.u32 $0x16, v6;
	v63 =	vld.idx.msk [tilespmem:v54+s25+$0x0], $0xffff  }
0x22c: {  	v23 =	vld.idx.msk [tilespmem:v58+s25+$0x0], $0xffff;
	v24 =	vmul.f32 v57, v55;
	v7 =	vadd.f32 v20, v7  }
0x22d: {  	v26 =	vor.u32 $0x17, v6;
	v25 =	vld.idx.msk [tilespmem:v58+s26+$0x0], $0xffff  }
0x22e: {  	v27 =	vld.idx.msk [tilespmem:v62+s25+$0x0], $0xffff;
	v28 =	vmul.f32 v61, v59;
	v7 =	vadd.f32 v24, v7  }
0x22f: {  	v30 =	vor.u32 $0x18, v6;
	v29 =	vld.idx.msk [tilespmem:v62+s26+$0x0], $0xffff  }
0x230: {  	v31 =	vld.idx.msk [tilespmem:v22+s25+$0x0], $0xffff;
	v32 =	vmul.f32 v21, v63;
	v7 =	vadd.f32 v28, v7  }
0x231: {  	v34 =	vor.u32 $0x19, v6;
	v33 =	vld.idx.msk [tilespmem:v22+s26+$0x0], $0xffff  }
0x232: {  	v35 =	vld.idx.msk [tilespmem:v26+s25+$0x0], $0xffff;
	v36 =	vmul.f32 v25, v23;
	v7 =	vadd.f32 v32, v7  }
0x233: {  	v38 =	vor.u32 $0x1A, v6;
	v37 =	vld.idx.msk [tilespmem:v26+s26+$0x0], $0xffff  }
0x234: {  	v39 =	vld.idx.msk [tilespmem:v30+s25+$0x0], $0xffff;
	v40 =	vmul.f32 v29, v27;
	v7 =	vadd.f32 v36, v7  }
0x235: {  	v42 =	vor.u32 $0x1B, v6;
	v41 =	vld.idx.msk [tilespmem:v30+s26+$0x0], $0xffff  }
0x236: {  	v43 =	vld.idx.msk [tilespmem:v34+s25+$0x0], $0xffff;
	v44 =	vmul.f32 v33, v31;
	v7 =	vadd.f32 v40, v7  }
0x237: {  	v45 =	vld.idx.msk [tilespmem:v34+s26+$0x0], $0xffff;
	v46 =	vor.u32 $0x1C, v6  }
0x238: {  	v47 =	vld.idx.msk [tilespmem:v38+s25+$0x0], $0xffff;
	v48 =	vmul.f32 v37, v35;
	v7 =	vadd.f32 v44, v7  }
0x239: {  	v49 =	vld.idx.msk [tilespmem:v38+s26+$0x0], $0xffff;
	v50 =	vor.u32 $0x1D, v6  }
0x23a: {  	v51 =	vld.idx.msk [tilespmem:v42+s25+$0x0], $0xffff;
	v52 =	vmul.f32 v41, v39;
	v7 =	vadd.f32 v48, v7  }
0x23b: {  	v53 =	vld.idx.msk [tilespmem:v42+s26+$0x0], $0xffff;
	v54 =	vor.u32 $0x1E, v6  }
0x23c: {  	v55 =	vld.idx.msk [tilespmem:v46+s25+$0x0], $0xffff;
	v56 =	vmul.f32 v45, v43;
	v7 =	vadd.f32 v52, v7  }
0x23d: {  	v58 =	vor.u32 $0x1F, v6;
	v57 =	vld.idx.msk [tilespmem:v46+s26+$0x0], $0xffff  }
0x23e: {  	v59 =	vld.idx.msk [tilespmem:v50+s25+$0x0], $0xffff;
	v60 =	vmul.f32 v49, v47;
	v7 =	vadd.f32 v56, v7  }
0x23f: {  	v62 =	vor.u32 $0x20, v6;
	v61 =	vld.idx.msk [tilespmem:v50+s26+$0x0], $0xffff  }
0x240: {  	v63 =	vld.idx.msk [tilespmem:v54+s25+$0x0], $0xffff;
	v20 =	vmul.f32 v53, v51;
	v7 =	vadd.f32 v60, v7  }
0x241: {  	v22 =	vor.u32 $0x21, v6;
	v21 =	vld.idx.msk [tilespmem:v54+s26+$0x0], $0xffff  }
0x242: {  	v23 =	vld.idx.msk [tilespmem:v58+s25+$0x0], $0xffff;
	v24 =	vmul.f32 v57, v55;
	v7 =	vadd.f32 v20, v7  }
0x243: {  	v26 =	vor.u32 $0x22, v6;
	v25 =	vld.idx.msk [tilespmem:v58+s26+$0x0], $0xffff  }
0x244: {  	v27 =	vld.idx.msk [tilespmem:v62+s25+$0x0], $0xffff;
	v28 =	vmul.f32 v61, v59;
	v7 =	vadd.f32 v24, v7  }
0x245: {  	v30 =	vor.u32 $0x23, v6;
	v29 =	vld.idx.msk [tilespmem:v62+s26+$0x0], $0xffff  }
0x246: {  	v31 =	vld.idx.msk [tilespmem:v22+s25+$0x0], $0xffff;
	v32 =	vmul.f32 v21, v63;
	v7 =	vadd.f32 v28, v7  }
0x247: {  	v34 =	vor.u32 $0x24, v6;
	v33 =	vld.idx.msk [tilespmem:v22+s26+$0x0], $0xffff  }
0x248: {  	v35 =	vld.idx.msk [tilespmem:v26+s25+$0x0], $0xffff;
	v36 =	vmul.f32 v25, v23;
	v7 =	vadd.f32 v32, v7  }
0x249: {  	v38 =	vor.u32 $0x25, v6;
	v37 =	vld.idx.msk [tilespmem:v26+s26+$0x0], $0xffff  }
0x24a: {  	v39 =	vld.idx.msk [tilespmem:v30+s25+$0x0], $0xffff;
	v40 =	vmul.f32 v29, v27;
	v7 =	vadd.f32 v36, v7  }
0x24b: {  	v42 =	vor.u32 $0x26, v6;
	v41 =	vld.idx.msk [tilespmem:v30+s26+$0x0], $0xffff  }
0x24c: {  	v43 =	vld.idx.msk [tilespmem:v34+s25+$0x0], $0xffff;
	v44 =	vmul.f32 v33, v31;
	v7 =	vadd.f32 v40, v7  }
0x24d: {  	v46 =	vor.u32 $0x27, v6;
	v45 =	vld.idx.msk [tilespmem:v34+s26+$0x0], $0xffff  }
0x24e: {  	v47 =	vld.idx.msk [tilespmem:v38+s25+$0x0], $0xffff;
	v48 =	vmul.f32 v37, v35;
	v7 =	vadd.f32 v44, v7  }
0x24f: {  	v50 =	vor.u32 $0x28, v6;
	v49 =	vld.idx.msk [tilespmem:v38+s26+$0x0], $0xffff  }
0x250: {  	v51 =	vld.idx.msk [tilespmem:v42+s25+$0x0], $0xffff;
	v52 =	vmul.f32 v41, v39;
	v7 =	vadd.f32 v48, v7  }
0x251: {  	v54 =	vor.u32 $0x29, v6;
	v53 =	vld.idx.msk [tilespmem:v42+s26+$0x0], $0xffff  }
0x252: {  	v55 =	vld.idx.msk [tilespmem:v46+s25+$0x0], $0xffff;
	v56 =	vmul.f32 v45, v43;
	v7 =	vadd.f32 v52, v7  }
0x253: {  	v58 =	vor.u32 $0x2A, v6;
	v57 =	vld.idx.msk [tilespmem:v46+s26+$0x0], $0xffff  }
0x254: {  	v59 =	vld.idx.msk [tilespmem:v50+s25+$0x0], $0xffff;
	v60 =	vmul.f32 v49, v47;
	v7 =	vadd.f32 v56, v7  }
0x255: {  	v62 =	vor.u32 $0x2B, v6;
	v61 =	vld.idx.msk [tilespmem:v50+s26+$0x0], $0xffff  }
0x256: {  	v19 =	vmul.f32 v53, v51;
	v63 =	vld.idx.msk [tilespmem:v54+s25+$0x0], $0xffff;
	v7 =	vadd.f32 v60, v7  }
0x257: {  	v21 =	vor.u32 $0x2C, v6;
	v20 =	vld.idx.msk [tilespmem:v54+s26+$0x0], $0xffff  }
0x258: {  	v22 =	vld.idx.msk [tilespmem:v58+s25+$0x0], $0xffff;
	v23 =	vmul.f32 v57, v55;
	v7 =	vadd.f32 v19, v7  }
0x259: {  	v25 =	vor.u32 $0x2D, v6;
	v24 =	vld.idx.msk [tilespmem:v58+s26+$0x0], $0xffff  }
0x25a: {  	v26 =	vld.idx.msk [tilespmem:v62+s25+$0x0], $0xffff;
	v27 =	vmul.f32 v61, v59;
	v7 =	vadd.f32 v23, v7  }
0x25b: {  	v29 =	vor.u32 $0x2E, v6;
	v28 =	vld.idx.msk [tilespmem:v62+s26+$0x0], $0xffff  }
0x25c: {  	v30 =	vld.idx.msk [tilespmem:v21+s25+$0x0], $0xffff;
	v31 =	vmul.f32 v20, v63;
	v7 =	vadd.f32 v27, v7  }
0x25d: {  	v33 =	vor.u32 $0x2F, v6;
	v32 =	vld.idx.msk [tilespmem:v21+s26+$0x0], $0xffff  }
0x25e: {  	v34 =	vld.idx.msk [tilespmem:v25+s25+$0x0], $0xffff;
	v35 =	vmul.f32 v24, v22;
	v7 =	vadd.f32 v31, v7  }
0x25f: {  	v37 =	vor.u32 $0x30, v6;
	v36 =	vld.idx.msk [tilespmem:v25+s26+$0x0], $0xffff  }
0x260: {  	v38 =	vld.idx.msk [tilespmem:v29+s25+$0x0], $0xffff;
	v39 =	vmul.f32 v28, v26;
	v7 =	vadd.f32 v35, v7  }
0x261: {  	v41 =	vor.u32 $0x31, v6;
	v40 =	vld.idx.msk [tilespmem:v29+s26+$0x0], $0xffff  }
0x262: {  	v42 =	vld.idx.msk [tilespmem:v33+s25+$0x0], $0xffff;
	v43 =	vmul.f32 v32, v30;
	v7 =	vadd.f32 v39, v7  }
0x263: {  	v45 =	vor.u32 $0x32, v6;
	v44 =	vld.idx.msk [tilespmem:v33+s26+$0x0], $0xffff  }
0x264: {  	v46 =	vld.idx.msk [tilespmem:v37+s25+$0x0], $0xffff;
	v47 =	vmul.f32 v36, v34;
	v7 =	vadd.f32 v43, v7  }
0x265: {  	v49 =	vor.u32 $0x33, v6;
	v48 =	vld.idx.msk [tilespmem:v37+s26+$0x0], $0xffff  }
0x266: {  	v50 =	vld.idx.msk [tilespmem:v41+s25+$0x0], $0xffff;
	v51 =	vmul.f32 v40, v38;
	v7 =	vadd.f32 v47, v7  }
0x267: {  	v53 =	vor.u32 $0x34, v6;
	v52 =	vld.idx.msk [tilespmem:v41+s26+$0x0], $0xffff  }
0x268: {  	v54 =	vld.idx.msk [tilespmem:v45+s25+$0x0], $0xffff;
	v55 =	vmul.f32 v44, v42;
	v7 =	vadd.f32 v51, v7  }
0x269: {  	v57 =	vor.u32 $0x35, v6;
	v56 =	vld.idx.msk [tilespmem:v45+s26+$0x0], $0xffff  }
0x26a: {  	v58 =	vld.idx.msk [tilespmem:v49+s25+$0x0], $0xffff;
	v59 =	vmul.f32 v48, v46;
	v7 =	vadd.f32 v55, v7  }
0x26b: {  	v61 =	vor.u32 $0x36, v6;
	v60 =	vld.idx.msk [tilespmem:v49+s26+$0x0], $0xffff  }
0x26c: {  	v62 =	vld.idx.msk [tilespmem:v53+s25+$0x0], $0xffff;
	v63 =	vmul.f32 v52, v50;
	v7 =	vadd.f32 v59, v7  }
0x26d: {  	v21 =	vld.idx.msk [tilespmem:v53+s26+$0x0], $0xffff;
	v22 =	vor.u32 $0x37, v6  }
0x26e: {  	v25 =	vld.idx.msk [tilespmem:v57+s26+$0x0], $0xffff;
	v24 =	vmul.f32 v56, v54;
	v7 =	vadd.f32 v63, v7  }
0x26f: {  	v26 =	vor.u32 $0x38, v6;
	v23 =	vld.idx.msk [tilespmem:v57+s25+$0x0], $0xffff  }
0x270: {  	v29 =	vld.idx.msk [tilespmem:v61+s26+$0x0], $0xffff;
	v28 =	vmul.f32 v60, v58;
	v7 =	vadd.f32 v24, v7  }
0x271: {  	v30 =	vor.u32 $0x39, v6;
	v27 =	vld.idx.msk [tilespmem:v61+s25+$0x0], $0xffff  }
0x272: {  	v32 =	vmul.f32 v21, v62;
	v33 =	vld.idx.msk [tilespmem:v22+s26+$0x0], $0xffff;
	v7 =	vadd.f32 v28, v7  }
0x273: {  	v34 =	vor.u32 $0x3A, v6;
	v31 =	vld.idx.msk [tilespmem:v22+s25+$0x0], $0xffff  }
0x274: {  	v37 =	vld.idx.msk [tilespmem:v26+s26+$0x0], $0xffff;
	v36 =	vmul.f32 v25, v23;
	v7 =	vadd.f32 v32, v7  }
0x275: {  	v38 =	vor.u32 $0x3B, v6;
	v35 =	vld.idx.msk [tilespmem:v26+s25+$0x0], $0xffff  }
0x276: {  	v41 =	vld.idx.msk [tilespmem:v30+s26+$0x0], $0xffff;
	v40 =	vmul.f32 v29, v27;
	v7 =	vadd.f32 v36, v7  }
0x277: {  	v42 =	vor.u32 $0x3C, v6;
	v39 =	vld.idx.msk [tilespmem:v30+s25+$0x0], $0xffff  }
0x278: {  	v45 =	vld.idx.msk [tilespmem:v34+s26+$0x0], $0xffff;
	v44 =	vmul.f32 v33, v31;
	v7 =	vadd.f32 v40, v7  }
0x279: {  	v46 =	vor.u32 $0x3D, v6;
	v43 =	vld.idx.msk [tilespmem:v34+s25+$0x0], $0xffff  }
0x27a: {  	v49 =	vld.idx.msk [tilespmem:v38+s26+$0x0], $0xffff;
	v48 =	vmul.f32 v37, v35;
	v7 =	vadd.f32 v44, v7  }
0x27b: {  	v50 =	vor.u32 $0x3E, v6;
	v47 =	vld.idx.msk [tilespmem:v38+s25+$0x0], $0xffff  }
0x27c: {  	v53 =	vld.idx.msk [tilespmem:v42+s26+$0x0], $0xffff;
	v52 =	vmul.f32 v41, v39;
	v7 =	vadd.f32 v48, v7  }
0x27d: {  	v6 =	vor.u32 $0x3F, v6;
	v51 =	vld.idx.msk [tilespmem:v42+s25+$0x0], $0xffff  }
0x27e: {  	v54 =	vld.idx.msk [tilespmem:v46+s25+$0x0], $0xffff;
	v55 =	vmul.f32 v45, v43;
	v7 =	vadd.f32 v52, v7  }
0x27f: {  	v3 =	vshll.u32 v3, $0xB;
	v56 =	vld.idx.msk [tilespmem:v46+s26+$0x0], $0xffff  }
0x280: {  	v2 =	vshll.u32 v2, $0x4;
	v57 =	vld.idx.msk [tilespmem:v50+s25+$0x0], $0xffff;
	v58 =	vmul.f32 v49, v47;
	v7 =	vadd.f32 v55, v7  }
0x281: {  	v2 =	vor.u32 v3, v2;
	v5 =	vand.u32 $0xF, v5;
	v3 =	vld.idx.msk [tilespmem:v50+s26+$0x0], $0xffff  }
0x282: {  	v5 =	vor.u32 v2, v5;
	v59 =	vld.idx.msk [tilespmem:v6+s25+$0x0], $0xffff;
	v60 =	vmul.f32 v53, v51;
	v7 =	vadd.f32 v58, v7  }
0x283: {  	v4 =	vand.u32 $0xF, v4;
	v6 =	vld.idx.msk [tilespmem:v6+s26+$0x0], $0xffff  }
0x284: {  	v2 =	vor.u32 v2, v4;
	v62 =	vmul.f32 v56, v54;
	v61 =	vadd.f32 v60, v7;
	_ =	sdelay $0x1  }
0x285: {  	v3 =	vmul.f32 v3, v57;
	v4 =	vadd.f32 v62, v61  }
0x286: {  	v5 =	vld.idx.msk [tilespmem:v5+s29+$0x0], $0xffff  }
0x287: {  	v63 =	vmul.f32 v6, v59;
	v3 =	vadd.f32 v3, v4  }
0x288: {  	v2 =	vld.idx.msk [tilespmem:v2+s31+$0x0], $0xffff  }
0x289: {  	v3 =	vadd.f32 v63, v3;
	_ =	sdelay $0x1  }
0x28a: {  	v3 =	vadd.f32 v5, v3;
	_ =	sdelay $0x1  }
0x28b: {  	v2 =	vadd.f32 v2, v3;
	_ =	sdelay $0x1  }
0x28c: {  	v2 =	vsub.f32 $0.0e+00, v2;
	_ =	sdelay $0x1  }
0x28d: {  	v2 =	vmul.f32 $1.442695020e+00, v2;
	_ =	sdelay $0x1  }
0x28e: {  	(erf) = vpow2.f32 v2;
	_ =	sdelay $0x8  }
0x28f: {  	v2 =	vpop (erf)  }
0x290: {  	v2 =	vadd.f32 $1.000000000e+00, v2;
	_ =	sdelay $0x1  }
0x291: {  	(erf) = vrcp.f32 v2;
	_ =	sdelay $0x4  }
0x292: {  	v2 =	vor.u32 s3, v0;
	_ =	sdelay $0x2  }
0x293: {  	s0 =	sadd.s32 $0x1, s0  }
0x294: {  	p0 =	sne.s32 s0, s16;
	v3 =	vpop (erf)  }
.Ltmp1:
0x295: {  	[tilespmem:v2+s28+$0x0] =	vst.idx.msk $0xffff, v3;
	(pc) =	sbr.rel @p0 .LBB2_1-.Ltmp1, $4  }
0x296: {  	[hbm4b:s15+s2] =	stream.linear.scatter [tilespmem:s28], [sflag:$0x2], $0x200, $0x38;
	[tilespmem:$0x14A00] =	vst v63  }
0x297: {  	_ =	swait.ge [sflag:s30], $0x200  }
0x298: {  	[sflag:s30] =	ssyncset.done $0x0  }
0x299: {  	[sflag:s30] =	ssyncadd.s32 $0xFFFFFE00  }
0x29a: {  	_ =	sfence.sel $0x180000  }
0x29b: {  	[bflag:$0x0] =	sbarrier.arrive $0xFFFF  }
0x29c: {  	_ =	strace $0x90000047  }
0x29d: {  	s0 =	stileid.u32;
	[bflag:$0x2] =	sbarrier.arrive $0xFFFF  }
0x29e: {  	p0 =	sne.s32 s0, $0x0;
	s0 =	rddreg [dreg:$0x4]  }
0x29f: {  	s0 =	sadd.s32 @!p0 $0x100000, s0  }
0x2a0: {  	[sflag:s0] =	ssyncadd.tile.s32 @!p0 $0x1;
	_ =	shalt  }
.Lfunc_end2:
_tile_overlayer_lowered:
.L_overlay_start_2:
0x2a1: {  	(tag) =	ssettag $0x2  }
0x2a2: {  	s0 =	rddreg [dreg:$0x0];
	s2 =	stileid.u32  }
0x2a3: {  	s1 =	rddreg [dreg:$0x1];
	p0 =	sne.s32 s2, $0x0  }
0x2a4: {  	s3 =	rddreg [dreg:$0x2];
	[bflag:$0x3] =	sbarrier.arrive $0xFFFF;
	s2 =	simm.s32 @!p0 $0x1C02  }
0x2a5: {  	[timem:s3], [sflag:s2] =	dma.local @!p0 [hbm:s0], s1  }
0x2a6: {  	s0 =	simm.s32 @!p0 $0x2  }
0x2a7: {  	_ =	swait.ge @!p0 [sflag:s0], s1  }
0x2a8: {  	s1 =	ssub.s32 @!p0 $0x0, s1;
	[sflag:s0] =	ssyncset.done @!p0 $0x0  }
0x2a9: {  	[sflag:s0] =	ssyncadd.s32 @!p0 s1  }
0x2aa: {  	[bflag:$0x3] =	sbarrier.arrive $0xFFFF  }
0x2ab: {  	_ =	shalt  }

</sc_bundles>
